<compile_context>
chip_gen: v7x
topology: tpu7x:2x2x1
jax: 0.10.2.dev20260603
libtpu: 0.0.44.dev20260713+nightly
codegen_flags: <defaults>
</compile_context>

<pallas_src>
import functools

import jax
import jax.numpy as jnp
from jax import lax
from jax.experimental import pallas as pl
from jax.experimental.pallas import tpu as pltpu
from jax.experimental.pallas import tpu_sc as plsc

R = 16
D = R * R
NC, NS = 2, 16
NW = NC * NS
CH = 128
BB = 1024


def _permute_rows(src, dst, nrows):
    col_base = lax.iota(jnp.int32, R) * R
    lane = lax.iota(jnp.int32, R)

    def row(r, carry):
        rvec = jnp.full((R,), 0, jnp.int32) + r
        for i in range(R):
            v = plsc.load_gather(src, [rvec, col_base + i])
            plsc.store_scatter(dst, [rvec, lane + i * R], v)
        return carry

    lax.fori_loop(0, nrows, row, 0)


def _build_sc_gather_one(B, permute):
    b_per_w = B // NW
    nch = b_per_w // CH
    mesh = plsc.VectorSubcoreMesh(core_axis_name="c", subcore_axis_name="s")
    out_sds = jax.ShapeDtypeStruct((B, D), jnp.float32)

    @functools.partial(
        pl.kernel,
        out_type=out_sds,
        mesh=mesh,
        scratch_types=[
            pltpu.VMEM((b_per_w,), jnp.int32),
            pltpu.VMEM((CH, D), jnp.float32),
            pltpu.VMEM((CH, D), jnp.float32),
            pltpu.VMEM((CH, D), jnp.float32),
            pltpu.SemaphoreType.DMA,
            pltpu.SemaphoreType.DMA,
        ],
        compiler_params=pltpu.CompilerParams(
            use_tc_tiling_on_sc=True, needs_layout_passes=False),
    )
    def sc_gather(tab, idx_hbm, out, idx_v, buf_a, buf_b, buf_p, sem_a, sem_b):
        wid = lax.axis_index("s") * NC + lax.axis_index("c")
        base = wid * b_per_w
        pltpu.sync_copy(idx_hbm.at[pl.ds(base, b_per_w)], idx_v)

        bufs = (buf_a, buf_b)
        sems = (sem_a, sem_b)

        def issue(k):
            return pltpu.async_copy(
                tab.at[idx_v.at[pl.ds(k * CH, CH)]], bufs[k % 2], sems[k % 2])

        descs = [None] * nch
        descs[0] = issue(0)
        for k in range(nch):
            if k + 1 < nch:
                descs[k + 1] = issue(k + 1)
            descs[k].wait()
            src = bufs[k % 2]
            if permute:
                _permute_rows(src, buf_p, CH)
                src = buf_p
            pltpu.sync_copy(src, out.at[pl.ds(base + k * CH, CH)])

    return sc_gather


def _tc_body(g0_ref, g1_ref, g2_ref, s0_ref, s1_ref, out_ref):
    bb = g0_ref.shape[0]
    a0 = g0_ref[...] * s0_ref[0:1, :]
    a1 = g1_ref[...] * s1_ref[0:1, :]
    a2 = g2_ref[...]
    t0 = a0.T.reshape(R, R, bb)
    t1 = a1.T.reshape(R, R, bb)
    t2 = a2.T.reshape(R, R, bb)
    acc = [t0[:, j:j + 1, :] * t1[j:j + 1, :, :] for j in range(4)]
    for j in range(4, R):
        acc[j % 4] = acc[j % 4] + t0[:, j:j + 1, :] * t1[j:j + 1, :, :]
    m = (acc[0] + acc[1]) + (acc[2] + acc[3])
    out = jnp.sum(m * t2, axis=(0, 1))
    out_ref[...] = out.reshape(1, 1, bb)


def _tc_contract(g0, g1, g2p, s0, s1):
    B = g0.shape[0]
    nb = B // BB
    out = pl.pallas_call(
        _tc_body,
        grid=(nb,),
        in_specs=[
            pl.BlockSpec((BB, D), lambda i: (i, 0)),
            pl.BlockSpec((BB, D), lambda i: (i, 0)),
            pl.BlockSpec((BB, D), lambda i: (i, 0)),
            pl.BlockSpec((8, D), lambda i: (0, 0)),
            pl.BlockSpec((8, D), lambda i: (0, 0)),
        ],
        out_specs=pl.BlockSpec((1, 1, BB), lambda i: (i, 0, 0)),
        out_shape=jax.ShapeDtypeStruct((nb, 1, BB), jnp.float32),
    )(g0, g1, g2p, s0, s1)
    return out.reshape(B)


def kernel(core0, core1, core2, lam0, lam1, lam2, index):
    B = index.shape[0]
    dim = core0.shape[0]
    idx = index.astype(jnp.int32)
    i0, i1, i2 = idx[:, 0], idx[:, 1], idx[:, 2]
    c0 = core0.reshape(dim, D)
    c1 = core1.reshape(core1.shape[0], D)
    c2 = core2.reshape(core2.shape[0], D)

    g2p = _build_sc_gather_one(B, True)(c2, i2)
    gather = _build_sc_gather_one(B, False)
    g0 = gather(c0, i0)
    g1 = gather(c1, i1)

    s0 = jnp.broadcast_to((lam2[:, None] * lam0[None, :]).reshape(1, D), (8, D))
    s1 = jnp.broadcast_to(jnp.tile(lam1, R).reshape(1, D), (8, D))
    return _tc_contract(g0, g1, g2p, s0, s1)

# --- scband reference (transcript-rebuilt; emitter-appended) ---
"""Pipeline reference for scband-bayes-tensor-ring-81303730913631 (READ-ONLY COPY).

The authoritative reference and input builder live on the scoring server;
editing this copy changes nothing except your own understanding.
"""

import jax, jax.numpy as jnp
import numpy as np

DIMS = [100000, 100000, 100000]
RANK = [16, 16, 16]  # rank[d-1] x rank[d] per core, ring closure rank[-1]=rank[2]
BATCH = 16384


def setup_inputs(seed: int = 0) -> dict:
    key = jax.random.key(seed)
    ks = jax.random.split(key, 8)
    # cores[d]: (dims[d], rank[d-1], rank[d])  (ring: core0 uses rank[-1] on the left)
    core0 = jax.random.uniform(ks[0], (DIMS[0], RANK[-1], RANK[0]), dtype=jnp.float32) * 0.2
    core1 = jax.random.uniform(ks[1], (DIMS[1], RANK[0], RANK[1]), dtype=jnp.float32) * 0.2
    core2 = jax.random.uniform(ks[2], (DIMS[2], RANK[1], RANK[2]), dtype=jnp.float32) * 0.2
    # lambda_list[d]: (rank[d],) rank-sparsity weights (init to ones as in _init_priors)
    lam0 = jnp.ones((RANK[0],), dtype=jnp.float32)
    lam1 = jnp.ones((RANK[1],), dtype=jnp.float32)
    lam2 = jnp.ones((RANK[2],), dtype=jnp.float32)
    index = jax.random.randint(ks[3], (BATCH, 3), 0, DIMS[0]).astype(jnp.int64)
    return {"core0": core0, "core1": core1, "core2": core2,
            "lam0": lam0, "lam1": lam1, "lam2": lam2, "index": index}


def reference(core0, core1, core2, lam0, lam1, lam2, index):
    # full_tr_idx: evaluate tensor-ring entries at given indices.
    # result[b] = trace( G0[i0]*diag(lam0) @ G1[i1]*diag(lam1) @ G2[i2]*diag(lam2) )
    g0 = jnp.take(core0, index[:, 0], axis=0) * lam0[None, None, :]
    g1 = jnp.take(core1, index[:, 1], axis=0) * lam1[None, None, :]
    g2 = jnp.take(core2, index[:, 2], axis=0) * lam2[None, None, :]
    m = jnp.einsum('bij,bjk->bik', g0, g1)
    m = jnp.einsum('bij,bjk->bik', m, g2)
    out = jnp.trace(m, axis1=1, axis2=2)
    return out

if __name__ == "__main__":
    import jax
    _d = setup_inputs()
    print(jax.jit(kernel)(*tuple(_d.values())))

</pallas_src>

<mosaic_0001>
#map = affine_map<(d0, d1) -> (0, 0)>
#map1 = affine_map<(d0, d1) -> (0)>
module attributes {stable_mosaic.version = 14 : i64} {
  func.func @sc_gather(%arg0: i32, %arg1: i32, %arg2: memref<100000x256xf32, #tpu.memory_space<hbm>>, %arg3: memref<16384xi32, #tpu.memory_space<hbm>>, %arg4: memref<16384x256xf32, #tpu.memory_space<hbm>>, %arg5: memref<512xi32, #tpu.memory_space<vmem>>, %arg6: memref<128x256xf32, #tpu.memory_space<vmem>>, %arg7: memref<128x256xf32, #tpu.memory_space<vmem>>, %arg8: memref<128x256xf32, #tpu.memory_space<vmem>>, %arg9: memref<!tpu.dma_semaphore, #tpu.memory_space<semaphore_mem>>, %arg10: memref<!tpu.dma_semaphore, #tpu.memory_space<semaphore_mem>>) attributes {dimension_semantics = [#tpu.dimension_semantics<core_parallel>, #tpu.dimension_semantics<subcore_parallel>], iteration_bounds = array<i64: 2, 16>, scalar_prefetch = 0 : i64, scratch_operands = 6 : i64, tpu.core_type = #tpu.core_type<sc_vector_subcore>, window_params = [{transform_indices = #map}, {transform_indices = #map1}, {transform_indices = #map}]} {
    %mul3A = arith.constant 2 : i32
    %mul3A_0 = arith.muli %arg1, %mul3A : i32
    %add3A = arith.addi %mul3A_0, %arg0 : i32
    %mul3A_1 = arith.constant 512 : i32
    %mul3A_2 = arith.muli %add3A, %mul3A_1 : i32
    "tpu.region"() ({
      %run_scoped3A = tpu.sem_alloc : memref<!tpu.dma_semaphore, #tpu.memory_space<semaphore_mem>>
      %dma_start3A_91 = tpu.memref_slice %arg3[%mul3A_2] : memref<16384xi32, #tpu.memory_space<hbm>> -> memref<512xi32, #tpu.memory_space<hbm>>
      %dma_start3A_92 = tpu.memref_slice %arg3[%mul3A_2] : memref<16384xi32, #tpu.memory_space<hbm>> -> memref<512xi32, #tpu.memory_space<hbm>>
      tpu.enqueue_dma source(%dma_start3A_92 : memref<512xi32, #tpu.memory_space<hbm>>) target(%arg5 : memref<512xi32, #tpu.memory_space<vmem>>) target_semaphore(%run_scoped3A : memref<!tpu.dma_semaphore, #tpu.memory_space<semaphore_mem>>)
      %dma_wait3A_93 = tpu.memref_slice %arg3[%mul3A_2] : memref<16384xi32, #tpu.memory_space<hbm>> -> memref<512xi32, #tpu.memory_space<hbm>>
      %dma_wait3A_94 = tpu.memref_slice %arg3[%mul3A_2] : memref<16384xi32, #tpu.memory_space<hbm>> -> memref<512xi32, #tpu.memory_space<hbm>>
      tpu.wait_dma2 semaphore(%run_scoped3A : memref<!tpu.dma_semaphore, #tpu.memory_space<semaphore_mem>>) src(%dma_wait3A_94 : memref<512xi32, #tpu.memory_space<hbm>>) dst(%arg5 : memref<512xi32, #tpu.memory_space<vmem>>)
      tpu.yield
    }) : () -> ()
    %dma_start3A = arith.constant 0 : i32
    %dma_start3A_3 = tpu.memref_slice %arg5[%dma_start3A] : memref<512xi32, #tpu.memory_space<vmem>> -> memref<128xi32, #tpu.memory_space<vmem>>
    %dma_start3A_4 = arith.constant 0 : i32
    %dma_start3A_5 = arith.constant 0 : i32
    %dma_start3A_6 = tpu.memref_slice %arg2[%dma_start3A_4, %dma_start3A_5] : memref<100000x256xf32, #tpu.memory_space<hbm>> -> memref<100000x256xf32, #tpu.memory_space<hbm>>
    tpu.enqueue_indirect_dma source(%dma_start3A_6 : memref<100000x256xf32, #tpu.memory_space<hbm>>) target(%arg6 : memref<128x256xf32, #tpu.memory_space<vmem>>) offsets(%dma_start3A_3 : memref<128xi32, #tpu.memory_space<vmem>>) semaphore(%arg9 : memref<!tpu.dma_semaphore, #tpu.memory_space<semaphore_mem>>)
    %dma_start3A_7 = arith.constant 128 : i32
    %dma_start3A_8 = tpu.memref_slice %arg5[%dma_start3A_7] : memref<512xi32, #tpu.memory_space<vmem>> -> memref<128xi32, #tpu.memory_space<vmem>>
    %dma_start3A_9 = arith.constant 0 : i32
    %dma_start3A_10 = arith.constant 0 : i32
    %dma_start3A_11 = tpu.memref_slice %arg2[%dma_start3A_9, %dma_start3A_10] : memref<100000x256xf32, #tpu.memory_space<hbm>> -> memref<100000x256xf32, #tpu.memory_space<hbm>>
    tpu.enqueue_indirect_dma source(%dma_start3A_11 : memref<100000x256xf32, #tpu.memory_space<hbm>>) target(%arg7 : memref<128x256xf32, #tpu.memory_space<vmem>>) offsets(%dma_start3A_8 : memref<128xi32, #tpu.memory_space<vmem>>) semaphore(%arg10 : memref<!tpu.dma_semaphore, #tpu.memory_space<semaphore_mem>>)
    %dma_wait3A = arith.constant 0 : i32
    %dma_wait3A_12 = tpu.memref_slice %arg5[%dma_wait3A] : memref<512xi32, #tpu.memory_space<vmem>> -> memref<128xi32, #tpu.memory_space<vmem>>
    %dma_wait3A_13 = arith.constant 0 : i32
    %dma_wait3A_14 = arith.constant 0 : i32
    %dma_wait3A_15 = tpu.memref_slice %arg2[%dma_wait3A_13, %dma_wait3A_14] : memref<100000x256xf32, #tpu.memory_space<hbm>> -> memref<100000x256xf32, #tpu.memory_space<hbm>>
    tpu.wait_indirect_dma semaphore(%arg9 : memref<!tpu.dma_semaphore, #tpu.memory_space<semaphore_mem>>) src(%dma_wait3A_15 : memref<100000x256xf32, #tpu.memory_space<hbm>>) dst(%arg6 : memref<128x256xf32, #tpu.memory_space<vmem>>)
    %iota3A = tpu.iota {dimensions = array<i32: 0>} : vector<16xi32>
    %mul3A_16 = arith.constant 16 : i32
    %mul3A_17 = vector.broadcast %mul3A_16 : i32 to vector<16xi32>
    %mul3A_18 = arith.muli %iota3A, %mul3A_17 : vector<16xi32>
    %iota3A_19 = tpu.iota {dimensions = array<i32: 0>} : vector<16xi32>
    %scan3A = arith.constant 0 : i32
    %scan3A_20 = arith.constant 0 : i32
    %scan3A_21 = arith.constant 128 : i32
    %scan3A_22 = arith.addi %scan3A_20, %scan3A_21 : i32
    %scan3A_23 = arith.constant 1 : i32
    scf.for %scan3A_91 = %scan3A_20 to %scan3A_22 step %scan3A_23  : i32 {
      %broadcast_in_dim3A = arith.constant 0 : i32
      %broadcast_in_dim3A_92 = vector.broadcast %broadcast_in_dim3A : i32 to vector<16xi32>
      %add3A_93 = vector.broadcast %scan3A_91 : i32 to vector<16xi32>
      %add3A_94 = arith.addi %broadcast_in_dim3A_92, %add3A_93 : vector<16xi32>
      %add3A_95 = arith.constant 0 : i32
      %add3A_96 = vector.broadcast %add3A_95 : i32 to vector<16xi32>
      %add3A_97 = arith.addi %mul3A_18, %add3A_96 : vector<16xi32>
      %gather3A = tpu.vector_load_idx %arg6[%add3A_94, %add3A_97] : memref<128x256xf32, #tpu.memory_space<vmem>>[vector<16xi32>, vector<16xi32>], vector<16xf32>,
      %add3A_98 = arith.constant 0 : i32
      %add3A_99 = vector.broadcast %add3A_98 : i32 to vector<16xi32>
      %add3A_100 = arith.addi %iota3A_19, %add3A_99 : vector<16xi32>
      tpu.vector_store_idx %arg8[%add3A_94, %add3A_100], %gather3A : memref<128x256xf32, #tpu.memory_space<vmem>>[vector<16xi32>, vector<16xi32>], vector<16xf32>,
      %add3A_101 = arith.constant 1 : i32
      %add3A_102 = vector.broadcast %add3A_101 : i32 to vector<16xi32>
      %add3A_103 = arith.addi %mul3A_18, %add3A_102 : vector<16xi32>
      %gather3A_104 = tpu.vector_load_idx %arg6[%add3A_94, %add3A_103] : memref<128x256xf32, #tpu.memory_space<vmem>>[vector<16xi32>, vector<16xi32>], vector<16xf32>,
      %add3A_105 = arith.constant 16 : i32
      %add3A_106 = vector.broadcast %add3A_105 : i32 to vector<16xi32>
      %add3A_107 = arith.addi %iota3A_19, %add3A_106 : vector<16xi32>
      tpu.vector_store_idx %arg8[%add3A_94, %add3A_107], %gather3A_104 : memref<128x256xf32, #tpu.memory_space<vmem>>[vector<16xi32>, vector<16xi32>], vector<16xf32>,
      %add3A_108 = arith.constant 2 : i32
      %add3A_109 = vector.broadcast %add3A_108 : i32 to vector<16xi32>
      %add3A_110 = arith.addi %mul3A_18, %add3A_109 : vector<16xi32>
      %gather3A_111 = tpu.vector_load_idx %arg6[%add3A_94, %add3A_110] : memref<128x256xf32, #tpu.memory_space<vmem>>[vector<16xi32>, vector<16xi32>], vector<16xf32>,
      %add3A_112 = arith.constant 32 : i32
      %add3A_113 = vector.broadcast %add3A_112 : i32 to vector<16xi32>
      %add3A_114 = arith.addi %iota3A_19, %add3A_113 : vector<16xi32>
      tpu.vector_store_idx %arg8[%add3A_94, %add3A_114], %gather3A_111 : memref<128x256xf32, #tpu.memory_space<vmem>>[vector<16xi32>, vector<16xi32>], vector<16xf32>,
      %add3A_115 = arith.constant 3 : i32
      %add3A_116 = vector.broadcast %add3A_115 : i32 to vector<16xi32>
      %add3A_117 = arith.addi %mul3A_18, %add3A_116 : vector<16xi32>
      %gather3A_118 = tpu.vector_load_idx %arg6[%add3A_94, %add3A_117] : memref<128x256xf32, #tpu.memory_space<vmem>>[vector<16xi32>, vector<16xi32>], vector<16xf32>,
      %add3A_119 = arith.constant 48 : i32
      %add3A_120 = vector.broadcast %add3A_119 : i32 to vector<16xi32>
      %add3A_121 = arith.addi %iota3A_19, %add3A_120 : vector<16xi32>
      tpu.vector_store_idx %arg8[%add3A_94, %add3A_121], %gather3A_118 : memref<128x256xf32, #tpu.memory_space<vmem>>[vector<16xi32>, vector<16xi32>], vector<16xf32>,
      %add3A_122 = arith.constant 4 : i32
      %add3A_123 = vector.broadcast %add3A_122 : i32 to vector<16xi32>
      %add3A_124 = arith.addi %mul3A_18, %add3A_123 : vector<16xi32>
      %gather3A_125 = tpu.vector_load_idx %arg6[%add3A_94, %add3A_124] : memref<128x256xf32, #tpu.memory_space<vmem>>[vector<16xi32>, vector<16xi32>], vector<16xf32>,
      %add3A_126 = arith.constant 64 : i32
      %add3A_127 = vector.broadcast %add3A_126 : i32 to vector<16xi32>
      %add3A_128 = arith.addi %iota3A_19, %add3A_127 : vector<16xi32>
      tpu.vector_store_idx %arg8[%add3A_94, %add3A_128], %gather3A_125 : memref<128x256xf32, #tpu.memory_space<vmem>>[vector<16xi32>, vector<16xi32>], vector<16xf32>,
      %add3A_129 = arith.constant 5 : i32
      %add3A_130 = vector.broadcast %add3A_129 : i32 to vector<16xi32>
      %add3A_131 = arith.addi %mul3A_18, %add3A_130 : vector<16xi32>
      %gather3A_132 = tpu.vector_load_idx %arg6[%add3A_94, %add3A_131] : memref<128x256xf32, #tpu.memory_space<vmem>>[vector<16xi32>, vector<16xi32>], vector<16xf32>,
      %add3A_133 = arith.constant 80 : i32
      %add3A_134 = vector.broadcast %add3A_133 : i32 to vector<16xi32>
      %add3A_135 = arith.addi %iota3A_19, %add3A_134 : vector<16xi32>
      tpu.vector_store_idx %arg8[%add3A_94, %add3A_135], %gather3A_132 : memref<128x256xf32, #tpu.memory_space<vmem>>[vector<16xi32>, vector<16xi32>], vector<16xf32>,
      %add3A_136 = arith.constant 6 : i32
      %add3A_137 = vector.broadcast %add3A_136 : i32 to vector<16xi32>
      %add3A_138 = arith.addi %mul3A_18, %add3A_137 : vector<16xi32>
      %gather3A_139 = tpu.vector_load_idx %arg6[%add3A_94, %add3A_138] : memref<128x256xf32, #tpu.memory_space<vmem>>[vector<16xi32>, vector<16xi32>], vector<16xf32>,
      %add3A_140 = arith.constant 96 : i32
      %add3A_141 = vector.broadcast %add3A_140 : i32 to vector<16xi32>
      %add3A_142 = arith.addi %iota3A_19, %add3A_141 : vector<16xi32>
      tpu.vector_store_idx %arg8[%add3A_94, %add3A_142], %gather3A_139 : memref<128x256xf32, #tpu.memory_space<vmem>>[vector<16xi32>, vector<16xi32>], vector<16xf32>,
      %add3A_143 = arith.constant 7 : i32
      %add3A_144 = vector.broadcast %add3A_143 : i32 to vector<16xi32>
      %add3A_145 = arith.addi %mul3A_18, %add3A_144 : vector<16xi32>
      %gather3A_146 = tpu.vector_load_idx %arg6[%add3A_94, %add3A_145] : memref<128x256xf32, #tpu.memory_space<vmem>>[vector<16xi32>, vector<16xi32>], vector<16xf32>,
      %add3A_147 = arith.constant 112 : i32
      %add3A_148 = vector.broadcast %add3A_147 : i32 to vector<16xi32>
      %add3A_149 = arith.addi %iota3A_19, %add3A_148 : vector<16xi32>
      tpu.vector_store_idx %arg8[%add3A_94, %add3A_149], %gather3A_146 : memref<128x256xf32, #tpu.memory_space<vmem>>[vector<16xi32>, vector<16xi32>], vector<16xf32>,
      %add3A_150 = arith.constant 8 : i32
      %add3A_151 = vector.broadcast %add3A_150 : i32 to vector<16xi32>
      %add3A_152 = arith.addi %mul3A_18, %add3A_151 : vector<16xi32>
      %gather3A_153 = tpu.vector_load_idx %arg6[%add3A_94, %add3A_152] : memref<128x256xf32, #tpu.memory_space<vmem>>[vector<16xi32>, vector<16xi32>], vector<16xf32>,
      %add3A_154 = arith.constant 128 : i32
      %add3A_155 = vector.broadcast %add3A_154 : i32 to vector<16xi32>
      %add3A_156 = arith.addi %iota3A_19, %add3A_155 : vector<16xi32>
      tpu.vector_store_idx %arg8[%add3A_94, %add3A_156], %gather3A_153 : memref<128x256xf32, #tpu.memory_space<vmem>>[vector<16xi32>, vector<16xi32>], vector<16xf32>,
      %add3A_157 = arith.constant 9 : i32
      %add3A_158 = vector.broadcast %add3A_157 : i32 to vector<16xi32>
      %add3A_159 = arith.addi %mul3A_18, %add3A_158 : vector<16xi32>
      %gather3A_160 = tpu.vector_load_idx %arg6[%add3A_94, %add3A_159] : memref<128x256xf32, #tpu.memory_space<vmem>>[vector<16xi32>, vector<16xi32>], vector<16xf32>,
      %add3A_161 = arith.constant 144 : i32
      %add3A_162 = vector.broadcast %add3A_161 : i32 to vector<16xi32>
      %add3A_163 = arith.addi %iota3A_19, %add3A_162 : vector<16xi32>
      tpu.vector_store_idx %arg8[%add3A_94, %add3A_163], %gather3A_160 : memref<128x256xf32, #tpu.memory_space<vmem>>[vector<16xi32>, vector<16xi32>], vector<16xf32>,
      %add3A_164 = arith.constant 10 : i32
      %add3A_165 = vector.broadcast %add3A_164 : i32 to vector<16xi32>
      %add3A_166 = arith.addi %mul3A_18, %add3A_165 : vector<16xi32>
      %gather3A_167 = tpu.vector_load_idx %arg6[%add3A_94, %add3A_166] : memref<128x256xf32, #tpu.memory_space<vmem>>[vector<16xi32>, vector<16xi32>], vector<16xf32>,
      %add3A_168 = arith.constant 160 : i32
      %add3A_169 = vector.broadcast %add3A_168 : i32 to vector<16xi32>
      %add3A_170 = arith.addi %iota3A_19, %add3A_169 : vector<16xi32>
      tpu.vector_store_idx %arg8[%add3A_94, %add3A_170], %gather3A_167 : memref<128x256xf32, #tpu.memory_space<vmem>>[vector<16xi32>, vector<16xi32>], vector<16xf32>,
      %add3A_171 = arith.constant 11 : i32
      %add3A_172 = vector.broadcast %add3A_171 : i32 to vector<16xi32>
      %add3A_173 = arith.addi %mul3A_18, %add3A_172 : vector<16xi32>
      %gather3A_174 = tpu.vector_load_idx %arg6[%add3A_94, %add3A_173] : memref<128x256xf32, #tpu.memory_space<vmem>>[vector<16xi32>, vector<16xi32>], vector<16xf32>,
      %add3A_175 = arith.constant 176 : i32
      %add3A_176 = vector.broadcast %add3A_175 : i32 to vector<16xi32>
      %add3A_177 = arith.addi %iota3A_19, %add3A_176 : vector<16xi32>
      tpu.vector_store_idx %arg8[%add3A_94, %add3A_177], %gather3A_174 : memref<128x256xf32, #tpu.memory_space<vmem>>[vector<16xi32>, vector<16xi32>], vector<16xf32>,
      %add3A_178 = arith.constant 12 : i32
      %add3A_179 = vector.broadcast %add3A_178 : i32 to vector<16xi32>
      %add3A_180 = arith.addi %mul3A_18, %add3A_179 : vector<16xi32>
      %gather3A_181 = tpu.vector_load_idx %arg6[%add3A_94, %add3A_180] : memref<128x256xf32, #tpu.memory_space<vmem>>[vector<16xi32>, vector<16xi32>], vector<16xf32>,
      %add3A_182 = arith.constant 192 : i32
      %add3A_183 = vector.broadcast %add3A_182 : i32 to vector<16xi32>
      %add3A_184 = arith.addi %iota3A_19, %add3A_183 : vector<16xi32>
      tpu.vector_store_idx %arg8[%add3A_94, %add3A_184], %gather3A_181 : memref<128x256xf32, #tpu.memory_space<vmem>>[vector<16xi32>, vector<16xi32>], vector<16xf32>,
      %add3A_185 = arith.constant 13 : i32
      %add3A_186 = vector.broadcast %add3A_185 : i32 to vector<16xi32>
      %add3A_187 = arith.addi %mul3A_18, %add3A_186 : vector<16xi32>
      %gather3A_188 = tpu.vector_load_idx %arg6[%add3A_94, %add3A_187] : memref<128x256xf32, #tpu.memory_space<vmem>>[vector<16xi32>, vector<16xi32>], vector<16xf32>,
      %add3A_189 = arith.constant 208 : i32
      %add3A_190 = vector.broadcast %add3A_189 : i32 to vector<16xi32>
      %add3A_191 = arith.addi %iota3A_19, %add3A_190 : vector<16xi32>
      tpu.vector_store_idx %arg8[%add3A_94, %add3A_191], %gather3A_188 : memref<128x256xf32, #tpu.memory_space<vmem>>[vector<16xi32>, vector<16xi32>], vector<16xf32>,
      %add3A_192 = arith.constant 14 : i32
      %add3A_193 = vector.broadcast %add3A_192 : i32 to vector<16xi32>
      %add3A_194 = arith.addi %mul3A_18, %add3A_193 : vector<16xi32>
      %gather3A_195 = tpu.vector_load_idx %arg6[%add3A_94, %add3A_194] : memref<128x256xf32, #tpu.memory_space<vmem>>[vector<16xi32>, vector<16xi32>], vector<16xf32>,
      %add3A_196 = arith.constant 224 : i32
      %add3A_197 = vector.broadcast %add3A_196 : i32 to vector<16xi32>
      %add3A_198 = arith.addi %iota3A_19, %add3A_197 : vector<16xi32>
      tpu.vector_store_idx %arg8[%add3A_94, %add3A_198], %gather3A_195 : memref<128x256xf32, #tpu.memory_space<vmem>>[vector<16xi32>, vector<16xi32>], vector<16xf32>,
      %add3A_199 = arith.constant 15 : i32
      %add3A_200 = vector.broadcast %add3A_199 : i32 to vector<16xi32>
      %add3A_201 = arith.addi %mul3A_18, %add3A_200 : vector<16xi32>
      %gather3A_202 = tpu.vector_load_idx %arg6[%add3A_94, %add3A_201] : memref<128x256xf32, #tpu.memory_space<vmem>>[vector<16xi32>, vector<16xi32>], vector<16xf32>,
      %add3A_203 = arith.constant 240 : i32
      %add3A_204 = vector.broadcast %add3A_203 : i32 to vector<16xi32>
      %add3A_205 = arith.addi %iota3A_19, %add3A_204 : vector<16xi32>
      tpu.vector_store_idx %arg8[%add3A_94, %add3A_205], %gather3A_202 : memref<128x256xf32, #tpu.memory_space<vmem>>[vector<16xi32>, vector<16xi32>], vector<16xf32>,
    }
    %scan3A_24 = arith.constant 128 : i32
    %add3A_25 = arith.constant 0 : i32
    %add3A_26 = arith.addi %mul3A_2, %add3A_25 : i32
    "tpu.region"() ({
      %run_scoped3A = tpu.sem_alloc : memref<!tpu.dma_semaphore, #tpu.memory_space<semaphore_mem>>
      %dma_start3A_91 = arith.constant 0 : i32
      %dma_start3A_92 = tpu.memref_slice %arg4[%add3A_26, %dma_start3A_91] : memref<16384x256xf32, #tpu.memory_space<hbm>> -> memref<128x256xf32, #tpu.memory_space<hbm>>
      %dma_start3A_93 = arith.constant 0 : i32
      %dma_start3A_94 = tpu.memref_slice %arg4[%add3A_26, %dma_start3A_93] : memref<16384x256xf32, #tpu.memory_space<hbm>> -> memref<128x256xf32, #tpu.memory_space<hbm>>
      tpu.enqueue_dma source(%arg8 : memref<128x256xf32, #tpu.memory_space<vmem>>) target(%dma_start3A_94 : memref<128x256xf32, #tpu.memory_space<hbm>>) target_semaphore(%run_scoped3A : memref<!tpu.dma_semaphore, #tpu.memory_space<semaphore_mem>>)
      %dma_wait3A_95 = arith.constant 0 : i32
      %dma_wait3A_96 = tpu.memref_slice %arg4[%add3A_26, %dma_wait3A_95] : memref<16384x256xf32, #tpu.memory_space<hbm>> -> memref<128x256xf32, #tpu.memory_space<hbm>>
      %dma_wait3A_97 = arith.constant 0 : i32
      %dma_wait3A_98 = tpu.memref_slice %arg4[%add3A_26, %dma_wait3A_97] : memref<16384x256xf32, #tpu.memory_space<hbm>> -> memref<128x256xf32, #tpu.memory_space<hbm>>
      tpu.wait_dma2 semaphore(%run_scoped3A : memref<!tpu.dma_semaphore, #tpu.memory_space<semaphore_mem>>) src(%arg8 : memref<128x256xf32, #tpu.memory_space<vmem>>) dst(%dma_wait3A_98 : memref<128x256xf32, #tpu.memory_space<hbm>>)
      tpu.yield
    }) : () -> ()
    %dma_start3A_27 = arith.constant 256 : i32
    %dma_start3A_28 = tpu.memref_slice %arg5[%dma_start3A_27] : memref<512xi32, #tpu.memory_space<vmem>> -> memref<128xi32, #tpu.memory_space<vmem>>
    %dma_start3A_29 = arith.constant 0 : i32
    %dma_start3A_30 = arith.constant 0 : i32
    %dma_start3A_31 = tpu.memref_slice %arg2[%dma_start3A_29, %dma_start3A_30] : memref<100000x256xf32, #tpu.memory_space<hbm>> -> memref<100000x256xf32, #tpu.memory_space<hbm>>
    tpu.enqueue_indirect_dma source(%dma_start3A_31 : memref<100000x256xf32, #tpu.memory_space<hbm>>) target(%arg6 : memref<128x256xf32, #tpu.memory_space<vmem>>) offsets(%dma_start3A_28 : memref<128xi32, #tpu.memory_space<vmem>>) semaphore(%arg9 : memref<!tpu.dma_semaphore, #tpu.memory_space<semaphore_mem>>)
    %dma_wait3A_32 = arith.constant 128 : i32
    %dma_wait3A_33 = tpu.memref_slice %arg5[%dma_wait3A_32] : memref<512xi32, #tpu.memory_space<vmem>> -> memref<128xi32, #tpu.memory_space<vmem>>
    %dma_wait3A_34 = arith.constant 0 : i32
    %dma_wait3A_35 = arith.constant 0 : i32
    %dma_wait3A_36 = tpu.memref_slice %arg2[%dma_wait3A_34, %dma_wait3A_35] : memref<100000x256xf32, #tpu.memory_space<hbm>> -> memref<100000x256xf32, #tpu.memory_space<hbm>>
    tpu.wait_indirect_dma semaphore(%arg10 : memref<!tpu.dma_semaphore, #tpu.memory_space<semaphore_mem>>) src(%dma_wait3A_36 : memref<100000x256xf32, #tpu.memory_space<hbm>>) dst(%arg7 : memref<128x256xf32, #tpu.memory_space<vmem>>)
    %iota3A_37 = tpu.iota {dimensions = array<i32: 0>} : vector<16xi32>
    %mul3A_38 = arith.constant 16 : i32
    %mul3A_39 = vector.broadcast %mul3A_38 : i32 to vector<16xi32>
    %mul3A_40 = arith.muli %iota3A_37, %mul3A_39 : vector<16xi32>
    %iota3A_41 = tpu.iota {dimensions = array<i32: 0>} : vector<16xi32>
    %scan3A_42 = arith.constant 0 : i32
    %scan3A_43 = arith.constant 0 : i32
    %scan3A_44 = arith.constant 128 : i32
    %scan3A_45 = arith.addi %scan3A_43, %scan3A_44 : i32
    %scan3A_46 = arith.constant 1 : i32
    scf.for %scan3A_91 = %scan3A_43 to %scan3A_45 step %scan3A_46  : i32 {
      %broadcast_in_dim3A = arith.constant 0 : i32
      %broadcast_in_dim3A_92 = vector.broadcast %broadcast_in_dim3A : i32 to vector<16xi32>
      %add3A_93 = vector.broadcast %scan3A_91 : i32 to vector<16xi32>
      %add3A_94 = arith.addi %broadcast_in_dim3A_92, %add3A_93 : vector<16xi32>
      %add3A_95 = arith.constant 0 : i32
      %add3A_96 = vector.broadcast %add3A_95 : i32 to vector<16xi32>
      %add3A_97 = arith.addi %mul3A_40, %add3A_96 : vector<16xi32>
      %gather3A = tpu.vector_load_idx %arg7[%add3A_94, %add3A_97] : memref<128x256xf32, #tpu.memory_space<vmem>>[vector<16xi32>, vector<16xi32>], vector<16xf32>,
      %add3A_98 = arith.constant 0 : i32
      %add3A_99 = vector.broadcast %add3A_98 : i32 to vector<16xi32>
      %add3A_100 = arith.addi %iota3A_41, %add3A_99 : vector<16xi32>
      tpu.vector_store_idx %arg8[%add3A_94, %add3A_100], %gather3A : memref<128x256xf32, #tpu.memory_space<vmem>>[vector<16xi32>, vector<16xi32>], vector<16xf32>,
      %add3A_101 = arith.constant 1 : i32
      %add3A_102 = vector.broadcast %add3A_101 : i32 to vector<16xi32>
      %add3A_103 = arith.addi %mul3A_40, %add3A_102 : vector<16xi32>
      %gather3A_104 = tpu.vector_load_idx %arg7[%add3A_94, %add3A_103] : memref<128x256xf32, #tpu.memory_space<vmem>>[vector<16xi32>, vector<16xi32>], vector<16xf32>,
      %add3A_105 = arith.constant 16 : i32
      %add3A_106 = vector.broadcast %add3A_105 : i32 to vector<16xi32>
      %add3A_107 = arith.addi %iota3A_41, %add3A_106 : vector<16xi32>
      tpu.vector_store_idx %arg8[%add3A_94, %add3A_107], %gather3A_104 : memref<128x256xf32, #tpu.memory_space<vmem>>[vector<16xi32>, vector<16xi32>], vector<16xf32>,
      %add3A_108 = arith.constant 2 : i32
      %add3A_109 = vector.broadcast %add3A_108 : i32 to vector<16xi32>
      %add3A_110 = arith.addi %mul3A_40, %add3A_109 : vector<16xi32>
      %gather3A_111 = tpu.vector_load_idx %arg7[%add3A_94, %add3A_110] : memref<128x256xf32, #tpu.memory_space<vmem>>[vector<16xi32>, vector<16xi32>], vector<16xf32>,
      %add3A_112 = arith.constant 32 : i32
      %add3A_113 = vector.broadcast %add3A_112 : i32 to vector<16xi32>
      %add3A_114 = arith.addi %iota3A_41, %add3A_113 : vector<16xi32>
      tpu.vector_store_idx %arg8[%add3A_94, %add3A_114], %gather3A_111 : memref<128x256xf32, #tpu.memory_space<vmem>>[vector<16xi32>, vector<16xi32>], vector<16xf32>,
      %add3A_115 = arith.constant 3 : i32
      %add3A_116 = vector.broadcast %add3A_115 : i32 to vector<16xi32>
      %add3A_117 = arith.addi %mul3A_40, %add3A_116 : vector<16xi32>
      %gather3A_118 = tpu.vector_load_idx %arg7[%add3A_94, %add3A_117] : memref<128x256xf32, #tpu.memory_space<vmem>>[vector<16xi32>, vector<16xi32>], vector<16xf32>,
      %add3A_119 = arith.constant 48 : i32
      %add3A_120 = vector.broadcast %add3A_119 : i32 to vector<16xi32>
      %add3A_121 = arith.addi %iota3A_41, %add3A_120 : vector<16xi32>
      tpu.vector_store_idx %arg8[%add3A_94, %add3A_121], %gather3A_118 : memref<128x256xf32, #tpu.memory_space<vmem>>[vector<16xi32>, vector<16xi32>], vector<16xf32>,
      %add3A_122 = arith.constant 4 : i32
      %add3A_123 = vector.broadcast %add3A_122 : i32 to vector<16xi32>
      %add3A_124 = arith.addi %mul3A_40, %add3A_123 : vector<16xi32>
      %gather3A_125 = tpu.vector_load_idx %arg7[%add3A_94, %add3A_124] : memref<128x256xf32, #tpu.memory_space<vmem>>[vector<16xi32>, vector<16xi32>], vector<16xf32>,
      %add3A_126 = arith.constant 64 : i32
      %add3A_127 = vector.broadcast %add3A_126 : i32 to vector<16xi32>
      %add3A_128 = arith.addi %iota3A_41, %add3A_127 : vector<16xi32>
      tpu.vector_store_idx %arg8[%add3A_94, %add3A_128], %gather3A_125 : memref<128x256xf32, #tpu.memory_space<vmem>>[vector<16xi32>, vector<16xi32>], vector<16xf32>,
      %add3A_129 = arith.constant 5 : i32
      %add3A_130 = vector.broadcast %add3A_129 : i32 to vector<16xi32>
      %add3A_131 = arith.addi %mul3A_40, %add3A_130 : vector<16xi32>
      %gather3A_132 = tpu.vector_load_idx %arg7[%add3A_94, %add3A_131] : memref<128x256xf32, #tpu.memory_space<vmem>>[vector<16xi32>, vector<16xi32>], vector<16xf32>,
      %add3A_133 = arith.constant 80 : i32
      %add3A_134 = vector.broadcast %add3A_133 : i32 to vector<16xi32>
      %add3A_135 = arith.addi %iota3A_41, %add3A_134 : vector<16xi32>
      tpu.vector_store_idx %arg8[%add3A_94, %add3A_135], %gather3A_132 : memref<128x256xf32, #tpu.memory_space<vmem>>[vector<16xi32>, vector<16xi32>], vector<16xf32>,
      %add3A_136 = arith.constant 6 : i32
      %add3A_137 = vector.broadcast %add3A_136 : i32 to vector<16xi32>
      %add3A_138 = arith.addi %mul3A_40, %add3A_137 : vector<16xi32>
      %gather3A_139 = tpu.vector_load_idx %arg7[%add3A_94, %add3A_138] : memref<128x256xf32, #tpu.memory_space<vmem>>[vector<16xi32>, vector<16xi32>], vector<16xf32>,
      %add3A_140 = arith.constant 96 : i32
      %add3A_141 = vector.broadcast %add3A_140 : i32 to vector<16xi32>
      %add3A_142 = arith.addi %iota3A_41, %add3A_141 : vector<16xi32>
      tpu.vector_store_idx %arg8[%add3A_94, %add3A_142], %gather3A_139 : memref<128x256xf32, #tpu.memory_space<vmem>>[vector<16xi32>, vector<16xi32>], vector<16xf32>,
      %add3A_143 = arith.constant 7 : i32
      %add3A_144 = vector.broadcast %add3A_143 : i32 to vector<16xi32>
      %add3A_145 = arith.addi %mul3A_40, %add3A_144 : vector<16xi32>
      %gather3A_146 = tpu.vector_load_idx %arg7[%add3A_94, %add3A_145] : memref<128x256xf32, #tpu.memory_space<vmem>>[vector<16xi32>, vector<16xi32>], vector<16xf32>,
      %add3A_147 = arith.constant 112 : i32
      %add3A_148 = vector.broadcast %add3A_147 : i32 to vector<16xi32>
      %add3A_149 = arith.addi %iota3A_41, %add3A_148 : vector<16xi32>
      tpu.vector_store_idx %arg8[%add3A_94, %add3A_149], %gather3A_146 : memref<128x256xf32, #tpu.memory_space<vmem>>[vector<16xi32>, vector<16xi32>], vector<16xf32>,
      %add3A_150 = arith.constant 8 : i32
      %add3A_151 = vector.broadcast %add3A_150 : i32 to vector<16xi32>
      %add3A_152 = arith.addi %mul3A_40, %add3A_151 : vector<16xi32>
      %gather3A_153 = tpu.vector_load_idx %arg7[%add3A_94, %add3A_152] : memref<128x256xf32, #tpu.memory_space<vmem>>[vector<16xi32>, vector<16xi32>], vector<16xf32>,
      %add3A_154 = arith.constant 128 : i32
      %add3A_155 = vector.broadcast %add3A_154 : i32 to vector<16xi32>
      %add3A_156 = arith.addi %iota3A_41, %add3A_155 : vector<16xi32>
      tpu.vector_store_idx %arg8[%add3A_94, %add3A_156], %gather3A_153 : memref<128x256xf32, #tpu.memory_space<vmem>>[vector<16xi32>, vector<16xi32>], vector<16xf32>,
      %add3A_157 = arith.constant 9 : i32
      %add3A_158 = vector.broadcast %add3A_157 : i32 to vector<16xi32>
      %add3A_159 = arith.addi %mul3A_40, %add3A_158 : vector<16xi32>
      %gather3A_160 = tpu.vector_load_idx %arg7[%add3A_94, %add3A_159] : memref<128x256xf32, #tpu.memory_space<vmem>>[vector<16xi32>, vector<16xi32>], vector<16xf32>,
      %add3A_161 = arith.constant 144 : i32
      %add3A_162 = vector.broadcast %add3A_161 : i32 to vector<16xi32>
      %add3A_163 = arith.addi %iota3A_41, %add3A_162 : vector<16xi32>
      tpu.vector_store_idx %arg8[%add3A_94, %add3A_163], %gather3A_160 : memref<128x256xf32, #tpu.memory_space<vmem>>[vector<16xi32>, vector<16xi32>], vector<16xf32>,
      %add3A_164 = arith.constant 10 : i32
      %add3A_165 = vector.broadcast %add3A_164 : i32 to vector<16xi32>
      %add3A_166 = arith.addi %mul3A_40, %add3A_165 : vector<16xi32>
      %gather3A_167 = tpu.vector_load_idx %arg7[%add3A_94, %add3A_166] : memref<128x256xf32, #tpu.memory_space<vmem>>[vector<16xi32>, vector<16xi32>], vector<16xf32>,
      %add3A_168 = arith.constant 160 : i32
      %add3A_169 = vector.broadcast %add3A_168 : i32 to vector<16xi32>
      %add3A_170 = arith.addi %iota3A_41, %add3A_169 : vector<16xi32>
      tpu.vector_store_idx %arg8[%add3A_94, %add3A_170], %gather3A_167 : memref<128x256xf32, #tpu.memory_space<vmem>>[vector<16xi32>, vector<16xi32>], vector<16xf32>,
      %add3A_171 = arith.constant 11 : i32
      %add3A_172 = vector.broadcast %add3A_171 : i32 to vector<16xi32>
      %add3A_173 = arith.addi %mul3A_40, %add3A_172 : vector<16xi32>
      %gather3A_174 = tpu.vector_load_idx %arg7[%add3A_94, %add3A_173] : memref<128x256xf32, #tpu.memory_space<vmem>>[vector<16xi32>, vector<16xi32>], vector<16xf32>,
      %add3A_175 = arith.constant 176 : i32
      %add3A_176 = vector.broadcast %add3A_175 : i32 to vector<16xi32>
      %add3A_177 = arith.addi %iota3A_41, %add3A_176 : vector<16xi32>
      tpu.vector_store_idx %arg8[%add3A_94, %add3A_177], %gather3A_174 : memref<128x256xf32, #tpu.memory_space<vmem>>[vector<16xi32>, vector<16xi32>], vector<16xf32>,
      %add3A_178 = arith.constant 12 : i32
      %add3A_179 = vector.broadcast %add3A_178 : i32 to vector<16xi32>
      %add3A_180 = arith.addi %mul3A_40, %add3A_179 : vector<16xi32>
      %gather3A_181 = tpu.vector_load_idx %arg7[%add3A_94, %add3A_180] : memref<128x256xf32, #tpu.memory_space<vmem>>[vector<16xi32>, vector<16xi32>], vector<16xf32>,
      %add3A_182 = arith.constant 192 : i32
      %add3A_183 = vector.broadcast %add3A_182 : i32 to vector<16xi32>
      %add3A_184 = arith.addi %iota3A_41, %add3A_183 : vector<16xi32>
      tpu.vector_store_idx %arg8[%add3A_94, %add3A_184], %gather3A_181 : memref<128x256xf32, #tpu.memory_space<vmem>>[vector<16xi32>, vector<16xi32>], vector<16xf32>,
      %add3A_185 = arith.constant 13 : i32
      %add3A_186 = vector.broadcast %add3A_185 : i32 to vector<16xi32>
      %add3A_187 = arith.addi %mul3A_40, %add3A_186 : vector<16xi32>
      %gather3A_188 = tpu.vector_load_idx %arg7[%add3A_94, %add3A_187] : memref<128x256xf32, #tpu.memory_space<vmem>>[vector<16xi32>, vector<16xi32>], vector<16xf32>,
      %add3A_189 = arith.constant 208 : i32
      %add3A_190 = vector.broadcast %add3A_189 : i32 to vector<16xi32>
      %add3A_191 = arith.addi %iota3A_41, %add3A_190 : vector<16xi32>
      tpu.vector_store_idx %arg8[%add3A_94, %add3A_191], %gather3A_188 : memref<128x256xf32, #tpu.memory_space<vmem>>[vector<16xi32>, vector<16xi32>], vector<16xf32>,
      %add3A_192 = arith.constant 14 : i32
      %add3A_193 = vector.broadcast %add3A_192 : i32 to vector<16xi32>
      %add3A_194 = arith.addi %mul3A_40, %add3A_193 : vector<16xi32>
      %gather3A_195 = tpu.vector_load_idx %arg7[%add3A_94, %add3A_194] : memref<128x256xf32, #tpu.memory_space<vmem>>[vector<16xi32>, vector<16xi32>], vector<16xf32>,
      %add3A_196 = arith.constant 224 : i32
      %add3A_197 = vector.broadcast %add3A_196 : i32 to vector<16xi32>
      %add3A_198 = arith.addi %iota3A_41, %add3A_197 : vector<16xi32>
      tpu.vector_store_idx %arg8[%add3A_94, %add3A_198], %gather3A_195 : memref<128x256xf32, #tpu.memory_space<vmem>>[vector<16xi32>, vector<16xi32>], vector<16xf32>,
      %add3A_199 = arith.constant 15 : i32
      %add3A_200 = vector.broadcast %add3A_199 : i32 to vector<16xi32>
      %add3A_201 = arith.addi %mul3A_40, %add3A_200 : vector<16xi32>
      %gather3A_202 = tpu.vector_load_idx %arg7[%add3A_94, %add3A_201] : memref<128x256xf32, #tpu.memory_space<vmem>>[vector<16xi32>, vector<16xi32>], vector<16xf32>,
      %add3A_203 = arith.constant 240 : i32
      %add3A_204 = vector.broadcast %add3A_203 : i32 to vector<16xi32>
      %add3A_205 = arith.addi %iota3A_41, %add3A_204 : vector<16xi32>
      tpu.vector_store_idx %arg8[%add3A_94, %add3A_205], %gather3A_202 : memref<128x256xf32, #tpu.memory_space<vmem>>[vector<16xi32>, vector<16xi32>], vector<16xf32>,
    }
    %scan3A_47 = arith.constant 128 : i32
    %add3A_48 = arith.constant 128 : i32
    %add3A_49 = arith.addi %mul3A_2, %add3A_48 : i32
    "tpu.region"() ({
      %run_scoped3A = tpu.sem_alloc : memref<!tpu.dma_semaphore, #tpu.memory_space<semaphore_mem>>
      %dma_start3A_91 = arith.constant 0 : i32
      %dma_start3A_92 = tpu.memref_slice %arg4[%add3A_49, %dma_start3A_91] : memref<16384x256xf32, #tpu.memory_space<hbm>> -> memref<128x256xf32, #tpu.memory_space<hbm>>
      %dma_start3A_93 = arith.constant 0 : i32
      %dma_start3A_94 = tpu.memref_slice %arg4[%add3A_49, %dma_start3A_93] : memref<16384x256xf32, #tpu.memory_space<hbm>> -> memref<128x256xf32, #tpu.memory_space<hbm>>
      tpu.enqueue_dma source(%arg8 : memref<128x256xf32, #tpu.memory_space<vmem>>) target(%dma_start3A_94 : memref<128x256xf32, #tpu.memory_space<hbm>>) target_semaphore(%run_scoped3A : memref<!tpu.dma_semaphore, #tpu.memory_space<semaphore_mem>>)
      %dma_wait3A_95 = arith.constant 0 : i32
      %dma_wait3A_96 = tpu.memref_slice %arg4[%add3A_49, %dma_wait3A_95] : memref<16384x256xf32, #tpu.memory_space<hbm>> -> memref<128x256xf32, #tpu.memory_space<hbm>>
      %dma_wait3A_97 = arith.constant 0 : i32
      %dma_wait3A_98 = tpu.memref_slice %arg4[%add3A_49, %dma_wait3A_97] : memref<16384x256xf32, #tpu.memory_space<hbm>> -> memref<128x256xf32, #tpu.memory_space<hbm>>
      tpu.wait_dma2 semaphore(%run_scoped3A : memref<!tpu.dma_semaphore, #tpu.memory_space<semaphore_mem>>) src(%arg8 : memref<128x256xf32, #tpu.memory_space<vmem>>) dst(%dma_wait3A_98 : memref<128x256xf32, #tpu.memory_space<hbm>>)
      tpu.yield
    }) : () -> ()
    %dma_start3A_50 = arith.constant 384 : i32
    %dma_start3A_51 = tpu.memref_slice %arg5[%dma_start3A_50] : memref<512xi32, #tpu.memory_space<vmem>> -> memref<128xi32, #tpu.memory_space<vmem>>
    %dma_start3A_52 = arith.constant 0 : i32
    %dma_start3A_53 = arith.constant 0 : i32
    %dma_start3A_54 = tpu.memref_slice %arg2[%dma_start3A_52, %dma_start3A_53] : memref<100000x256xf32, #tpu.memory_space<hbm>> -> memref<100000x256xf32, #tpu.memory_space<hbm>>
    tpu.enqueue_indirect_dma source(%dma_start3A_54 : memref<100000x256xf32, #tpu.memory_space<hbm>>) target(%arg7 : memref<128x256xf32, #tpu.memory_space<vmem>>) offsets(%dma_start3A_51 : memref<128xi32, #tpu.memory_space<vmem>>) semaphore(%arg10 : memref<!tpu.dma_semaphore, #tpu.memory_space<semaphore_mem>>)
    %dma_wait3A_55 = arith.constant 256 : i32
    %dma_wait3A_56 = tpu.memref_slice %arg5[%dma_wait3A_55] : memref<512xi32, #tpu.memory_space<vmem>> -> memref<128xi32, #tpu.memory_space<vmem>>
    %dma_wait3A_57 = arith.constant 0 : i32
    %dma_wait3A_58 = arith.constant 0 : i32
    %dma_wait3A_59 = tpu.memref_slice %arg2[%dma_wait3A_57, %dma_wait3A_58] : memref<100000x256xf32, #tpu.memory_space<hbm>> -> memref<100000x256xf32, #tpu.memory_space<hbm>>
    tpu.wait_indirect_dma semaphore(%arg9 : memref<!tpu.dma_semaphore, #tpu.memory_space<semaphore_mem>>) src(%dma_wait3A_59 : memref<100000x256xf32, #tpu.memory_space<hbm>>) dst(%arg6 : memref<128x256xf32, #tpu.memory_space<vmem>>)
    %iota3A_60 = tpu.iota {dimensions = array<i32: 0>} : vector<16xi32>
    %mul3A_61 = arith.constant 16 : i32
    %mul3A_62 = vector.broadcast %mul3A_61 : i32 to vector<16xi32>
    %mul3A_63 = arith.muli %iota3A_60, %mul3A_62 : vector<16xi32>
    %iota3A_64 = tpu.iota {dimensions = array<i32: 0>} : vector<16xi32>
    %scan3A_65 = arith.constant 0 : i32
    %scan3A_66 = arith.constant 0 : i32
    %scan3A_67 = arith.constant 128 : i32
    %scan3A_68 = arith.addi %scan3A_66, %scan3A_67 : i32
    %scan3A_69 = arith.constant 1 : i32
    scf.for %scan3A_91 = %scan3A_66 to %scan3A_68 step %scan3A_69  : i32 {
      %broadcast_in_dim3A = arith.constant 0 : i32
      %broadcast_in_dim3A_92 = vector.broadcast %broadcast_in_dim3A : i32 to vector<16xi32>
      %add3A_93 = vector.broadcast %scan3A_91 : i32 to vector<16xi32>
      %add3A_94 = arith.addi %broadcast_in_dim3A_92, %add3A_93 : vector<16xi32>
      %add3A_95 = arith.constant 0 : i32
      %add3A_96 = vector.broadcast %add3A_95 : i32 to vector<16xi32>
      %add3A_97 = arith.addi %mul3A_63, %add3A_96 : vector<16xi32>
      %gather3A = tpu.vector_load_idx %arg6[%add3A_94, %add3A_97] : memref<128x256xf32, #tpu.memory_space<vmem>>[vector<16xi32>, vector<16xi32>], vector<16xf32>,
      %add3A_98 = arith.constant 0 : i32
      %add3A_99 = vector.broadcast %add3A_98 : i32 to vector<16xi32>
      %add3A_100 = arith.addi %iota3A_64, %add3A_99 : vector<16xi32>
      tpu.vector_store_idx %arg8[%add3A_94, %add3A_100], %gather3A : memref<128x256xf32, #tpu.memory_space<vmem>>[vector<16xi32>, vector<16xi32>], vector<16xf32>,
      %add3A_101 = arith.constant 1 : i32
      %add3A_102 = vector.broadcast %add3A_101 : i32 to vector<16xi32>
      %add3A_103 = arith.addi %mul3A_63, %add3A_102 : vector<16xi32>
      %gather3A_104 = tpu.vector_load_idx %arg6[%add3A_94, %add3A_103] : memref<128x256xf32, #tpu.memory_space<vmem>>[vector<16xi32>, vector<16xi32>], vector<16xf32>,
      %add3A_105 = arith.constant 16 : i32
      %add3A_106 = vector.broadcast %add3A_105 : i32 to vector<16xi32>
      %add3A_107 = arith.addi %iota3A_64, %add3A_106 : vector<16xi32>
      tpu.vector_store_idx %arg8[%add3A_94, %add3A_107], %gather3A_104 : memref<128x256xf32, #tpu.memory_space<vmem>>[vector<16xi32>, vector<16xi32>], vector<16xf32>,
      %add3A_108 = arith.constant 2 : i32
      %add3A_109 = vector.broadcast %add3A_108 : i32 to vector<16xi32>
      %add3A_110 = arith.addi %mul3A_63, %add3A_109 : vector<16xi32>
      %gather3A_111 = tpu.vector_load_idx %arg6[%add3A_94, %add3A_110] : memref<128x256xf32, #tpu.memory_space<vmem>>[vector<16xi32>, vector<16xi32>], vector<16xf32>,
      %add3A_112 = arith.constant 32 : i32
      %add3A_113 = vector.broadcast %add3A_112 : i32 to vector<16xi32>
      %add3A_114 = arith.addi %iota3A_64, %add3A_113 : vector<16xi32>
      tpu.vector_store_idx %arg8[%add3A_94, %add3A_114], %gather3A_111 : memref<128x256xf32, #tpu.memory_space<vmem>>[vector<16xi32>, vector<16xi32>], vector<16xf32>,
      %add3A_115 = arith.constant 3 : i32
      %add3A_116 = vector.broadcast %add3A_115 : i32 to vector<16xi32>
      %add3A_117 = arith.addi %mul3A_63, %add3A_116 : vector<16xi32>
      %gather3A_118 = tpu.vector_load_idx %arg6[%add3A_94, %add3A_117] : memref<128x256xf32, #tpu.memory_space<vmem>>[vector<16xi32>, vector<16xi32>], vector<16xf32>,
      %add3A_119 = arith.constant 48 : i32
      %add3A_120 = vector.broadcast %add3A_119 : i32 to vector<16xi32>
      %add3A_121 = arith.addi %iota3A_64, %add3A_120 : vector<16xi32>
      tpu.vector_store_idx %arg8[%add3A_94, %add3A_121], %gather3A_118 : memref<128x256xf32, #tpu.memory_space<vmem>>[vector<16xi32>, vector<16xi32>], vector<16xf32>,
      %add3A_122 = arith.constant 4 : i32
      %add3A_123 = vector.broadcast %add3A_122 : i32 to vector<16xi32>
      %add3A_124 = arith.addi %mul3A_63, %add3A_123 : vector<16xi32>
      %gather3A_125 = tpu.vector_load_idx %arg6[%add3A_94, %add3A_124] : memref<128x256xf32, #tpu.memory_space<vmem>>[vector<16xi32>, vector<16xi32>], vector<16xf32>,
      %add3A_126 = arith.constant 64 : i32
      %add3A_127 = vector.broadcast %add3A_126 : i32 to vector<16xi32>
      %add3A_128 = arith.addi %iota3A_64, %add3A_127 : vector<16xi32>
      tpu.vector_store_idx %arg8[%add3A_94, %add3A_128], %gather3A_125 : memref<128x256xf32, #tpu.memory_space<vmem>>[vector<16xi32>, vector<16xi32>], vector<16xf32>,
      %add3A_129 = arith.constant 5 : i32
      %add3A_130 = vector.broadcast %add3A_129 : i32 to vector<16xi32>
      %add3A_131 = arith.addi %mul3A_63, %add3A_130 : vector<16xi32>
      %gather3A_132 = tpu.vector_load_idx %arg6[%add3A_94, %add3A_131] : memref<128x256xf32, #tpu.memory_space<vmem>>[vector<16xi32>, vector<16xi32>], vector<16xf32>,
      %add3A_133 = arith.constant 80 : i32
      %add3A_134 = vector.broadcast %add3A_133 : i32 to vector<16xi32>
      %add3A_135 = arith.addi %iota3A_64, %add3A_134 : vector<16xi32>
      tpu.vector_store_idx %arg8[%add3A_94, %add3A_135], %gather3A_132 : memref<128x256xf32, #tpu.memory_space<vmem>>[vector<16xi32>, vector<16xi32>], vector<16xf32>,
      %add3A_136 = arith.constant 6 : i32
      %add3A_137 = vector.broadcast %add3A_136 : i32 to vector<16xi32>
      %add3A_138 = arith.addi %mul3A_63, %add3A_137 : vector<16xi32>
      %gather3A_139 = tpu.vector_load_idx %arg6[%add3A_94, %add3A_138] : memref<128x256xf32, #tpu.memory_space<vmem>>[vector<16xi32>, vector<16xi32>], vector<16xf32>,
      %add3A_140 = arith.constant 96 : i32
      %add3A_141 = vector.broadcast %add3A_140 : i32 to vector<16xi32>
      %add3A_142 = arith.addi %iota3A_64, %add3A_141 : vector<16xi32>
      tpu.vector_store_idx %arg8[%add3A_94, %add3A_142], %gather3A_139 : memref<128x256xf32, #tpu.memory_space<vmem>>[vector<16xi32>, vector<16xi32>], vector<16xf32>,
      %add3A_143 = arith.constant 7 : i32
      %add3A_144 = vector.broadcast %add3A_143 : i32 to vector<16xi32>
      %add3A_145 = arith.addi %mul3A_63, %add3A_144 : vector<16xi32>
      %gather3A_146 = tpu.vector_load_idx %arg6[%add3A_94, %add3A_145] : memref<128x256xf32, #tpu.memory_space<vmem>>[vector<16xi32>, vector<16xi32>], vector<16xf32>,
      %add3A_147 = arith.constant 112 : i32
      %add3A_148 = vector.broadcast %add3A_147 : i32 to vector<16xi32>
      %add3A_149 = arith.addi %iota3A_64, %add3A_148 : vector<16xi32>
      tpu.vector_store_idx %arg8[%add3A_94, %add3A_149], %gather3A_146 : memref<128x256xf32, #tpu.memory_space<vmem>>[vector<16xi32>, vector<16xi32>], vector<16xf32>,
      %add3A_150 = arith.constant 8 : i32
      %add3A_151 = vector.broadcast %add3A_150 : i32 to vector<16xi32>
      %add3A_152 = arith.addi %mul3A_63, %add3A_151 : vector<16xi32>
      %gather3A_153 = tpu.vector_load_idx %arg6[%add3A_94, %add3A_152] : memref<128x256xf32, #tpu.memory_space<vmem>>[vector<16xi32>, vector<16xi32>], vector<16xf32>,
      %add3A_154 = arith.constant 128 : i32
      %add3A_155 = vector.broadcast %add3A_154 : i32 to vector<16xi32>
      %add3A_156 = arith.addi %iota3A_64, %add3A_155 : vector<16xi32>
      tpu.vector_store_idx %arg8[%add3A_94, %add3A_156], %gather3A_153 : memref<128x256xf32, #tpu.memory_space<vmem>>[vector<16xi32>, vector<16xi32>], vector<16xf32>,
      %add3A_157 = arith.constant 9 : i32
      %add3A_158 = vector.broadcast %add3A_157 : i32 to vector<16xi32>
      %add3A_159 = arith.addi %mul3A_63, %add3A_158 : vector<16xi32>
      %gather3A_160 = tpu.vector_load_idx %arg6[%add3A_94, %add3A_159] : memref<128x256xf32, #tpu.memory_space<vmem>>[vector<16xi32>, vector<16xi32>], vector<16xf32>,
      %add3A_161 = arith.constant 144 : i32
      %add3A_162 = vector.broadcast %add3A_161 : i32 to vector<16xi32>
      %add3A_163 = arith.addi %iota3A_64, %add3A_162 : vector<16xi32>
      tpu.vector_store_idx %arg8[%add3A_94, %add3A_163], %gather3A_160 : memref<128x256xf32, #tpu.memory_space<vmem>>[vector<16xi32>, vector<16xi32>], vector<16xf32>,
      %add3A_164 = arith.constant 10 : i32
      %add3A_165 = vector.broadcast %add3A_164 : i32 to vector<16xi32>
      %add3A_166 = arith.addi %mul3A_63, %add3A_165 : vector<16xi32>
      %gather3A_167 = tpu.vector_load_idx %arg6[%add3A_94, %add3A_166] : memref<128x256xf32, #tpu.memory_space<vmem>>[vector<16xi32>, vector<16xi32>], vector<16xf32>,
      %add3A_168 = arith.constant 160 : i32
      %add3A_169 = vector.broadcast %add3A_168 : i32 to vector<16xi32>
      %add3A_170 = arith.addi %iota3A_64, %add3A_169 : vector<16xi32>
      tpu.vector_store_idx %arg8[%add3A_94, %add3A_170], %gather3A_167 : memref<128x256xf32, #tpu.memory_space<vmem>>[vector<16xi32>, vector<16xi32>], vector<16xf32>,
      %add3A_171 = arith.constant 11 : i32
      %add3A_172 = vector.broadcast %add3A_171 : i32 to vector<16xi32>
      %add3A_173 = arith.addi %mul3A_63, %add3A_172 : vector<16xi32>
      %gather3A_174 = tpu.vector_load_idx %arg6[%add3A_94, %add3A_173] : memref<128x256xf32, #tpu.memory_space<vmem>>[vector<16xi32>, vector<16xi32>], vector<16xf32>,
      %add3A_175 = arith.constant 176 : i32
      %add3A_176 = vector.broadcast %add3A_175 : i32 to vector<16xi32>
      %add3A_177 = arith.addi %iota3A_64, %add3A_176 : vector<16xi32>
      tpu.vector_store_idx %arg8[%add3A_94, %add3A_177], %gather3A_174 : memref<128x256xf32, #tpu.memory_space<vmem>>[vector<16xi32>, vector<16xi32>], vector<16xf32>,
      %add3A_178 = arith.constant 12 : i32
      %add3A_179 = vector.broadcast %add3A_178 : i32 to vector<16xi32>
      %add3A_180 = arith.addi %mul3A_63, %add3A_179 : vector<16xi32>
      %gather3A_181 = tpu.vector_load_idx %arg6[%add3A_94, %add3A_180] : memref<128x256xf32, #tpu.memory_space<vmem>>[vector<16xi32>, vector<16xi32>], vector<16xf32>,
      %add3A_182 = arith.constant 192 : i32
      %add3A_183 = vector.broadcast %add3A_182 : i32 to vector<16xi32>
      %add3A_184 = arith.addi %iota3A_64, %add3A_183 : vector<16xi32>
      tpu.vector_store_idx %arg8[%add3A_94, %add3A_184], %gather3A_181 : memref<128x256xf32, #tpu.memory_space<vmem>>[vector<16xi32>, vector<16xi32>], vector<16xf32>,
      %add3A_185 = arith.constant 13 : i32
      %add3A_186 = vector.broadcast %add3A_185 : i32 to vector<16xi32>
      %add3A_187 = arith.addi %mul3A_63, %add3A_186 : vector<16xi32>
      %gather3A_188 = tpu.vector_load_idx %arg6[%add3A_94, %add3A_187] : memref<128x256xf32, #tpu.memory_space<vmem>>[vector<16xi32>, vector<16xi32>], vector<16xf32>,
      %add3A_189 = arith.constant 208 : i32
      %add3A_190 = vector.broadcast %add3A_189 : i32 to vector<16xi32>
      %add3A_191 = arith.addi %iota3A_64, %add3A_190 : vector<16xi32>
      tpu.vector_store_idx %arg8[%add3A_94, %add3A_191], %gather3A_188 : memref<128x256xf32, #tpu.memory_space<vmem>>[vector<16xi32>, vector<16xi32>], vector<16xf32>,
      %add3A_192 = arith.constant 14 : i32
      %add3A_193 = vector.broadcast %add3A_192 : i32 to vector<16xi32>
      %add3A_194 = arith.addi %mul3A_63, %add3A_193 : vector<16xi32>
      %gather3A_195 = tpu.vector_load_idx %arg6[%add3A_94, %add3A_194] : memref<128x256xf32, #tpu.memory_space<vmem>>[vector<16xi32>, vector<16xi32>], vector<16xf32>,
      %add3A_196 = arith.constant 224 : i32
      %add3A_197 = vector.broadcast %add3A_196 : i32 to vector<16xi32>
      %add3A_198 = arith.addi %iota3A_64, %add3A_197 : vector<16xi32>
      tpu.vector_store_idx %arg8[%add3A_94, %add3A_198], %gather3A_195 : memref<128x256xf32, #tpu.memory_space<vmem>>[vector<16xi32>, vector<16xi32>], vector<16xf32>,
      %add3A_199 = arith.constant 15 : i32
      %add3A_200 = vector.broadcast %add3A_199 : i32 to vector<16xi32>
      %add3A_201 = arith.addi %mul3A_63, %add3A_200 : vector<16xi32>
      %gather3A_202 = tpu.vector_load_idx %arg6[%add3A_94, %add3A_201] : memref<128x256xf32, #tpu.memory_space<vmem>>[vector<16xi32>, vector<16xi32>], vector<16xf32>,
      %add3A_203 = arith.constant 240 : i32
      %add3A_204 = vector.broadcast %add3A_203 : i32 to vector<16xi32>
      %add3A_205 = arith.addi %iota3A_64, %add3A_204 : vector<16xi32>
      tpu.vector_store_idx %arg8[%add3A_94, %add3A_205], %gather3A_202 : memref<128x256xf32, #tpu.memory_space<vmem>>[vector<16xi32>, vector<16xi32>], vector<16xf32>,
    }
    %scan3A_70 = arith.constant 128 : i32
    %add3A_71 = arith.constant 256 : i32
    %add3A_72 = arith.addi %mul3A_2, %add3A_71 : i32
    "tpu.region"() ({
      %run_scoped3A = tpu.sem_alloc : memref<!tpu.dma_semaphore, #tpu.memory_space<semaphore_mem>>
      %dma_start3A_91 = arith.constant 0 : i32
      %dma_start3A_92 = tpu.memref_slice %arg4[%add3A_72, %dma_start3A_91] : memref<16384x256xf32, #tpu.memory_space<hbm>> -> memref<128x256xf32, #tpu.memory_space<hbm>>
      %dma_start3A_93 = arith.constant 0 : i32
      %dma_start3A_94 = tpu.memref_slice %arg4[%add3A_72, %dma_start3A_93] : memref<16384x256xf32, #tpu.memory_space<hbm>> -> memref<128x256xf32, #tpu.memory_space<hbm>>
      tpu.enqueue_dma source(%arg8 : memref<128x256xf32, #tpu.memory_space<vmem>>) target(%dma_start3A_94 : memref<128x256xf32, #tpu.memory_space<hbm>>) target_semaphore(%run_scoped3A : memref<!tpu.dma_semaphore, #tpu.memory_space<semaphore_mem>>)
      %dma_wait3A_95 = arith.constant 0 : i32
      %dma_wait3A_96 = tpu.memref_slice %arg4[%add3A_72, %dma_wait3A_95] : memref<16384x256xf32, #tpu.memory_space<hbm>> -> memref<128x256xf32, #tpu.memory_space<hbm>>
      %dma_wait3A_97 = arith.constant 0 : i32
      %dma_wait3A_98 = tpu.memref_slice %arg4[%add3A_72, %dma_wait3A_97] : memref<16384x256xf32, #tpu.memory_space<hbm>> -> memref<128x256xf32, #tpu.memory_space<hbm>>
      tpu.wait_dma2 semaphore(%run_scoped3A : memref<!tpu.dma_semaphore, #tpu.memory_space<semaphore_mem>>) src(%arg8 : memref<128x256xf32, #tpu.memory_space<vmem>>) dst(%dma_wait3A_98 : memref<128x256xf32, #tpu.memory_space<hbm>>)
      tpu.yield
    }) : () -> ()
    %dma_wait3A_73 = arith.constant 384 : i32
    %dma_wait3A_74 = tpu.memref_slice %arg5[%dma_wait3A_73] : memref<512xi32, #tpu.memory_space<vmem>> -> memref<128xi32, #tpu.memory_space<vmem>>
    %dma_wait3A_75 = arith.constant 0 : i32
    %dma_wait3A_76 = arith.constant 0 : i32
    %dma_wait3A_77 = tpu.memref_slice %arg2[%dma_wait3A_75, %dma_wait3A_76] : memref<100000x256xf32, #tpu.memory_space<hbm>> -> memref<100000x256xf32, #tpu.memory_space<hbm>>
    tpu.wait_indirect_dma semaphore(%arg10 : memref<!tpu.dma_semaphore, #tpu.memory_space<semaphore_mem>>) src(%dma_wait3A_77 : memref<100000x256xf32, #tpu.memory_space<hbm>>) dst(%arg7 : memref<128x256xf32, #tpu.memory_space<vmem>>)
    %iota3A_78 = tpu.iota {dimensions = array<i32: 0>} : vector<16xi32>
    %mul3A_79 = arith.constant 16 : i32
    %mul3A_80 = vector.broadcast %mul3A_79 : i32 to vector<16xi32>
    %mul3A_81 = arith.muli %iota3A_78, %mul3A_80 : vector<16xi32>
    %iota3A_82 = tpu.iota {dimensions = array<i32: 0>} : vector<16xi32>
    %scan3A_83 = arith.constant 0 : i32
    %scan3A_84 = arith.constant 0 : i32
    %scan3A_85 = arith.constant 128 : i32
    %scan3A_86 = arith.addi %scan3A_84, %scan3A_85 : i32
    %scan3A_87 = arith.constant 1 : i32
    scf.for %scan3A_91 = %scan3A_84 to %scan3A_86 step %scan3A_87  : i32 {
      %broadcast_in_dim3A = arith.constant 0 : i32
      %broadcast_in_dim3A_92 = vector.broadcast %broadcast_in_dim3A : i32 to vector<16xi32>
      %add3A_93 = vector.broadcast %scan3A_91 : i32 to vector<16xi32>
      %add3A_94 = arith.addi %broadcast_in_dim3A_92, %add3A_93 : vector<16xi32>
      %add3A_95 = arith.constant 0 : i32
      %add3A_96 = vector.broadcast %add3A_95 : i32 to vector<16xi32>
      %add3A_97 = arith.addi %mul3A_81, %add3A_96 : vector<16xi32>
      %gather3A = tpu.vector_load_idx %arg7[%add3A_94, %add3A_97] : memref<128x256xf32, #tpu.memory_space<vmem>>[vector<16xi32>, vector<16xi32>], vector<16xf32>,
      %add3A_98 = arith.constant 0 : i32
      %add3A_99 = vector.broadcast %add3A_98 : i32 to vector<16xi32>
      %add3A_100 = arith.addi %iota3A_82, %add3A_99 : vector<16xi32>
      tpu.vector_store_idx %arg8[%add3A_94, %add3A_100], %gather3A : memref<128x256xf32, #tpu.memory_space<vmem>>[vector<16xi32>, vector<16xi32>], vector<16xf32>,
      %add3A_101 = arith.constant 1 : i32
      %add3A_102 = vector.broadcast %add3A_101 : i32 to vector<16xi32>
      %add3A_103 = arith.addi %mul3A_81, %add3A_102 : vector<16xi32>
      %gather3A_104 = tpu.vector_load_idx %arg7[%add3A_94, %add3A_103] : memref<128x256xf32, #tpu.memory_space<vmem>>[vector<16xi32>, vector<16xi32>], vector<16xf32>,
      %add3A_105 = arith.constant 16 : i32
      %add3A_106 = vector.broadcast %add3A_105 : i32 to vector<16xi32>
      %add3A_107 = arith.addi %iota3A_82, %add3A_106 : vector<16xi32>
      tpu.vector_store_idx %arg8[%add3A_94, %add3A_107], %gather3A_104 : memref<128x256xf32, #tpu.memory_space<vmem>>[vector<16xi32>, vector<16xi32>], vector<16xf32>,
      %add3A_108 = arith.constant 2 : i32
      %add3A_109 = vector.broadcast %add3A_108 : i32 to vector<16xi32>
      %add3A_110 = arith.addi %mul3A_81, %add3A_109 : vector<16xi32>
      %gather3A_111 = tpu.vector_load_idx %arg7[%add3A_94, %add3A_110] : memref<128x256xf32, #tpu.memory_space<vmem>>[vector<16xi32>, vector<16xi32>], vector<16xf32>,
      %add3A_112 = arith.constant 32 : i32
      %add3A_113 = vector.broadcast %add3A_112 : i32 to vector<16xi32>
      %add3A_114 = arith.addi %iota3A_82, %add3A_113 : vector<16xi32>
      tpu.vector_store_idx %arg8[%add3A_94, %add3A_114], %gather3A_111 : memref<128x256xf32, #tpu.memory_space<vmem>>[vector<16xi32>, vector<16xi32>], vector<16xf32>,
      %add3A_115 = arith.constant 3 : i32
      %add3A_116 = vector.broadcast %add3A_115 : i32 to vector<16xi32>
      %add3A_117 = arith.addi %mul3A_81, %add3A_116 : vector<16xi32>
      %gather3A_118 = tpu.vector_load_idx %arg7[%add3A_94, %add3A_117] : memref<128x256xf32, #tpu.memory_space<vmem>>[vector<16xi32>, vector<16xi32>], vector<16xf32>,
      %add3A_119 = arith.constant 48 : i32
      %add3A_120 = vector.broadcast %add3A_119 : i32 to vector<16xi32>
      %add3A_121 = arith.addi %iota3A_82, %add3A_120 : vector<16xi32>
      tpu.vector_store_idx %arg8[%add3A_94, %add3A_121], %gather3A_118 : memref<128x256xf32, #tpu.memory_space<vmem>>[vector<16xi32>, vector<16xi32>], vector<16xf32>,
      %add3A_122 = arith.constant 4 : i32
      %add3A_123 = vector.broadcast %add3A_122 : i32 to vector<16xi32>
      %add3A_124 = arith.addi %mul3A_81, %add3A_123 : vector<16xi32>
      %gather3A_125 = tpu.vector_load_idx %arg7[%add3A_94, %add3A_124] : memref<128x256xf32, #tpu.memory_space<vmem>>[vector<16xi32>, vector<16xi32>], vector<16xf32>,
      %add3A_126 = arith.constant 64 : i32
      %add3A_127 = vector.broadcast %add3A_126 : i32 to vector<16xi32>
      %add3A_128 = arith.addi %iota3A_82, %add3A_127 : vector<16xi32>
      tpu.vector_store_idx %arg8[%add3A_94, %add3A_128], %gather3A_125 : memref<128x256xf32, #tpu.memory_space<vmem>>[vector<16xi32>, vector<16xi32>], vector<16xf32>,
      %add3A_129 = arith.constant 5 : i32
      %add3A_130 = vector.broadcast %add3A_129 : i32 to vector<16xi32>
      %add3A_131 = arith.addi %mul3A_81, %add3A_130 : vector<16xi32>
      %gather3A_132 = tpu.vector_load_idx %arg7[%add3A_94, %add3A_131] : memref<128x256xf32, #tpu.memory_space<vmem>>[vector<16xi32>, vector<16xi32>], vector<16xf32>,
      %add3A_133 = arith.constant 80 : i32
      %add3A_134 = vector.broadcast %add3A_133 : i32 to vector<16xi32>
      %add3A_135 = arith.addi %iota3A_82, %add3A_134 : vector<16xi32>
      tpu.vector_store_idx %arg8[%add3A_94, %add3A_135], %gather3A_132 : memref<128x256xf32, #tpu.memory_space<vmem>>[vector<16xi32>, vector<16xi32>], vector<16xf32>,
      %add3A_136 = arith.constant 6 : i32
      %add3A_137 = vector.broadcast %add3A_136 : i32 to vector<16xi32>
      %add3A_138 = arith.addi %mul3A_81, %add3A_137 : vector<16xi32>
      %gather3A_139 = tpu.vector_load_idx %arg7[%add3A_94, %add3A_138] : memref<128x256xf32, #tpu.memory_space<vmem>>[vector<16xi32>, vector<16xi32>], vector<16xf32>,
      %add3A_140 = arith.constant 96 : i32
      %add3A_141 = vector.broadcast %add3A_140 : i32 to vector<16xi32>
      %add3A_142 = arith.addi %iota3A_82, %add3A_141 : vector<16xi32>
      tpu.vector_store_idx %arg8[%add3A_94, %add3A_142], %gather3A_139 : memref<128x256xf32, #tpu.memory_space<vmem>>[vector<16xi32>, vector<16xi32>], vector<16xf32>,
      %add3A_143 = arith.constant 7 : i32
      %add3A_144 = vector.broadcast %add3A_143 : i32 to vector<16xi32>
      %add3A_145 = arith.addi %mul3A_81, %add3A_144 : vector<16xi32>
      %gather3A_146 = tpu.vector_load_idx %arg7[%add3A_94, %add3A_145] : memref<128x256xf32, #tpu.memory_space<vmem>>[vector<16xi32>, vector<16xi32>], vector<16xf32>,
      %add3A_147 = arith.constant 112 : i32
      %add3A_148 = vector.broadcast %add3A_147 : i32 to vector<16xi32>
      %add3A_149 = arith.addi %iota3A_82, %add3A_148 : vector<16xi32>
      tpu.vector_store_idx %arg8[%add3A_94, %add3A_149], %gather3A_146 : memref<128x256xf32, #tpu.memory_space<vmem>>[vector<16xi32>, vector<16xi32>], vector<16xf32>,
      %add3A_150 = arith.constant 8 : i32
      %add3A_151 = vector.broadcast %add3A_150 : i32 to vector<16xi32>
      %add3A_152 = arith.addi %mul3A_81, %add3A_151 : vector<16xi32>
      %gather3A_153 = tpu.vector_load_idx %arg7[%add3A_94, %add3A_152] : memref<128x256xf32, #tpu.memory_space<vmem>>[vector<16xi32>, vector<16xi32>], vector<16xf32>,
      %add3A_154 = arith.constant 128 : i32
      %add3A_155 = vector.broadcast %add3A_154 : i32 to vector<16xi32>
      %add3A_156 = arith.addi %iota3A_82, %add3A_155 : vector<16xi32>
      tpu.vector_store_idx %arg8[%add3A_94, %add3A_156], %gather3A_153 : memref<128x256xf32, #tpu.memory_space<vmem>>[vector<16xi32>, vector<16xi32>], vector<16xf32>,
      %add3A_157 = arith.constant 9 : i32
      %add3A_158 = vector.broadcast %add3A_157 : i32 to vector<16xi32>
      %add3A_159 = arith.addi %mul3A_81, %add3A_158 : vector<16xi32>
      %gather3A_160 = tpu.vector_load_idx %arg7[%add3A_94, %add3A_159] : memref<128x256xf32, #tpu.memory_space<vmem>>[vector<16xi32>, vector<16xi32>], vector<16xf32>,
      %add3A_161 = arith.constant 144 : i32
      %add3A_162 = vector.broadcast %add3A_161 : i32 to vector<16xi32>
      %add3A_163 = arith.addi %iota3A_82, %add3A_162 : vector<16xi32>
      tpu.vector_store_idx %arg8[%add3A_94, %add3A_163], %gather3A_160 : memref<128x256xf32, #tpu.memory_space<vmem>>[vector<16xi32>, vector<16xi32>], vector<16xf32>,
      %add3A_164 = arith.constant 10 : i32
      %add3A_165 = vector.broadcast %add3A_164 : i32 to vector<16xi32>
      %add3A_166 = arith.addi %mul3A_81, %add3A_165 : vector<16xi32>
      %gather3A_167 = tpu.vector_load_idx %arg7[%add3A_94, %add3A_166] : memref<128x256xf32, #tpu.memory_space<vmem>>[vector<16xi32>, vector<16xi32>], vector<16xf32>,
      %add3A_168 = arith.constant 160 : i32
      %add3A_169 = vector.broadcast %add3A_168 : i32 to vector<16xi32>
      %add3A_170 = arith.addi %iota3A_82, %add3A_169 : vector<16xi32>
      tpu.vector_store_idx %arg8[%add3A_94, %add3A_170], %gather3A_167 : memref<128x256xf32, #tpu.memory_space<vmem>>[vector<16xi32>, vector<16xi32>], vector<16xf32>,
      %add3A_171 = arith.constant 11 : i32
      %add3A_172 = vector.broadcast %add3A_171 : i32 to vector<16xi32>
      %add3A_173 = arith.addi %mul3A_81, %add3A_172 : vector<16xi32>
      %gather3A_174 = tpu.vector_load_idx %arg7[%add3A_94, %add3A_173] : memref<128x256xf32, #tpu.memory_space<vmem>>[vector<16xi32>, vector<16xi32>], vector<16xf32>,
      %add3A_175 = arith.constant 176 : i32
      %add3A_176 = vector.broadcast %add3A_175 : i32 to vector<16xi32>
      %add3A_177 = arith.addi %iota3A_82, %add3A_176 : vector<16xi32>
      tpu.vector_store_idx %arg8[%add3A_94, %add3A_177], %gather3A_174 : memref<128x256xf32, #tpu.memory_space<vmem>>[vector<16xi32>, vector<16xi32>], vector<16xf32>,
      %add3A_178 = arith.constant 12 : i32
      %add3A_179 = vector.broadcast %add3A_178 : i32 to vector<16xi32>
      %add3A_180 = arith.addi %mul3A_81, %add3A_179 : vector<16xi32>
      %gather3A_181 = tpu.vector_load_idx %arg7[%add3A_94, %add3A_180] : memref<128x256xf32, #tpu.memory_space<vmem>>[vector<16xi32>, vector<16xi32>], vector<16xf32>,
      %add3A_182 = arith.constant 192 : i32
      %add3A_183 = vector.broadcast %add3A_182 : i32 to vector<16xi32>
      %add3A_184 = arith.addi %iota3A_82, %add3A_183 : vector<16xi32>
      tpu.vector_store_idx %arg8[%add3A_94, %add3A_184], %gather3A_181 : memref<128x256xf32, #tpu.memory_space<vmem>>[vector<16xi32>, vector<16xi32>], vector<16xf32>,
      %add3A_185 = arith.constant 13 : i32
      %add3A_186 = vector.broadcast %add3A_185 : i32 to vector<16xi32>
      %add3A_187 = arith.addi %mul3A_81, %add3A_186 : vector<16xi32>
      %gather3A_188 = tpu.vector_load_idx %arg7[%add3A_94, %add3A_187] : memref<128x256xf32, #tpu.memory_space<vmem>>[vector<16xi32>, vector<16xi32>], vector<16xf32>,
      %add3A_189 = arith.constant 208 : i32
      %add3A_190 = vector.broadcast %add3A_189 : i32 to vector<16xi32>
      %add3A_191 = arith.addi %iota3A_82, %add3A_190 : vector<16xi32>
      tpu.vector_store_idx %arg8[%add3A_94, %add3A_191], %gather3A_188 : memref<128x256xf32, #tpu.memory_space<vmem>>[vector<16xi32>, vector<16xi32>], vector<16xf32>,
      %add3A_192 = arith.constant 14 : i32
      %add3A_193 = vector.broadcast %add3A_192 : i32 to vector<16xi32>
      %add3A_194 = arith.addi %mul3A_81, %add3A_193 : vector<16xi32>
      %gather3A_195 = tpu.vector_load_idx %arg7[%add3A_94, %add3A_194] : memref<128x256xf32, #tpu.memory_space<vmem>>[vector<16xi32>, vector<16xi32>], vector<16xf32>,
      %add3A_196 = arith.constant 224 : i32
      %add3A_197 = vector.broadcast %add3A_196 : i32 to vector<16xi32>
      %add3A_198 = arith.addi %iota3A_82, %add3A_197 : vector<16xi32>
      tpu.vector_store_idx %arg8[%add3A_94, %add3A_198], %gather3A_195 : memref<128x256xf32, #tpu.memory_space<vmem>>[vector<16xi32>, vector<16xi32>], vector<16xf32>,
      %add3A_199 = arith.constant 15 : i32
      %add3A_200 = vector.broadcast %add3A_199 : i32 to vector<16xi32>
      %add3A_201 = arith.addi %mul3A_81, %add3A_200 : vector<16xi32>
      %gather3A_202 = tpu.vector_load_idx %arg7[%add3A_94, %add3A_201] : memref<128x256xf32, #tpu.memory_space<vmem>>[vector<16xi32>, vector<16xi32>], vector<16xf32>,
      %add3A_203 = arith.constant 240 : i32
      %add3A_204 = vector.broadcast %add3A_203 : i32 to vector<16xi32>
      %add3A_205 = arith.addi %iota3A_82, %add3A_204 : vector<16xi32>
      tpu.vector_store_idx %arg8[%add3A_94, %add3A_205], %gather3A_202 : memref<128x256xf32, #tpu.memory_space<vmem>>[vector<16xi32>, vector<16xi32>], vector<16xf32>,
    }
    %scan3A_88 = arith.constant 128 : i32
    %add3A_89 = arith.constant 384 : i32
    %add3A_90 = arith.addi %mul3A_2, %add3A_89 : i32
    "tpu.region"() ({
      %run_scoped3A = tpu.sem_alloc : memref<!tpu.dma_semaphore, #tpu.memory_space<semaphore_mem>>
      %dma_start3A_91 = arith.constant 0 : i32
      %dma_start3A_92 = tpu.memref_slice %arg4[%add3A_90, %dma_start3A_91] : memref<16384x256xf32, #tpu.memory_space<hbm>> -> memref<128x256xf32, #tpu.memory_space<hbm>>
      %dma_start3A_93 = arith.constant 0 : i32
      %dma_start3A_94 = tpu.memref_slice %arg4[%add3A_90, %dma_start3A_93] : memref<16384x256xf32, #tpu.memory_space<hbm>> -> memref<128x256xf32, #tpu.memory_space<hbm>>
      tpu.enqueue_dma source(%arg8 : memref<128x256xf32, #tpu.memory_space<vmem>>) target(%dma_start3A_94 : memref<128x256xf32, #tpu.memory_space<hbm>>) target_semaphore(%run_scoped3A : memref<!tpu.dma_semaphore, #tpu.memory_space<semaphore_mem>>)
      %dma_wait3A_95 = arith.constant 0 : i32
      %dma_wait3A_96 = tpu.memref_slice %arg4[%add3A_90, %dma_wait3A_95] : memref<16384x256xf32, #tpu.memory_space<hbm>> -> memref<128x256xf32, #tpu.memory_space<hbm>>
      %dma_wait3A_97 = arith.constant 0 : i32
      %dma_wait3A_98 = tpu.memref_slice %arg4[%add3A_90, %dma_wait3A_97] : memref<16384x256xf32, #tpu.memory_space<hbm>> -> memref<128x256xf32, #tpu.memory_space<hbm>>
      tpu.wait_dma2 semaphore(%run_scoped3A : memref<!tpu.dma_semaphore, #tpu.memory_space<semaphore_mem>>) src(%arg8 : memref<128x256xf32, #tpu.memory_space<vmem>>) dst(%dma_wait3A_98 : memref<128x256xf32, #tpu.memory_space<hbm>>)
      tpu.yield
    }) : () -> ()
    return
  }
}

#map = affine_map<(d0, d1) -> (0, 0)>
#map1 = affine_map<(d0, d1) -> (0)>
module attributes {stable_mosaic.version = 14 : i64} {
  func.func @sc_gather(%arg0: i32, %arg1: i32, %arg2: memref<100000x256xf32, #tpu.memory_space<hbm>>, %arg3: memref<16384xi32, #tpu.memory_space<hbm>>, %arg4: memref<16384x256xf32, #tpu.memory_space<hbm>>, %arg5: memref<512xi32, #tpu.memory_space<vmem>>, %arg6: memref<128x256xf32, #tpu.memory_space<vmem>>, %arg7: memref<128x256xf32, #tpu.memory_space<vmem>>, %arg8: memref<128x256xf32, #tpu.memory_space<vmem>>, %arg9: memref<!tpu.dma_semaphore, #tpu.memory_space<semaphore_mem>>, %arg10: memref<!tpu.dma_semaphore, #tpu.memory_space<semaphore_mem>>) attributes {dimension_semantics = [#tpu.dimension_semantics<core_parallel>, #tpu.dimension_semantics<subcore_parallel>], iteration_bounds = array<i64: 2, 16>, scalar_prefetch = 0 : i64, scratch_operands = 6 : i64, tpu.core_type = #tpu.core_type<sc_vector_subcore>, window_params = [{transform_indices = #map}, {transform_indices = #map1}, {transform_indices = #map}]} {
    %mul3A = arith.constant 2 : i32
    %mul3A_0 = arith.muli %arg1, %mul3A : i32
    %add3A = arith.addi %mul3A_0, %arg0 : i32
    %mul3A_1 = arith.constant 512 : i32
    %mul3A_2 = arith.muli %add3A, %mul3A_1 : i32
    "tpu.region"() ({
      %run_scoped3A = tpu.sem_alloc : memref<!tpu.dma_semaphore, #tpu.memory_space<semaphore_mem>>
      %dma_start3A_49 = tpu.memref_slice %arg3[%mul3A_2] : memref<16384xi32, #tpu.memory_space<hbm>> -> memref<512xi32, #tpu.memory_space<hbm>>
      %dma_start3A_50 = tpu.memref_slice %arg3[%mul3A_2] : memref<16384xi32, #tpu.memory_space<hbm>> -> memref<512xi32, #tpu.memory_space<hbm>>
      tpu.enqueue_dma source(%dma_start3A_50 : memref<512xi32, #tpu.memory_space<hbm>>) target(%arg5 : memref<512xi32, #tpu.memory_space<vmem>>) target_semaphore(%run_scoped3A : memref<!tpu.dma_semaphore, #tpu.memory_space<semaphore_mem>>)
      %dma_wait3A_51 = tpu.memref_slice %arg3[%mul3A_2] : memref<16384xi32, #tpu.memory_space<hbm>> -> memref<512xi32, #tpu.memory_space<hbm>>
      %dma_wait3A_52 = tpu.memref_slice %arg3[%mul3A_2] : memref<16384xi32, #tpu.memory_space<hbm>> -> memref<512xi32, #tpu.memory_space<hbm>>
      tpu.wait_dma2 semaphore(%run_scoped3A : memref<!tpu.dma_semaphore, #tpu.memory_space<semaphore_mem>>) src(%dma_wait3A_52 : memref<512xi32, #tpu.memory_space<hbm>>) dst(%arg5 : memref<512xi32, #tpu.memory_space<vmem>>)
      tpu.yield
    }) : () -> ()
    %dma_start3A = arith.constant 0 : i32
    %dma_start3A_3 = tpu.memref_slice %arg5[%dma_start3A] : memref<512xi32, #tpu.memory_space<vmem>> -> memref<128xi32, #tpu.memory_space<vmem>>
    %dma_start3A_4 = arith.constant 0 : i32
    %dma_start3A_5 = arith.constant 0 : i32
    %dma_start3A_6 = tpu.memref_slice %arg2[%dma_start3A_4, %dma_start3A_5] : memref<100000x256xf32, #tpu.memory_space<hbm>> -> memref<100000x256xf32, #tpu.memory_space<hbm>>
    tpu.enqueue_indirect_dma source(%dma_start3A_6 : memref<100000x256xf32, #tpu.memory_space<hbm>>) target(%arg6 : memref<128x256xf32, #tpu.memory_space<vmem>>) offsets(%dma_start3A_3 : memref<128xi32, #tpu.memory_space<vmem>>) semaphore(%arg9 : memref<!tpu.dma_semaphore, #tpu.memory_space<semaphore_mem>>)
    %dma_start3A_7 = arith.constant 128 : i32
    %dma_start3A_8 = tpu.memref_slice %arg5[%dma_start3A_7] : memref<512xi32, #tpu.memory_space<vmem>> -> memref<128xi32, #tpu.memory_space<vmem>>
    %dma_start3A_9 = arith.constant 0 : i32
    %dma_start3A_10 = arith.constant 0 : i32
    %dma_start3A_11 = tpu.memref_slice %arg2[%dma_start3A_9, %dma_start3A_10] : memref<100000x256xf32, #tpu.memory_space<hbm>> -> memref<100000x256xf32, #tpu.memory_space<hbm>>
    tpu.enqueue_indirect_dma source(%dma_start3A_11 : memref<100000x256xf32, #tpu.memory_space<hbm>>) target(%arg7 : memref<128x256xf32, #tpu.memory_space<vmem>>) offsets(%dma_start3A_8 : memref<128xi32, #tpu.memory_space<vmem>>) semaphore(%arg10 : memref<!tpu.dma_semaphore, #tpu.memory_space<semaphore_mem>>)
    %dma_wait3A = arith.constant 0 : i32
    %dma_wait3A_12 = tpu.memref_slice %arg5[%dma_wait3A] : memref<512xi32, #tpu.memory_space<vmem>> -> memref<128xi32, #tpu.memory_space<vmem>>
    %dma_wait3A_13 = arith.constant 0 : i32
    %dma_wait3A_14 = arith.constant 0 : i32
    %dma_wait3A_15 = tpu.memref_slice %arg2[%dma_wait3A_13, %dma_wait3A_14] : memref<100000x256xf32, #tpu.memory_space<hbm>> -> memref<100000x256xf32, #tpu.memory_space<hbm>>
    tpu.wait_indirect_dma semaphore(%arg9 : memref<!tpu.dma_semaphore, #tpu.memory_space<semaphore_mem>>) src(%dma_wait3A_15 : memref<100000x256xf32, #tpu.memory_space<hbm>>) dst(%arg6 : memref<128x256xf32, #tpu.memory_space<vmem>>)
    %add3A_16 = arith.constant 0 : i32
    %add3A_17 = arith.addi %mul3A_2, %add3A_16 : i32
    "tpu.region"() ({
      %run_scoped3A = tpu.sem_alloc : memref<!tpu.dma_semaphore, #tpu.memory_space<semaphore_mem>>
      %dma_start3A_49 = arith.constant 0 : i32
      %dma_start3A_50 = tpu.memref_slice %arg4[%add3A_17, %dma_start3A_49] : memref<16384x256xf32, #tpu.memory_space<hbm>> -> memref<128x256xf32, #tpu.memory_space<hbm>>
      %dma_start3A_51 = arith.constant 0 : i32
      %dma_start3A_52 = tpu.memref_slice %arg4[%add3A_17, %dma_start3A_51] : memref<16384x256xf32, #tpu.memory_space<hbm>> -> memref<128x256xf32, #tpu.memory_space<hbm>>
      tpu.enqueue_dma source(%arg6 : memref<128x256xf32, #tpu.memory_space<vmem>>) target(%dma_start3A_52 : memref<128x256xf32, #tpu.memory_space<hbm>>) target_semaphore(%run_scoped3A : memref<!tpu.dma_semaphore, #tpu.memory_space<semaphore_mem>>)
      %dma_wait3A_53 = arith.constant 0 : i32
      %dma_wait3A_54 = tpu.memref_slice %arg4[%add3A_17, %dma_wait3A_53] : memref<16384x256xf32, #tpu.memory_space<hbm>> -> memref<128x256xf32, #tpu.memory_space<hbm>>
      %dma_wait3A_55 = arith.constant 0 : i32
      %dma_wait3A_56 = tpu.memref_slice %arg4[%add3A_17, %dma_wait3A_55] : memref<16384x256xf32, #tpu.memory_space<hbm>> -> memref<128x256xf32, #tpu.memory_space<hbm>>
      tpu.wait_dma2 semaphore(%run_scoped3A : memref<!tpu.dma_semaphore, #tpu.memory_space<semaphore_mem>>) src(%arg6 : memref<128x256xf32, #tpu.memory_space<vmem>>) dst(%dma_wait3A_56 : memref<128x256xf32, #tpu.memory_space<hbm>>)
      tpu.yield
    }) : () -> ()
    %dma_start3A_18 = arith.constant 256 : i32
    %dma_start3A_19 = tpu.memref_slice %arg5[%dma_start3A_18] : memref<512xi32, #tpu.memory_space<vmem>> -> memref<128xi32, #tpu.memory_space<vmem>>
    %dma_start3A_20 = arith.constant 0 : i32
    %dma_start3A_21 = arith.constant 0 : i32
    %dma_start3A_22 = tpu.memref_slice %arg2[%dma_start3A_20, %dma_start3A_21] : memref<100000x256xf32, #tpu.memory_space<hbm>> -> memref<100000x256xf32, #tpu.memory_space<hbm>>
    tpu.enqueue_indirect_dma source(%dma_start3A_22 : memref<100000x256xf32, #tpu.memory_space<hbm>>) target(%arg6 : memref<128x256xf32, #tpu.memory_space<vmem>>) offsets(%dma_start3A_19 : memref<128xi32, #tpu.memory_space<vmem>>) semaphore(%arg9 : memref<!tpu.dma_semaphore, #tpu.memory_space<semaphore_mem>>)
    %dma_wait3A_23 = arith.constant 128 : i32
    %dma_wait3A_24 = tpu.memref_slice %arg5[%dma_wait3A_23] : memref<512xi32, #tpu.memory_space<vmem>> -> memref<128xi32, #tpu.memory_space<vmem>>
    %dma_wait3A_25 = arith.constant 0 : i32
    %dma_wait3A_26 = arith.constant 0 : i32
    %dma_wait3A_27 = tpu.memref_slice %arg2[%dma_wait3A_25, %dma_wait3A_26] : memref<100000x256xf32, #tpu.memory_space<hbm>> -> memref<100000x256xf32, #tpu.memory_space<hbm>>
    tpu.wait_indirect_dma semaphore(%arg10 : memref<!tpu.dma_semaphore, #tpu.memory_space<semaphore_mem>>) src(%dma_wait3A_27 : memref<100000x256xf32, #tpu.memory_space<hbm>>) dst(%arg7 : memref<128x256xf32, #tpu.memory_space<vmem>>)
    %add3A_28 = arith.constant 128 : i32
    %add3A_29 = arith.addi %mul3A_2, %add3A_28 : i32
    "tpu.region"() ({
      %run_scoped3A = tpu.sem_alloc : memref<!tpu.dma_semaphore, #tpu.memory_space<semaphore_mem>>
      %dma_start3A_49 = arith.constant 0 : i32
      %dma_start3A_50 = tpu.memref_slice %arg4[%add3A_29, %dma_start3A_49] : memref<16384x256xf32, #tpu.memory_space<hbm>> -> memref<128x256xf32, #tpu.memory_space<hbm>>
      %dma_start3A_51 = arith.constant 0 : i32
      %dma_start3A_52 = tpu.memref_slice %arg4[%add3A_29, %dma_start3A_51] : memref<16384x256xf32, #tpu.memory_space<hbm>> -> memref<128x256xf32, #tpu.memory_space<hbm>>
      tpu.enqueue_dma source(%arg7 : memref<128x256xf32, #tpu.memory_space<vmem>>) target(%dma_start3A_52 : memref<128x256xf32, #tpu.memory_space<hbm>>) target_semaphore(%run_scoped3A : memref<!tpu.dma_semaphore, #tpu.memory_space<semaphore_mem>>)
      %dma_wait3A_53 = arith.constant 0 : i32
      %dma_wait3A_54 = tpu.memref_slice %arg4[%add3A_29, %dma_wait3A_53] : memref<16384x256xf32, #tpu.memory_space<hbm>> -> memref<128x256xf32, #tpu.memory_space<hbm>>
      %dma_wait3A_55 = arith.constant 0 : i32
      %dma_wait3A_56 = tpu.memref_slice %arg4[%add3A_29, %dma_wait3A_55] : memref<16384x256xf32, #tpu.memory_space<hbm>> -> memref<128x256xf32, #tpu.memory_space<hbm>>
      tpu.wait_dma2 semaphore(%run_scoped3A : memref<!tpu.dma_semaphore, #tpu.memory_space<semaphore_mem>>) src(%arg7 : memref<128x256xf32, #tpu.memory_space<vmem>>) dst(%dma_wait3A_56 : memref<128x256xf32, #tpu.memory_space<hbm>>)
      tpu.yield
    }) : () -> ()
    %dma_start3A_30 = arith.constant 384 : i32
    %dma_start3A_31 = tpu.memref_slice %arg5[%dma_start3A_30] : memref<512xi32, #tpu.memory_space<vmem>> -> memref<128xi32, #tpu.memory_space<vmem>>
    %dma_start3A_32 = arith.constant 0 : i32
    %dma_start3A_33 = arith.constant 0 : i32
    %dma_start3A_34 = tpu.memref_slice %arg2[%dma_start3A_32, %dma_start3A_33] : memref<100000x256xf32, #tpu.memory_space<hbm>> -> memref<100000x256xf32, #tpu.memory_space<hbm>>
    tpu.enqueue_indirect_dma source(%dma_start3A_34 : memref<100000x256xf32, #tpu.memory_space<hbm>>) target(%arg7 : memref<128x256xf32, #tpu.memory_space<vmem>>) offsets(%dma_start3A_31 : memref<128xi32, #tpu.memory_space<vmem>>) semaphore(%arg10 : memref<!tpu.dma_semaphore, #tpu.memory_space<semaphore_mem>>)
    %dma_wait3A_35 = arith.constant 256 : i32
    %dma_wait3A_36 = tpu.memref_slice %arg5[%dma_wait3A_35] : memref<512xi32, #tpu.memory_space<vmem>> -> memref<128xi32, #tpu.memory_space<vmem>>
    %dma_wait3A_37 = arith.constant 0 : i32
    %dma_wait3A_38 = arith.constant 0 : i32
    %dma_wait3A_39 = tpu.memref_slice %arg2[%dma_wait3A_37, %dma_wait3A_38] : memref<100000x256xf32, #tpu.memory_space<hbm>> -> memref<100000x256xf32, #tpu.memory_space<hbm>>
    tpu.wait_indirect_dma semaphore(%arg9 : memref<!tpu.dma_semaphore, #tpu.memory_space<semaphore_mem>>) src(%dma_wait3A_39 : memref<100000x256xf32, #tpu.memory_space<hbm>>) dst(%arg6 : memref<128x256xf32, #tpu.memory_space<vmem>>)
    %add3A_40 = arith.constant 256 : i32
    %add3A_41 = arith.addi %mul3A_2, %add3A_40 : i32
    "tpu.region"() ({
      %run_scoped3A = tpu.sem_alloc : memref<!tpu.dma_semaphore, #tpu.memory_space<semaphore_mem>>
      %dma_start3A_49 = arith.constant 0 : i32
      %dma_start3A_50 = tpu.memref_slice %arg4[%add3A_41, %dma_start3A_49] : memref<16384x256xf32, #tpu.memory_space<hbm>> -> memref<128x256xf32, #tpu.memory_space<hbm>>
      %dma_start3A_51 = arith.constant 0 : i32
      %dma_start3A_52 = tpu.memref_slice %arg4[%add3A_41, %dma_start3A_51] : memref<16384x256xf32, #tpu.memory_space<hbm>> -> memref<128x256xf32, #tpu.memory_space<hbm>>
      tpu.enqueue_dma source(%arg6 : memref<128x256xf32, #tpu.memory_space<vmem>>) target(%dma_start3A_52 : memref<128x256xf32, #tpu.memory_space<hbm>>) target_semaphore(%run_scoped3A : memref<!tpu.dma_semaphore, #tpu.memory_space<semaphore_mem>>)
      %dma_wait3A_53 = arith.constant 0 : i32
      %dma_wait3A_54 = tpu.memref_slice %arg4[%add3A_41, %dma_wait3A_53] : memref<16384x256xf32, #tpu.memory_space<hbm>> -> memref<128x256xf32, #tpu.memory_space<hbm>>
      %dma_wait3A_55 = arith.constant 0 : i32
      %dma_wait3A_56 = tpu.memref_slice %arg4[%add3A_41, %dma_wait3A_55] : memref<16384x256xf32, #tpu.memory_space<hbm>> -> memref<128x256xf32, #tpu.memory_space<hbm>>
      tpu.wait_dma2 semaphore(%run_scoped3A : memref<!tpu.dma_semaphore, #tpu.memory_space<semaphore_mem>>) src(%arg6 : memref<128x256xf32, #tpu.memory_space<vmem>>) dst(%dma_wait3A_56 : memref<128x256xf32, #tpu.memory_space<hbm>>)
      tpu.yield
    }) : () -> ()
    %dma_wait3A_42 = arith.constant 384 : i32
    %dma_wait3A_43 = tpu.memref_slice %arg5[%dma_wait3A_42] : memref<512xi32, #tpu.memory_space<vmem>> -> memref<128xi32, #tpu.memory_space<vmem>>
    %dma_wait3A_44 = arith.constant 0 : i32
    %dma_wait3A_45 = arith.constant 0 : i32
    %dma_wait3A_46 = tpu.memref_slice %arg2[%dma_wait3A_44, %dma_wait3A_45] : memref<100000x256xf32, #tpu.memory_space<hbm>> -> memref<100000x256xf32, #tpu.memory_space<hbm>>
    tpu.wait_indirect_dma semaphore(%arg10 : memref<!tpu.dma_semaphore, #tpu.memory_space<semaphore_mem>>) src(%dma_wait3A_46 : memref<100000x256xf32, #tpu.memory_space<hbm>>) dst(%arg7 : memref<128x256xf32, #tpu.memory_space<vmem>>)
    %add3A_47 = arith.constant 384 : i32
    %add3A_48 = arith.addi %mul3A_2, %add3A_47 : i32
    "tpu.region"() ({
      %run_scoped3A = tpu.sem_alloc : memref<!tpu.dma_semaphore, #tpu.memory_space<semaphore_mem>>
      %dma_start3A_49 = arith.constant 0 : i32
      %dma_start3A_50 = tpu.memref_slice %arg4[%add3A_48, %dma_start3A_49] : memref<16384x256xf32, #tpu.memory_space<hbm>> -> memref<128x256xf32, #tpu.memory_space<hbm>>
      %dma_start3A_51 = arith.constant 0 : i32
      %dma_start3A_52 = tpu.memref_slice %arg4[%add3A_48, %dma_start3A_51] : memref<16384x256xf32, #tpu.memory_space<hbm>> -> memref<128x256xf32, #tpu.memory_space<hbm>>
      tpu.enqueue_dma source(%arg7 : memref<128x256xf32, #tpu.memory_space<vmem>>) target(%dma_start3A_52 : memref<128x256xf32, #tpu.memory_space<hbm>>) target_semaphore(%run_scoped3A : memref<!tpu.dma_semaphore, #tpu.memory_space<semaphore_mem>>)
      %dma_wait3A_53 = arith.constant 0 : i32
      %dma_wait3A_54 = tpu.memref_slice %arg4[%add3A_48, %dma_wait3A_53] : memref<16384x256xf32, #tpu.memory_space<hbm>> -> memref<128x256xf32, #tpu.memory_space<hbm>>
      %dma_wait3A_55 = arith.constant 0 : i32
      %dma_wait3A_56 = tpu.memref_slice %arg4[%add3A_48, %dma_wait3A_55] : memref<16384x256xf32, #tpu.memory_space<hbm>> -> memref<128x256xf32, #tpu.memory_space<hbm>>
      tpu.wait_dma2 semaphore(%run_scoped3A : memref<!tpu.dma_semaphore, #tpu.memory_space<semaphore_mem>>) src(%arg7 : memref<128x256xf32, #tpu.memory_space<vmem>>) dst(%dma_wait3A_56 : memref<128x256xf32, #tpu.memory_space<hbm>>)
      tpu.yield
    }) : () -> ()
    return
  }
}

#map = affine_map<(d0, d1) -> (0, 0)>
#map1 = affine_map<(d0, d1) -> (0)>
module attributes {stable_mosaic.version = 14 : i64} {
  func.func @sc_gather(%arg0: i32, %arg1: i32, %arg2: memref<100000x256xf32, #tpu.memory_space<hbm>>, %arg3: memref<16384xi32, #tpu.memory_space<hbm>>, %arg4: memref<16384x256xf32, #tpu.memory_space<hbm>>, %arg5: memref<512xi32, #tpu.memory_space<vmem>>, %arg6: memref<128x256xf32, #tpu.memory_space<vmem>>, %arg7: memref<128x256xf32, #tpu.memory_space<vmem>>, %arg8: memref<128x256xf32, #tpu.memory_space<vmem>>, %arg9: memref<!tpu.dma_semaphore, #tpu.memory_space<semaphore_mem>>, %arg10: memref<!tpu.dma_semaphore, #tpu.memory_space<semaphore_mem>>) attributes {dimension_semantics = [#tpu.dimension_semantics<core_parallel>, #tpu.dimension_semantics<subcore_parallel>], iteration_bounds = array<i64: 2, 16>, scalar_prefetch = 0 : i64, scratch_operands = 6 : i64, tpu.core_type = #tpu.core_type<sc_vector_subcore>, window_params = [{transform_indices = #map}, {transform_indices = #map1}, {transform_indices = #map}]} {
    %mul3A = arith.constant 2 : i32
    %mul3A_0 = arith.muli %arg1, %mul3A : i32
    %add3A = arith.addi %mul3A_0, %arg0 : i32
    %mul3A_1 = arith.constant 512 : i32
    %mul3A_2 = arith.muli %add3A, %mul3A_1 : i32
    "tpu.region"() ({
      %run_scoped3A = tpu.sem_alloc : memref<!tpu.dma_semaphore, #tpu.memory_space<semaphore_mem>>
      %dma_start3A_49 = tpu.memref_slice %arg3[%mul3A_2] : memref<16384xi32, #tpu.memory_space<hbm>> -> memref<512xi32, #tpu.memory_space<hbm>>
      %dma_start3A_50 = tpu.memref_slice %arg3[%mul3A_2] : memref<16384xi32, #tpu.memory_space<hbm>> -> memref<512xi32, #tpu.memory_space<hbm>>
      tpu.enqueue_dma source(%dma_start3A_50 : memref<512xi32, #tpu.memory_space<hbm>>) target(%arg5 : memref<512xi32, #tpu.memory_space<vmem>>) target_semaphore(%run_scoped3A : memref<!tpu.dma_semaphore, #tpu.memory_space<semaphore_mem>>)
      %dma_wait3A_51 = tpu.memref_slice %arg3[%mul3A_2] : memref<16384xi32, #tpu.memory_space<hbm>> -> memref<512xi32, #tpu.memory_space<hbm>>
      %dma_wait3A_52 = tpu.memref_slice %arg3[%mul3A_2] : memref<16384xi32, #tpu.memory_space<hbm>> -> memref<512xi32, #tpu.memory_space<hbm>>
      tpu.wait_dma2 semaphore(%run_scoped3A : memref<!tpu.dma_semaphore, #tpu.memory_space<semaphore_mem>>) src(%dma_wait3A_52 : memref<512xi32, #tpu.memory_space<hbm>>) dst(%arg5 : memref<512xi32, #tpu.memory_space<vmem>>)
      tpu.yield
    }) : () -> ()
    %dma_start3A = arith.constant 0 : i32
    %dma_start3A_3 = tpu.memref_slice %arg5[%dma_start3A] : memref<512xi32, #tpu.memory_space<vmem>> -> memref<128xi32, #tpu.memory_space<vmem>>
    %dma_start3A_4 = arith.constant 0 : i32
    %dma_start3A_5 = arith.constant 0 : i32
    %dma_start3A_6 = tpu.memref_slice %arg2[%dma_start3A_4, %dma_start3A_5] : memref<100000x256xf32, #tpu.memory_space<hbm>> -> memref<100000x256xf32, #tpu.memory_space<hbm>>
    tpu.enqueue_indirect_dma source(%dma_start3A_6 : memref<100000x256xf32, #tpu.memory_space<hbm>>) target(%arg6 : memref<128x256xf32, #tpu.memory_space<vmem>>) offsets(%dma_start3A_3 : memref<128xi32, #tpu.memory_space<vmem>>) semaphore(%arg9 : memref<!tpu.dma_semaphore, #tpu.memory_space<semaphore_mem>>)
    %dma_start3A_7 = arith.constant 128 : i32
    %dma_start3A_8 = tpu.memref_slice %arg5[%dma_start3A_7] : memref<512xi32, #tpu.memory_space<vmem>> -> memref<128xi32, #tpu.memory_space<vmem>>
    %dma_start3A_9 = arith.constant 0 : i32
    %dma_start3A_10 = arith.constant 0 : i32
    %dma_start3A_11 = tpu.memref_slice %arg2[%dma_start3A_9, %dma_start3A_10] : memref<100000x256xf32, #tpu.memory_space<hbm>> -> memref<100000x256xf32, #tpu.memory_space<hbm>>
    tpu.enqueue_indirect_dma source(%dma_start3A_11 : memref<100000x256xf32, #tpu.memory_space<hbm>>) target(%arg7 : memref<128x256xf32, #tpu.memory_space<vmem>>) offsets(%dma_start3A_8 : memref<128xi32, #tpu.memory_space<vmem>>) semaphore(%arg10 : memref<!tpu.dma_semaphore, #tpu.memory_space<semaphore_mem>>)
    %dma_wait3A = arith.constant 0 : i32
    %dma_wait3A_12 = tpu.memref_slice %arg5[%dma_wait3A] : memref<512xi32, #tpu.memory_space<vmem>> -> memref<128xi32, #tpu.memory_space<vmem>>
    %dma_wait3A_13 = arith.constant 0 : i32
    %dma_wait3A_14 = arith.constant 0 : i32
    %dma_wait3A_15 = tpu.memref_slice %arg2[%dma_wait3A_13, %dma_wait3A_14] : memref<100000x256xf32, #tpu.memory_space<hbm>> -> memref<100000x256xf32, #tpu.memory_space<hbm>>
    tpu.wait_indirect_dma semaphore(%arg9 : memref<!tpu.dma_semaphore, #tpu.memory_space<semaphore_mem>>) src(%dma_wait3A_15 : memref<100000x256xf32, #tpu.memory_space<hbm>>) dst(%arg6 : memref<128x256xf32, #tpu.memory_space<vmem>>)
    %add3A_16 = arith.constant 0 : i32
    %add3A_17 = arith.addi %mul3A_2, %add3A_16 : i32
    "tpu.region"() ({
      %run_scoped3A = tpu.sem_alloc : memref<!tpu.dma_semaphore, #tpu.memory_space<semaphore_mem>>
      %dma_start3A_49 = arith.constant 0 : i32
      %dma_start3A_50 = tpu.memref_slice %arg4[%add3A_17, %dma_start3A_49] : memref<16384x256xf32, #tpu.memory_space<hbm>> -> memref<128x256xf32, #tpu.memory_space<hbm>>
      %dma_start3A_51 = arith.constant 0 : i32
      %dma_start3A_52 = tpu.memref_slice %arg4[%add3A_17, %dma_start3A_51] : memref<16384x256xf32, #tpu.memory_space<hbm>> -> memref<128x256xf32, #tpu.memory_space<hbm>>
      tpu.enqueue_dma source(%arg6 : memref<128x256xf32, #tpu.memory_space<vmem>>) target(%dma_start3A_52 : memref<128x256xf32, #tpu.memory_space<hbm>>) target_semaphore(%run_scoped3A : memref<!tpu.dma_semaphore, #tpu.memory_space<semaphore_mem>>)
      %dma_wait3A_53 = arith.constant 0 : i32
      %dma_wait3A_54 = tpu.memref_slice %arg4[%add3A_17, %dma_wait3A_53] : memref<16384x256xf32, #tpu.memory_space<hbm>> -> memref<128x256xf32, #tpu.memory_space<hbm>>
      %dma_wait3A_55 = arith.constant 0 : i32
      %dma_wait3A_56 = tpu.memref_slice %arg4[%add3A_17, %dma_wait3A_55] : memref<16384x256xf32, #tpu.memory_space<hbm>> -> memref<128x256xf32, #tpu.memory_space<hbm>>
      tpu.wait_dma2 semaphore(%run_scoped3A : memref<!tpu.dma_semaphore, #tpu.memory_space<semaphore_mem>>) src(%arg6 : memref<128x256xf32, #tpu.memory_space<vmem>>) dst(%dma_wait3A_56 : memref<128x256xf32, #tpu.memory_space<hbm>>)
      tpu.yield
    }) : () -> ()
    %dma_start3A_18 = arith.constant 256 : i32
    %dma_start3A_19 = tpu.memref_slice %arg5[%dma_start3A_18] : memref<512xi32, #tpu.memory_space<vmem>> -> memref<128xi32, #tpu.memory_space<vmem>>
    %dma_start3A_20 = arith.constant 0 : i32
    %dma_start3A_21 = arith.constant 0 : i32
    %dma_start3A_22 = tpu.memref_slice %arg2[%dma_start3A_20, %dma_start3A_21] : memref<100000x256xf32, #tpu.memory_space<hbm>> -> memref<100000x256xf32, #tpu.memory_space<hbm>>
    tpu.enqueue_indirect_dma source(%dma_start3A_22 : memref<100000x256xf32, #tpu.memory_space<hbm>>) target(%arg6 : memref<128x256xf32, #tpu.memory_space<vmem>>) offsets(%dma_start3A_19 : memref<128xi32, #tpu.memory_space<vmem>>) semaphore(%arg9 : memref<!tpu.dma_semaphore, #tpu.memory_space<semaphore_mem>>)
    %dma_wait3A_23 = arith.constant 128 : i32
    %dma_wait3A_24 = tpu.memref_slice %arg5[%dma_wait3A_23] : memref<512xi32, #tpu.memory_space<vmem>> -> memref<128xi32, #tpu.memory_space<vmem>>
    %dma_wait3A_25 = arith.constant 0 : i32
    %dma_wait3A_26 = arith.constant 0 : i32
    %dma_wait3A_27 = tpu.memref_slice %arg2[%dma_wait3A_25, %dma_wait3A_26] : memref<100000x256xf32, #tpu.memory_space<hbm>> -> memref<100000x256xf32, #tpu.memory_space<hbm>>
    tpu.wait_indirect_dma semaphore(%arg10 : memref<!tpu.dma_semaphore, #tpu.memory_space<semaphore_mem>>) src(%dma_wait3A_27 : memref<100000x256xf32, #tpu.memory_space<hbm>>) dst(%arg7 : memref<128x256xf32, #tpu.memory_space<vmem>>)
    %add3A_28 = arith.constant 128 : i32
    %add3A_29 = arith.addi %mul3A_2, %add3A_28 : i32
    "tpu.region"() ({
      %run_scoped3A = tpu.sem_alloc : memref<!tpu.dma_semaphore, #tpu.memory_space<semaphore_mem>>
      %dma_start3A_49 = arith.constant 0 : i32
      %dma_start3A_50 = tpu.memref_slice %arg4[%add3A_29, %dma_start3A_49] : memref<16384x256xf32, #tpu.memory_space<hbm>> -> memref<128x256xf32, #tpu.memory_space<hbm>>
      %dma_start3A_51 = arith.constant 0 : i32
      %dma_start3A_52 = tpu.memref_slice %arg4[%add3A_29, %dma_start3A_51] : memref<16384x256xf32, #tpu.memory_space<hbm>> -> memref<128x256xf32, #tpu.memory_space<hbm>>
      tpu.enqueue_dma source(%arg7 : memref<128x256xf32, #tpu.memory_space<vmem>>) target(%dma_start3A_52 : memref<128x256xf32, #tpu.memory_space<hbm>>) target_semaphore(%run_scoped3A : memref<!tpu.dma_semaphore, #tpu.memory_space<semaphore_mem>>)
      %dma_wait3A_53 = arith.constant 0 : i32
      %dma_wait3A_54 = tpu.memref_slice %arg4[%add3A_29, %dma_wait3A_53] : memref<16384x256xf32, #tpu.memory_space<hbm>> -> memref<128x256xf32, #tpu.memory_space<hbm>>
      %dma_wait3A_55 = arith.constant 0 : i32
      %dma_wait3A_56 = tpu.memref_slice %arg4[%add3A_29, %dma_wait3A_55] : memref<16384x256xf32, #tpu.memory_space<hbm>> -> memref<128x256xf32, #tpu.memory_space<hbm>>
      tpu.wait_dma2 semaphore(%run_scoped3A : memref<!tpu.dma_semaphore, #tpu.memory_space<semaphore_mem>>) src(%arg7 : memref<128x256xf32, #tpu.memory_space<vmem>>) dst(%dma_wait3A_56 : memref<128x256xf32, #tpu.memory_space<hbm>>)
      tpu.yield
    }) : () -> ()
    %dma_start3A_30 = arith.constant 384 : i32
    %dma_start3A_31 = tpu.memref_slice %arg5[%dma_start3A_30] : memref<512xi32, #tpu.memory_space<vmem>> -> memref<128xi32, #tpu.memory_space<vmem>>
    %dma_start3A_32 = arith.constant 0 : i32
    %dma_start3A_33 = arith.constant 0 : i32
    %dma_start3A_34 = tpu.memref_slice %arg2[%dma_start3A_32, %dma_start3A_33] : memref<100000x256xf32, #tpu.memory_space<hbm>> -> memref<100000x256xf32, #tpu.memory_space<hbm>>
    tpu.enqueue_indirect_dma source(%dma_start3A_34 : memref<100000x256xf32, #tpu.memory_space<hbm>>) target(%arg7 : memref<128x256xf32, #tpu.memory_space<vmem>>) offsets(%dma_start3A_31 : memref<128xi32, #tpu.memory_space<vmem>>) semaphore(%arg10 : memref<!tpu.dma_semaphore, #tpu.memory_space<semaphore_mem>>)
    %dma_wait3A_35 = arith.constant 256 : i32
    %dma_wait3A_36 = tpu.memref_slice %arg5[%dma_wait3A_35] : memref<512xi32, #tpu.memory_space<vmem>> -> memref<128xi32, #tpu.memory_space<vmem>>
    %dma_wait3A_37 = arith.constant 0 : i32
    %dma_wait3A_38 = arith.constant 0 : i32
    %dma_wait3A_39 = tpu.memref_slice %arg2[%dma_wait3A_37, %dma_wait3A_38] : memref<100000x256xf32, #tpu.memory_space<hbm>> -> memref<100000x256xf32, #tpu.memory_space<hbm>>
    tpu.wait_indirect_dma semaphore(%arg9 : memref<!tpu.dma_semaphore, #tpu.memory_space<semaphore_mem>>) src(%dma_wait3A_39 : memref<100000x256xf32, #tpu.memory_space<hbm>>) dst(%arg6 : memref<128x256xf32, #tpu.memory_space<vmem>>)
    %add3A_40 = arith.constant 256 : i32
    %add3A_41 = arith.addi %mul3A_2, %add3A_40 : i32
    "tpu.region"() ({
      %run_scoped3A = tpu.sem_alloc : memref<!tpu.dma_semaphore, #tpu.memory_space<semaphore_mem>>
      %dma_start3A_49 = arith.constant 0 : i32
      %dma_start3A_50 = tpu.memref_slice %arg4[%add3A_41, %dma_start3A_49] : memref<16384x256xf32, #tpu.memory_space<hbm>> -> memref<128x256xf32, #tpu.memory_space<hbm>>
      %dma_start3A_51 = arith.constant 0 : i32
      %dma_start3A_52 = tpu.memref_slice %arg4[%add3A_41, %dma_start3A_51] : memref<16384x256xf32, #tpu.memory_space<hbm>> -> memref<128x256xf32, #tpu.memory_space<hbm>>
      tpu.enqueue_dma source(%arg6 : memref<128x256xf32, #tpu.memory_space<vmem>>) target(%dma_start3A_52 : memref<128x256xf32, #tpu.memory_space<hbm>>) target_semaphore(%run_scoped3A : memref<!tpu.dma_semaphore, #tpu.memory_space<semaphore_mem>>)
      %dma_wait3A_53 = arith.constant 0 : i32
      %dma_wait3A_54 = tpu.memref_slice %arg4[%add3A_41, %dma_wait3A_53] : memref<16384x256xf32, #tpu.memory_space<hbm>> -> memref<128x256xf32, #tpu.memory_space<hbm>>
      %dma_wait3A_55 = arith.constant 0 : i32
      %dma_wait3A_56 = tpu.memref_slice %arg4[%add3A_41, %dma_wait3A_55] : memref<16384x256xf32, #tpu.memory_space<hbm>> -> memref<128x256xf32, #tpu.memory_space<hbm>>
      tpu.wait_dma2 semaphore(%run_scoped3A : memref<!tpu.dma_semaphore, #tpu.memory_space<semaphore_mem>>) src(%arg6 : memref<128x256xf32, #tpu.memory_space<vmem>>) dst(%dma_wait3A_56 : memref<128x256xf32, #tpu.memory_space<hbm>>)
      tpu.yield
    }) : () -> ()
    %dma_wait3A_42 = arith.constant 384 : i32
    %dma_wait3A_43 = tpu.memref_slice %arg5[%dma_wait3A_42] : memref<512xi32, #tpu.memory_space<vmem>> -> memref<128xi32, #tpu.memory_space<vmem>>
    %dma_wait3A_44 = arith.constant 0 : i32
    %dma_wait3A_45 = arith.constant 0 : i32
    %dma_wait3A_46 = tpu.memref_slice %arg2[%dma_wait3A_44, %dma_wait3A_45] : memref<100000x256xf32, #tpu.memory_space<hbm>> -> memref<100000x256xf32, #tpu.memory_space<hbm>>
    tpu.wait_indirect_dma semaphore(%arg10 : memref<!tpu.dma_semaphore, #tpu.memory_space<semaphore_mem>>) src(%dma_wait3A_46 : memref<100000x256xf32, #tpu.memory_space<hbm>>) dst(%arg7 : memref<128x256xf32, #tpu.memory_space<vmem>>)
    %add3A_47 = arith.constant 384 : i32
    %add3A_48 = arith.addi %mul3A_2, %add3A_47 : i32
    "tpu.region"() ({
      %run_scoped3A = tpu.sem_alloc : memref<!tpu.dma_semaphore, #tpu.memory_space<semaphore_mem>>
      %dma_start3A_49 = arith.constant 0 : i32
      %dma_start3A_50 = tpu.memref_slice %arg4[%add3A_48, %dma_start3A_49] : memref<16384x256xf32, #tpu.memory_space<hbm>> -> memref<128x256xf32, #tpu.memory_space<hbm>>
      %dma_start3A_51 = arith.constant 0 : i32
      %dma_start3A_52 = tpu.memref_slice %arg4[%add3A_48, %dma_start3A_51] : memref<16384x256xf32, #tpu.memory_space<hbm>> -> memref<128x256xf32, #tpu.memory_space<hbm>>
      tpu.enqueue_dma source(%arg7 : memref<128x256xf32, #tpu.memory_space<vmem>>) target(%dma_start3A_52 : memref<128x256xf32, #tpu.memory_space<hbm>>) target_semaphore(%run_scoped3A : memref<!tpu.dma_semaphore, #tpu.memory_space<semaphore_mem>>)
      %dma_wait3A_53 = arith.constant 0 : i32
      %dma_wait3A_54 = tpu.memref_slice %arg4[%add3A_48, %dma_wait3A_53] : memref<16384x256xf32, #tpu.memory_space<hbm>> -> memref<128x256xf32, #tpu.memory_space<hbm>>
      %dma_wait3A_55 = arith.constant 0 : i32
      %dma_wait3A_56 = tpu.memref_slice %arg4[%add3A_48, %dma_wait3A_55] : memref<16384x256xf32, #tpu.memory_space<hbm>> -> memref<128x256xf32, #tpu.memory_space<hbm>>
      tpu.wait_dma2 semaphore(%run_scoped3A : memref<!tpu.dma_semaphore, #tpu.memory_space<semaphore_mem>>) src(%arg7 : memref<128x256xf32, #tpu.memory_space<vmem>>) dst(%dma_wait3A_56 : memref<128x256xf32, #tpu.memory_space<hbm>>)
      tpu.yield
    }) : () -> ()
    return
  }
}

module attributes {stable_mosaic.version = 14 : i64} {
  func.func @_tc_body(%arg0: i32, %arg1: memref<1024x256xf32, #tpu.memory_space<vmem>>, %arg2: memref<1024x256xf32, #tpu.memory_space<vmem>>, %arg3: memref<1024x256xf32, #tpu.memory_space<vmem>>, %arg4: memref<8x256xf32, #tpu.memory_space<vmem>>, %arg5: memref<8x256xf32, #tpu.memory_space<vmem>>, %arg6: memref<1x1x1024xf32, #tpu.memory_space<vmem>>) attributes {dimension_semantics = [#tpu.dimension_semantics<arbitrary>], iteration_bounds = array<i64: 16>, scalar_prefetch = 0 : i64, scratch_operands = 0 : i64, tpu.core_type = #tpu.core_type<tc>, window_params = [{transform_indices = @transform_0, window_bounds = array<i64: 1024, 256>}, {transform_indices = @transform_1, window_bounds = array<i64: 1024, 256>}, {transform_indices = @transform_2, window_bounds = array<i64: 1024, 256>}, {pipeline_mode = #tpu.pipeline_mode<synchronous>, transform_indices = @transform_3, window_bounds = array<i64: 8, 256>}, {pipeline_mode = #tpu.pipeline_mode<synchronous>, transform_indices = @transform_4, window_bounds = array<i64: 8, 256>}, {transform_indices = @transform_5, window_bounds = array<i64: 1, 1, 1024>}]} {
    %get3A = arith.constant 0 : index
    %get3A_0 = arith.constant 0 : index
    %get3A_1 = vector.load %arg1[%get3A, %get3A_0] : memref<1024x256xf32, #tpu.memory_space<vmem>>, vector<1024x256xf32>
    %get3A_2 = arith.constant 0 : index
    %get3A_3 = arith.constant 0 : index
    %get3A_4 = vector.load %arg4[%get3A_2, %get3A_3] : memref<8x256xf32, #tpu.memory_space<vmem>>, vector<1x256xf32>
    %mul3A = vector.broadcast %get3A_4 : vector<1x256xf32> to vector<1024x256xf32>
    %mul3A_5 = arith.mulf %get3A_1, %mul3A : vector<1024x256xf32>
    %get3A_6 = arith.constant 0 : index
    %get3A_7 = arith.constant 0 : index
    %get3A_8 = vector.load %arg2[%get3A_6, %get3A_7] : memref<1024x256xf32, #tpu.memory_space<vmem>>, vector<1024x256xf32>
    %get3A_9 = arith.constant 0 : index
    %get3A_10 = arith.constant 0 : index
    %get3A_11 = vector.load %arg5[%get3A_9, %get3A_10] : memref<8x256xf32, #tpu.memory_space<vmem>>, vector<1x256xf32>
    %mul3A_12 = vector.broadcast %get3A_11 : vector<1x256xf32> to vector<1024x256xf32>
    %mul3A_13 = arith.mulf %get3A_8, %mul3A_12 : vector<1024x256xf32>
    %get3A_14 = arith.constant 0 : index
    %get3A_15 = arith.constant 0 : index
    %get3A_16 = vector.load %arg3[%get3A_14, %get3A_15] : memref<1024x256xf32, #tpu.memory_space<vmem>>, vector<1024x256xf32>
    %transpose3A = tpu.transpose %mul3A_5, [1, 0] : vector<1024x256xf32> -> vector<256x1024xf32>
    %reshape3A = vector.shape_cast %transpose3A : vector<256x1024xf32> to vector<16x16x1024xf32>
    %transpose3A_17 = tpu.transpose %mul3A_13, [1, 0] : vector<1024x256xf32> -> vector<256x1024xf32>
    %reshape3A_18 = vector.shape_cast %transpose3A_17 : vector<256x1024xf32> to vector<16x16x1024xf32>
    %transpose3A_19 = tpu.transpose %get3A_16, [1, 0] : vector<1024x256xf32> -> vector<256x1024xf32>
    %reshape3A_20 = vector.shape_cast %transpose3A_19 : vector<256x1024xf32> to vector<16x16x1024xf32>
    %slice3A = vector.extract_strided_slice %reshape3A {offsets = [0, 0, 0], sizes = [16, 1, 1024], strides = [1, 1, 1]} : vector<16x16x1024xf32> to vector<16x1x1024xf32>
    %slice3A_21 = vector.extract_strided_slice %reshape3A_18 {offsets = [0, 0, 0], sizes = [1, 16, 1024], strides = [1, 1, 1]} : vector<16x16x1024xf32> to vector<1x16x1024xf32>
    %mul3A_22 = vector.broadcast %slice3A : vector<16x1x1024xf32> to vector<16x16x1024xf32>
    %mul3A_23 = vector.broadcast %slice3A_21 : vector<1x16x1024xf32> to vector<16x16x1024xf32>
    %mul3A_24 = arith.mulf %mul3A_22, %mul3A_23 : vector<16x16x1024xf32>
    %slice3A_25 = vector.extract_strided_slice %reshape3A {offsets = [0, 1, 0], sizes = [16, 1, 1024], strides = [1, 1, 1]} : vector<16x16x1024xf32> to vector<16x1x1024xf32>
    %slice3A_26 = vector.extract_strided_slice %reshape3A_18 {offsets = [1, 0, 0], sizes = [1, 16, 1024], strides = [1, 1, 1]} : vector<16x16x1024xf32> to vector<1x16x1024xf32>
    %mul3A_27 = vector.broadcast %slice3A_25 : vector<16x1x1024xf32> to vector<16x16x1024xf32>
    %mul3A_28 = vector.broadcast %slice3A_26 : vector<1x16x1024xf32> to vector<16x16x1024xf32>
    %mul3A_29 = arith.mulf %mul3A_27, %mul3A_28 : vector<16x16x1024xf32>
    %slice3A_30 = vector.extract_strided_slice %reshape3A {offsets = [0, 2, 0], sizes = [16, 1, 1024], strides = [1, 1, 1]} : vector<16x16x1024xf32> to vector<16x1x1024xf32>
    %slice3A_31 = vector.extract_strided_slice %reshape3A_18 {offsets = [2, 0, 0], sizes = [1, 16, 1024], strides = [1, 1, 1]} : vector<16x16x1024xf32> to vector<1x16x1024xf32>
    %mul3A_32 = vector.broadcast %slice3A_30 : vector<16x1x1024xf32> to vector<16x16x1024xf32>
    %mul3A_33 = vector.broadcast %slice3A_31 : vector<1x16x1024xf32> to vector<16x16x1024xf32>
    %mul3A_34 = arith.mulf %mul3A_32, %mul3A_33 : vector<16x16x1024xf32>
    %slice3A_35 = vector.extract_strided_slice %reshape3A {offsets = [0, 3, 0], sizes = [16, 1, 1024], strides = [1, 1, 1]} : vector<16x16x1024xf32> to vector<16x1x1024xf32>
    %slice3A_36 = vector.extract_strided_slice %reshape3A_18 {offsets = [3, 0, 0], sizes = [1, 16, 1024], strides = [1, 1, 1]} : vector<16x16x1024xf32> to vector<1x16x1024xf32>
    %mul3A_37 = vector.broadcast %slice3A_35 : vector<16x1x1024xf32> to vector<16x16x1024xf32>
    %mul3A_38 = vector.broadcast %slice3A_36 : vector<1x16x1024xf32> to vector<16x16x1024xf32>
    %mul3A_39 = arith.mulf %mul3A_37, %mul3A_38 : vector<16x16x1024xf32>
    %slice3A_40 = vector.extract_strided_slice %reshape3A {offsets = [0, 4, 0], sizes = [16, 1, 1024], strides = [1, 1, 1]} : vector<16x16x1024xf32> to vector<16x1x1024xf32>
    %slice3A_41 = vector.extract_strided_slice %reshape3A_18 {offsets = [4, 0, 0], sizes = [1, 16, 1024], strides = [1, 1, 1]} : vector<16x16x1024xf32> to vector<1x16x1024xf32>
    %mul3A_42 = vector.broadcast %slice3A_40 : vector<16x1x1024xf32> to vector<16x16x1024xf32>
    %mul3A_43 = vector.broadcast %slice3A_41 : vector<1x16x1024xf32> to vector<16x16x1024xf32>
    %mul3A_44 = arith.mulf %mul3A_42, %mul3A_43 : vector<16x16x1024xf32>
    %add3A = arith.addf %mul3A_24, %mul3A_44 : vector<16x16x1024xf32>
    %slice3A_45 = vector.extract_strided_slice %reshape3A {offsets = [0, 5, 0], sizes = [16, 1, 1024], strides = [1, 1, 1]} : vector<16x16x1024xf32> to vector<16x1x1024xf32>
    %slice3A_46 = vector.extract_strided_slice %reshape3A_18 {offsets = [5, 0, 0], sizes = [1, 16, 1024], strides = [1, 1, 1]} : vector<16x16x1024xf32> to vector<1x16x1024xf32>
    %mul3A_47 = vector.broadcast %slice3A_45 : vector<16x1x1024xf32> to vector<16x16x1024xf32>
    %mul3A_48 = vector.broadcast %slice3A_46 : vector<1x16x1024xf32> to vector<16x16x1024xf32>
    %mul3A_49 = arith.mulf %mul3A_47, %mul3A_48 : vector<16x16x1024xf32>
    %add3A_50 = arith.addf %mul3A_29, %mul3A_49 : vector<16x16x1024xf32>
    %slice3A_51 = vector.extract_strided_slice %reshape3A {offsets = [0, 6, 0], sizes = [16, 1, 1024], strides = [1, 1, 1]} : vector<16x16x1024xf32> to vector<16x1x1024xf32>
    %slice3A_52 = vector.extract_strided_slice %reshape3A_18 {offsets = [6, 0, 0], sizes = [1, 16, 1024], strides = [1, 1, 1]} : vector<16x16x1024xf32> to vector<1x16x1024xf32>
    %mul3A_53 = vector.broadcast %slice3A_51 : vector<16x1x1024xf32> to vector<16x16x1024xf32>
    %mul3A_54 = vector.broadcast %slice3A_52 : vector<1x16x1024xf32> to vector<16x16x1024xf32>
    %mul3A_55 = arith.mulf %mul3A_53, %mul3A_54 : vector<16x16x1024xf32>
    %add3A_56 = arith.addf %mul3A_34, %mul3A_55 : vector<16x16x1024xf32>
    %slice3A_57 = vector.extract_strided_slice %reshape3A {offsets = [0, 7, 0], sizes = [16, 1, 1024], strides = [1, 1, 1]} : vector<16x16x1024xf32> to vector<16x1x1024xf32>
    %slice3A_58 = vector.extract_strided_slice %reshape3A_18 {offsets = [7, 0, 0], sizes = [1, 16, 1024], strides = [1, 1, 1]} : vector<16x16x1024xf32> to vector<1x16x1024xf32>
    %mul3A_59 = vector.broadcast %slice3A_57 : vector<16x1x1024xf32> to vector<16x16x1024xf32>
    %mul3A_60 = vector.broadcast %slice3A_58 : vector<1x16x1024xf32> to vector<16x16x1024xf32>
    %mul3A_61 = arith.mulf %mul3A_59, %mul3A_60 : vector<16x16x1024xf32>
    %add3A_62 = arith.addf %mul3A_39, %mul3A_61 : vector<16x16x1024xf32>
    %slice3A_63 = vector.extract_strided_slice %reshape3A {offsets = [0, 8, 0], sizes = [16, 1, 1024], strides = [1, 1, 1]} : vector<16x16x1024xf32> to vector<16x1x1024xf32>
    %slice3A_64 = vector.extract_strided_slice %reshape3A_18 {offsets = [8, 0, 0], sizes = [1, 16, 1024], strides = [1, 1, 1]} : vector<16x16x1024xf32> to vector<1x16x1024xf32>
    %mul3A_65 = vector.broadcast %slice3A_63 : vector<16x1x1024xf32> to vector<16x16x1024xf32>
    %mul3A_66 = vector.broadcast %slice3A_64 : vector<1x16x1024xf32> to vector<16x16x1024xf32>
    %mul3A_67 = arith.mulf %mul3A_65, %mul3A_66 : vector<16x16x1024xf32>
    %add3A_68 = arith.addf %add3A, %mul3A_67 : vector<16x16x1024xf32>
    %slice3A_69 = vector.extract_strided_slice %reshape3A {offsets = [0, 9, 0], sizes = [16, 1, 1024], strides = [1, 1, 1]} : vector<16x16x1024xf32> to vector<16x1x1024xf32>
    %slice3A_70 = vector.extract_strided_slice %reshape3A_18 {offsets = [9, 0, 0], sizes = [1, 16, 1024], strides = [1, 1, 1]} : vector<16x16x1024xf32> to vector<1x16x1024xf32>
    %mul3A_71 = vector.broadcast %slice3A_69 : vector<16x1x1024xf32> to vector<16x16x1024xf32>
    %mul3A_72 = vector.broadcast %slice3A_70 : vector<1x16x1024xf32> to vector<16x16x1024xf32>
    %mul3A_73 = arith.mulf %mul3A_71, %mul3A_72 : vector<16x16x1024xf32>
    %add3A_74 = arith.addf %add3A_50, %mul3A_73 : vector<16x16x1024xf32>
    %slice3A_75 = vector.extract_strided_slice %reshape3A {offsets = [0, 10, 0], sizes = [16, 1, 1024], strides = [1, 1, 1]} : vector<16x16x1024xf32> to vector<16x1x1024xf32>
    %slice3A_76 = vector.extract_strided_slice %reshape3A_18 {offsets = [10, 0, 0], sizes = [1, 16, 1024], strides = [1, 1, 1]} : vector<16x16x1024xf32> to vector<1x16x1024xf32>
    %mul3A_77 = vector.broadcast %slice3A_75 : vector<16x1x1024xf32> to vector<16x16x1024xf32>
    %mul3A_78 = vector.broadcast %slice3A_76 : vector<1x16x1024xf32> to vector<16x16x1024xf32>
    %mul3A_79 = arith.mulf %mul3A_77, %mul3A_78 : vector<16x16x1024xf32>
    %add3A_80 = arith.addf %add3A_56, %mul3A_79 : vector<16x16x1024xf32>
    %slice3A_81 = vector.extract_strided_slice %reshape3A {offsets = [0, 11, 0], sizes = [16, 1, 1024], strides = [1, 1, 1]} : vector<16x16x1024xf32> to vector<16x1x1024xf32>
    %slice3A_82 = vector.extract_strided_slice %reshape3A_18 {offsets = [11, 0, 0], sizes = [1, 16, 1024], strides = [1, 1, 1]} : vector<16x16x1024xf32> to vector<1x16x1024xf32>
    %mul3A_83 = vector.broadcast %slice3A_81 : vector<16x1x1024xf32> to vector<16x16x1024xf32>
    %mul3A_84 = vector.broadcast %slice3A_82 : vector<1x16x1024xf32> to vector<16x16x1024xf32>
    %mul3A_85 = arith.mulf %mul3A_83, %mul3A_84 : vector<16x16x1024xf32>
    %add3A_86 = arith.addf %add3A_62, %mul3A_85 : vector<16x16x1024xf32>
    %slice3A_87 = vector.extract_strided_slice %reshape3A {offsets = [0, 12, 0], sizes = [16, 1, 1024], strides = [1, 1, 1]} : vector<16x16x1024xf32> to vector<16x1x1024xf32>
    %slice3A_88 = vector.extract_strided_slice %reshape3A_18 {offsets = [12, 0, 0], sizes = [1, 16, 1024], strides = [1, 1, 1]} : vector<16x16x1024xf32> to vector<1x16x1024xf32>
    %mul3A_89 = vector.broadcast %slice3A_87 : vector<16x1x1024xf32> to vector<16x16x1024xf32>
    %mul3A_90 = vector.broadcast %slice3A_88 : vector<1x16x1024xf32> to vector<16x16x1024xf32>
    %mul3A_91 = arith.mulf %mul3A_89, %mul3A_90 : vector<16x16x1024xf32>
    %add3A_92 = arith.addf %add3A_68, %mul3A_91 : vector<16x16x1024xf32>
    %slice3A_93 = vector.extract_strided_slice %reshape3A {offsets = [0, 13, 0], sizes = [16, 1, 1024], strides = [1, 1, 1]} : vector<16x16x1024xf32> to vector<16x1x1024xf32>
    %slice3A_94 = vector.extract_strided_slice %reshape3A_18 {offsets = [13, 0, 0], sizes = [1, 16, 1024], strides = [1, 1, 1]} : vector<16x16x1024xf32> to vector<1x16x1024xf32>
    %mul3A_95 = vector.broadcast %slice3A_93 : vector<16x1x1024xf32> to vector<16x16x1024xf32>
    %mul3A_96 = vector.broadcast %slice3A_94 : vector<1x16x1024xf32> to vector<16x16x1024xf32>
    %mul3A_97 = arith.mulf %mul3A_95, %mul3A_96 : vector<16x16x1024xf32>
    %add3A_98 = arith.addf %add3A_74, %mul3A_97 : vector<16x16x1024xf32>
    %slice3A_99 = vector.extract_strided_slice %reshape3A {offsets = [0, 14, 0], sizes = [16, 1, 1024], strides = [1, 1, 1]} : vector<16x16x1024xf32> to vector<16x1x1024xf32>
    %slice3A_100 = vector.extract_strided_slice %reshape3A_18 {offsets = [14, 0, 0], sizes = [1, 16, 1024], strides = [1, 1, 1]} : vector<16x16x1024xf32> to vector<1x16x1024xf32>
    %mul3A_101 = vector.broadcast %slice3A_99 : vector<16x1x1024xf32> to vector<16x16x1024xf32>
    %mul3A_102 = vector.broadcast %slice3A_100 : vector<1x16x1024xf32> to vector<16x16x1024xf32>
    %mul3A_103 = arith.mulf %mul3A_101, %mul3A_102 : vector<16x16x1024xf32>
    %add3A_104 = arith.addf %add3A_80, %mul3A_103 : vector<16x16x1024xf32>
    %slice3A_105 = vector.extract_strided_slice %reshape3A {offsets = [0, 15, 0], sizes = [16, 1, 1024], strides = [1, 1, 1]} : vector<16x16x1024xf32> to vector<16x1x1024xf32>
    %slice3A_106 = vector.extract_strided_slice %reshape3A_18 {offsets = [15, 0, 0], sizes = [1, 16, 1024], strides = [1, 1, 1]} : vector<16x16x1024xf32> to vector<1x16x1024xf32>
    %mul3A_107 = vector.broadcast %slice3A_105 : vector<16x1x1024xf32> to vector<16x16x1024xf32>
    %mul3A_108 = vector.broadcast %slice3A_106 : vector<1x16x1024xf32> to vector<16x16x1024xf32>
    %mul3A_109 = arith.mulf %mul3A_107, %mul3A_108 : vector<16x16x1024xf32>
    %add3A_110 = arith.addf %add3A_86, %mul3A_109 : vector<16x16x1024xf32>
    %add3A_111 = arith.addf %add3A_92, %add3A_98 : vector<16x16x1024xf32>
    %add3A_112 = arith.addf %add3A_104, %add3A_110 : vector<16x16x1024xf32>
    %add3A_113 = arith.addf %add3A_111, %add3A_112 : vector<16x16x1024xf32>
    %mul3A_114 = arith.mulf %add3A_113, %reshape3A_20 : vector<16x16x1024xf32>
    %reduce_sum3A = arith.constant dense<0.000000e+00> : vector<1024xf32>
    %reduce_sum3A_115 = vector.multi_reduction <add>, %mul3A_114, %reduce_sum3A [0, 1] : vector<16x16x1024xf32> to vector<1024xf32>
    %reshape3A_116 = vector.shape_cast %reduce_sum3A_115 : vector<1024xf32> to vector<1x1x1024xf32>
    %swap3A = arith.constant 0 : index
    %swap3A_117 = arith.constant 0 : index
    %swap3A_118 = arith.constant 0 : index
    %swap3A_119 = vector.load %arg6[%swap3A, %swap3A_117, %swap3A_118] : memref<1x1x1024xf32, #tpu.memory_space<vmem>>, vector<1x1x1024xf32>
    tpu.vector_store %arg6[%swap3A, %swap3A_117, %swap3A_118], %reshape3A_116 {strides = array<i32>} : memref<1x1x1024xf32, #tpu.memory_space<vmem>>, vector<1x1x1024xf32>,
    return
  }
  func.func @transform_0(%arg0: i32) -> (i32, i32) {
    %c0_i32 = arith.constant 0 : i32
    %c0_i32_0 = arith.constant 0 : i32
    return %arg0, %c0_i32 : i32, i32
  }
  func.func @transform_1(%arg0: i32) -> (i32, i32) {
    %c0_i32 = arith.constant 0 : i32
    %c0_i32_0 = arith.constant 0 : i32
    return %arg0, %c0_i32 : i32, i32
  }
  func.func @transform_2(%arg0: i32) -> (i32, i32) {
    %c0_i32 = arith.constant 0 : i32
    %c0_i32_0 = arith.constant 0 : i32
    return %arg0, %c0_i32 : i32, i32
  }
  func.func @transform_3(%arg0: i32) -> (i32, i32) {
    %c0_i32 = arith.constant 0 : i32
    %c0_i32_0 = arith.constant 0 : i32
    %c0_i32_1 = arith.constant 0 : i32
    return %c0_i32, %c0_i32_0 : i32, i32
  }
  func.func @transform_4(%arg0: i32) -> (i32, i32) {
    %c0_i32 = arith.constant 0 : i32
    %c0_i32_0 = arith.constant 0 : i32
    %c0_i32_1 = arith.constant 0 : i32
    return %c0_i32, %c0_i32_0 : i32, i32
  }
  func.func @transform_5(%arg0: i32) -> (i32, i32, i32) {
    %c0_i32 = arith.constant 0 : i32
    %c0_i32_0 = arith.constant 0 : i32
    %c0_i32_1 = arith.constant 0 : i32
    return %arg0, %c0_i32, %c0_i32_0 : i32, i32, i32
  }
}

</mosaic_0001>

<sc_bundles>
// kernel: kernel.12.cloned.1.call-start
scs
__scs_entry_jumppad:
0x0: {  	(pc) =	sbr.rel $0x88, $3  }
0x1: {  	(tag) =	ssettag $0x0;
	lr =	simm.s32 $0x1  }
0x2: {  	[smem:$0x3F9A] =	sst lr;
	_ =	strace $0xD0000000  }
0x3: {  	_ = 	snop  }
0x4: {  	_ = 	snop  }
0x5: {  	_ = 	snop  }
0x6: {  	_ = 	snop  }
0x7: {  	_ = 	snop  }
__scs_overlays_trampoline_lowered:
0x8: {  	[smem:$0x3FA9] =	sst s0  }
0x9: {  	[smem:$0x3FAA] =	sst s1  }
0xa: {  	[smem:$0x3FAB] =	sst s2  }
0xb: {  	[smem:$0x3FAC] =	sst s3  }
0xc: {  	[smem:$0x3FAD] =	sst s4  }
0xd: {  	[smem:$0x3FAE] =	sst s5  }
0xe: {  	[smem:$0x3FAF] =	sst s6  }
0xf: {  	[smem:$0x3FB0] =	sst s7  }
0x10: {  	[smem:$0x3FB1] =	sst s8  }
0x11: {  	[smem:$0x3FB2] =	sst s9;
	s0 =	simm.s32 @!p0 $0x0  }
0x12: {  	s1 =	sld [smem:$0x3F98];
	s0 =	simm.s32 @p0 $0x1  }
0x13: {  	[smem:$0x3FB3] =	sst s0;
	s0 =	simm.s32 @!p1 $0x0  }
0x14: {  	s2 =	sld [smem:$0x3F97];
	s0 =	simm.s32 @p1 $0x1  }
0x15: {  	[smem:$0x3FB4] =	sst s0;
	s0 =	simm.s32 @!p2 $0x0  }
0x16: {  	s3 =	sld [smem:$0x3FDB];
	s0 =	simm.s32 @p2 $0x1  }
0x17: {  	s4 =	simm.s32 $0x1BF5;
	[smem:$0x3FB6] =	sst s0  }
0x18: {  	s0 =	sld [smem:$0x3F99];
	_ =	swait.ge [sflag:s4], $0x0  }
0x19: {  	s7 =	sld [smem:$0x3F9A]  }
0x1a: {  	s8 =	sadd.s32 $0xFFFFE003, lr  }
0x1b: {  	s9 =	sadd.s32 $0xFFFFFEF7, lr;
	s5 =	simm.s32 $0xFFFFFFFF;
	p2 =	slt.u32 s8, $0xFFFFF086  }
0x1c: {  	p1 =	slt.u32 s9, $0xF7A;
	s5 =	simm.s32 @!p2 $0x0  }
0x1d: {  	s5 =	simm.s32 @p1 $0x1;
	p0 =	seq.s32 s7, s2  }
0x1e: {  	s7 =	smul.u32 @!p0 $0xF7A, s2;
	p2 =	seq.s32 @!p0 s5, $0x0  }
0x1f: {  	s9 =	smul.u32 $0xF7A, s1;
	s8 =	simm.s32 @!p0 $0x1BF5;
	p2 =	por !p2, p0  }
0x20: {  	[sflag:s8] =	ssyncset.s32 @!p0 $0xFFFFF086;
	s6 =	sadd.s32 @!p0 s3, s7;
	s7 =	simm.s32 @!p0 $0x108  }
0x21: {  	s3 =	sadd.s32 s3, s9;
	s6 =	sadd.s32 @!p0 $0x88, s6;
	s7 =	simm.s32 @p2 $0x1082  }
0x22: {  	[simem:s7], [sflag:s8] =	dma.local @!p0 [hbm:s6], $0xF7A  }
0x23: {  	s9 =	sor.u32 $0xD0000000, s2;
	s6 =	simm.s32 $0x108;
	_ =	swait.ge @!p0 [sflag:s8], $0x0  }
0x24: {  	s3 =	sadd.s32 $0x88, s3;
	s6 =	simm.s32 @!p1 $0x1082;
	[sflag:s4] =	ssyncset.s32 $0xFFFFF086  }
0x25: {  	[simem:s6], [sflag:s4] =	dma.local [hbm:s3], $0xF7A  }
0x26: {  	[smem:$0x3F9A] =	sst s1;
	(tag) =	ssettag s2;
	_ =	strace s9  }
0x27: {  	s1 =	sld [smem:$0x3FAA]  }
0x28: {  	s2 =	sld [smem:$0x3FAB]  }
0x29: {  	s4 =	sld [smem:$0x3FAD]  }
0x2a: {  	p0 =	seq.s32 s5, $0x0;
	s5 =	sld [smem:$0x3FAE]  }
0x2b: {  	s6 =	sld [smem:$0x3FAF]  }
0x2c: {  	s7 =	sld [smem:$0x3FB0]  }
0x2d: {  	s3 =	simm.s32 $0x108;
	s8 =	sld [smem:$0x3FB1]  }
0x2e: {  	s3 =	simm.s32 @!p0 $0x1082;
	s9 =	sld [smem:$0x3FB2]  }
0x2f: {  	lr =	sadd.s32 s0, s3;
	s0 =	sld [smem:$0x3FA9]  }
0x30: {  	s3 =	sld [smem:$0x3FAC]  }
0x31: {  	[smem:$0x3FB5] =	sst s10  }
0x32: {  	s10 =	sld [smem:$0x3FB3];
	_ =	sdelay $0x3  }
0x33: {  	p0 =	seq.s32 s10, $0x1;
	s10 =	sld [smem:$0x3FB5];
	_ =	sdelay $0x3  }
0x34: {  	[smem:$0x3FB5] =	sst s10  }
0x35: {  	s10 =	sld [smem:$0x3FB4];
	_ =	sdelay $0x3  }
0x36: {  	p1 =	seq.s32 s10, $0x1;
	s10 =	sld [smem:$0x3FB5];
	_ =	sdelay $0x3  }
0x37: {  	[smem:$0x3FB5] =	sst s10  }
0x38: {  	s10 =	sld [smem:$0x3FB6]  }
0x39: {  	_ = 	snop;
	(pc) =	sbr.ind lr, $3  }
0x3a: {  	_ = 	snop  }
0x3b: {  	_ = 	snop  }
0x3c: {  	p2 =	seq.s32 s10, $0x1;
	s10 =	sld [smem:$0x3FB5]  }
0x3d: {  	_ =	shalt  }
0x3e: {  	_ =	shalt  }
0x3f: {  	_ =	shalt  }
0x40: {  	_ =	shalt  }
0x41: {  	_ =	shalt  }
0x42: {  	_ =	shalt  }
0x43: {  	_ =	shalt  }
0x44: {  	_ =	shalt  }
0x45: {  	_ =	shalt  }
0x46: {  	_ =	shalt  }
0x47: {  	_ =	shalt  }
0x48: {  	_ =	shalt  }
0x49: {  	_ =	shalt  }
0x4a: {  	_ =	shalt  }
0x4b: {  	_ =	shalt  }
0x4c: {  	_ =	shalt  }
0x4d: {  	_ =	shalt  }
0x4e: {  	_ =	shalt  }
0x4f: {  	_ =	shalt  }
0x50: {  	_ =	shalt  }
0x51: {  	_ =	shalt  }
0x52: {  	_ =	shalt  }
0x53: {  	_ =	shalt  }
0x54: {  	_ =	shalt  }
0x55: {  	_ =	shalt  }
0x56: {  	_ =	shalt  }
0x57: {  	_ =	shalt  }
0x58: {  	_ =	shalt  }
0x59: {  	_ =	shalt  }
0x5a: {  	_ =	shalt  }
0x5b: {  	_ =	shalt  }
0x5c: {  	_ =	shalt  }
0x5d: {  	_ =	shalt  }
0x5e: {  	_ =	shalt  }
0x5f: {  	_ =	shalt  }
0x60: {  	_ =	shalt  }
0x61: {  	_ =	shalt  }
0x62: {  	_ =	shalt  }
0x63: {  	_ =	shalt  }
0x64: {  	_ =	shalt  }
0x65: {  	_ =	shalt  }
0x66: {  	_ =	shalt  }
0x67: {  	_ =	shalt  }
0x68: {  	_ =	shalt  }
0x69: {  	_ =	shalt  }
0x6a: {  	_ =	shalt  }
0x6b: {  	_ =	shalt  }
0x6c: {  	_ =	shalt  }
0x6d: {  	_ =	shalt  }
0x6e: {  	_ =	shalt  }
0x6f: {  	_ =	shalt  }
0x70: {  	_ =	shalt  }
0x71: {  	_ =	shalt  }
0x72: {  	_ =	shalt  }
0x73: {  	_ =	shalt  }
0x74: {  	_ =	shalt  }
0x75: {  	_ =	shalt  }
0x76: {  	_ =	shalt  }
0x77: {  	_ =	shalt  }
0x78: {  	_ =	shalt  }
0x79: {  	_ =	shalt  }
0x7a: {  	_ =	shalt  }
0x7b: {  	_ =	shalt  }
0x7c: {  	_ =	shalt  }
0x7d: {  	_ =	shalt  }
0x7e: {  	_ =	shalt  }
0x7f: {  	_ =	shalt  }
0x80: {  	_ =	shalt  }
0x81: {  	_ =	shalt  }
0x82: {  	_ =	shalt  }
0x83: {  	_ =	shalt  }
0x84: {  	_ =	shalt  }
0x85: {  	_ =	shalt  }
0x86: {  	_ =	shalt  }
0x87: {  	_ =	shalt  }
.Lfunc_end0:
.L_simem_size_0:
called_computation.2_lowered:
.L_overlay_start_0:
0x88: {  	s2 =	sld [smem:$0x3FD9]  }
0x89: {  	s3 =	sld [smem:$0x3FFE];
	_ =	sdelay $0x1  }
0x8a: {  	s1 =	srdreg.scid  }
0x8b: {  	s0 =	sand.u32 $0x1, s1  }
0x8c: {  	s16 =	sshll.u32 s0, $0xA;
	s2 =	sadd.s32 s3, s2  }
0x8d: {  	s2 =	sadd.s32 s2, s16  }
0x8e: {  	[smem:$0x3FC1] =	sst s2  }
0x8f: {  	_ = 	snop  }
0x90: {  	(tm) =	ssettm $0x1  }
0x91: {  	s17 =	sld [smem:$0x3FFB];
	_ =	sdelay $0x3  }
0x92: {  	_ =	strace s17  }
0x93: {  	s2 =	sld [smem:$0x3FFC];
	_ =	sdelay $0x3  }
0x94: {  	_ =	strace s2  }
0x95: {  	s2 =	sld [smem:$0x3FFD];
	_ =	sdelay $0x3  }
0x96: {  	_ =	strace s2  }
0x97: {  	_ =	strace $0x8FFFFFFF  }
0x98: {  	s18 =	sld [smem:$0x3FDB];
	_ =	sdelay $0x1  }
0x99: {  	s19 =	simm.s32 $_scs_section_size  }
0x9a: {  	s4 =	simm.s32 $_size__tile_overlayer_lowered;
	s5 =	simm.s32 $_tile_overlayer_lowered  }
0x9b: {  	s22 =	simm.s32 $0x1BFF;
	s21 =	sshll.u32 s5, $0x1;
	s2 =	sadd.s32 s19, s18  }
0x9c: {  	s6 =	simm.s32 $0x0;
	s20 =	sshll.u32 s4, $0x1;
	s4 =	sadd.s32 s21, s2  }
0x9d: {  	[timem:s6], [sflag:s22] =	dma.local [hbm:s4], s20  }
0x9e: {  	_ =	swait.ge [sflag:s22], s20  }
0x9f: {  	s3 =	ssub.s32 $0x0, s20;
	[sflag:s22] =	ssyncset.done $0x0  }
0xa0: {  	[sflag:s22] =	ssyncadd.s32 s3;
	_ =	sdelay $0x1  }
0xa1: {  	s23 =	simm.s32 $0x1B8B  }
0xa2: {  	_ =	swait.ge [sflag:s23], $0x1  }
0xa3: {  	[sflag:s23] =	ssyncset.done $0x0  }
0xa4: {  	s25 =	simm.s32 $0x1B8E;
	s24 =	sld [smem:$0x3FFE];
	[sflag:s23] =	ssyncadd.s32 $0xFFFFFFFF  }
0xa5: {  	s26 =	simm.s32 $execute0_lowered;
	[smem:$0x3FD2] =	sst s25  }
0xa6: {  	s4 =	sshll.u32 s26, $0x1;
	_ =	strace $0x80000046;
	[dreg:$0x1] =	wrdreg $0xFFFFFFFF  }
0xa7: {  	s28 =	simm.s32 $_size_execute0_lowered;
	s2 =	sadd.s32 s2, s4;
	[dreg:$0x0] =	wrdreg $0x0  }
0xa8: {  	s4 =	sshll.u32 s28, $0x1;
	[dreg:$0x2] =	wrdreg s2  }
0xa9: {  	[dreg:$0x3] =	wrdreg s4  }
0xaa: {  	[dreg:$0x4] =	wrdreg $0xC0  }
0xab: {  	_ =	task [dreg:s6], $0x5FFFF  }
0xac: {  	[dreg:$0x1] =	wrdreg $0xFFFFFFFF  }
0xad: {  	[dreg:$0x0] =	wrdreg $0x60  }
0xae: {  	[dreg:$0x2] =	wrdreg s24  }
0xaf: {  	[dreg:$0x3] =	wrdreg $0xB  }
0xb0: {  	_ =	task.clear_ibuf [dreg:s6], $0x4FFFF;
	_ =	strace $0x90000046  }
0xb1: {  	s29 =	simm.s32 $0xB;
	_ =	strace $0x80000048  }
0xb2: {  	_ =	swait.ge [sflag:s29], $0x1  }
0xb3: {  	[sflag:s29] =	ssyncadd.s32 $0xFFFFFFFF  }
0xb4: {  	_ =	strace $0x90000048  }
0xb5: {  	_ =	sfence  }
0xb6: {  	s30 =	sld [smem:$0x0];
	_ =	sdelay $0x2  }
0xb7: {  	s31 =	sshll.u32 s1, $0xD;
	s1 =	sshrl.u32 s1, $0x2  }
0xb8: {  	s3 =	sand.u32 $0x4000, s31;
	s1 =	sadd.s32 s1, s30  }
0xb9: {  	s0 =	sor.u32 s3, s0;
	s1 =	sshll.u32 s1, $0x11  }
0xba: {  	s0 =	sor.u32 s1, s0  }
0xbb: {  	s0 =	sadd.s32 $0x8F2B, s0  }
0xbc: {  	[sflag:s0] =	ssyncadd.remote.s32 $0x1  }
0xbd: {  	_ =	sfence.sel $0xFFFF  }
0xbe: {  	[dreg:$0x0] =	wrdreg $0xFFFFFFFF;
	(pc) =	sbr.abs _section_cstart, $3  }
0xbf: {  	[dreg:$0x1] =	wrdreg $0xFFFFFFFF  }
0xc0: {  	_ =	task.clear_ibuf [dreg:s6], $0x2FFFF;
	_ =	strace $0x9FFFFFFF  }
0xc1: {  	(tm) =	ssettm $0x7FFFFFFF  }
tec
execute0_lowered:
.L_overlay_start_1:
0x0: {  	(tag) =	ssettag $0x1  }
0x1: {  	s0 =	srdreg.scid;
	s1 =	stileid.u32  }
0x2: {  	s3 =	rddreg [dreg:$0x0];
	s13 =	simm.s32 $0x2;
	s15 =	simm.s32 $0xA00  }
0x3: {  	s16 =	simm.s32 $0x1200;
	s17 =	simm.s32 $0x1A00;
	s18 =	simm.s32 $0x2200  }
0x4: {  	s19 =	simm.s32 $0x2A00;
	s20 =	simm.s32 $0x3200;
	s21 =	simm.s32 $0x3A00  }
0x5: {  	s23 =	simm.s32 $0x4200;
	s28 =	simm.s32 $0x6200;
	s29 =	simm.s32 $0x6A00  }
0x6: {  	s30 =	simm.s32 $0x7200;
	s31 =	simm.s32 $0x7A00;
	s22 =	simm.s32 $0x9200  }
0x7: {  	s7 =	simm.s32 $0x9A00;
	s8 =	simm.s32 $0xA200;
	s0 =	sand.u32 $0x1, s0  }
0x8: {  	s9 =	simm.s32 $0xAA00;
	s1 =	sshll.u32 s1, $0xA;
	s2 =	sshll.u32 s0, $0x9  }
0x9: {  	s10 =	simm.s32 $0xB200;
	s11 =	simm.s32 $0xBA00;
	s1 =	sor.u32 s2, s1  }
0xa: {  	s0 =	ssub.s32 $0x2, s0;
	s2 =	simm.s32 $0x0;
	s4 =	sshrl.u32 s1, $0x3  }
0xb: {  	s5 =	sshrl.u32 s0, $0x1;
	s1 =	sshll.u32 s1, $0x5;
	s4 =	sadd.s32 s4, s3  }
0xc: {  	[smem:$0x7FF] =	sst s2;
	s1 =	sadd.s32 s1, s3;
	s4 =	sadd.s32 $0x1600, s4  }
0xd: {  	_ =	strace $0x80000047;
	s24 =	sadd.s32 $0x30FA00, s1;
	[dreg:$0x2] =	wrdreg s4  }
0xe: {  	s0 =	ssub.s32 s0, s5;
	s25 =	sadd.s32 $0x310A00, s1;
	[dreg:$0x3] =	wrdreg s24  }
0xf: {  	s5 =	simm.s32 $0x3;
	s26 =	sadd.s32 $0x311A00, s1;
	[dreg:$0x4] =	wrdreg s25  }
0x10: {  	v2 =	vlaneseq.u32;
	s3 =	sadd.s32 $0x2600, s3;
	s1 =	sadd.s32 $0x312A00, s1;
	[dreg:$0x5] =	wrdreg s26  }
0x11: {  	vm0 =	vmmov $0xffff;
	v1 =	vshrl.u32 v2, $0x3;
	[dreg:$0x6] =	wrdreg s1;
	s4 =	smax.u32 s0, $0x1;
	s1 =	simm.s32 $0x1  }
0x12: {  	v0 =	vand.u32 $0x7, v2;
	v2 =	vor.u32 $0x8, v2;
	v1 =	vmul.u32 $0x8, v1;
	s24 =	simm.s32 $0x4A00;
	s25 =	simm.s32 $0x5200;
	s26 =	simm.s32 $0x5A00  }
.LBB2_1:
0x13: {  	s14 =	rddreg [dreg:$0x2]  }
0x14: {  	[tilespmem:s2], [sflag:$0x3] =	stream.linear.gather [hbm4b:s14+s2], $0x200, $0x38;
	[tilespmem:$0x10200] =	vst v63  }
0x15: {  	_ =	swait.ge [sflag:s5], $0x200  }
0x16: {  	[sflag:s5] =	ssyncset.done $0x0  }
0x17: {  	[sflag:s5] =	ssyncadd.s32 $0xFFFFFE00  }
0x18: {  	v3 =	vld [tilespmem:$0x0];
	_ =	sdelay $0x4  }
0x19: {  	v4 =	vshll.u32 v3, $0x1  }
0x1a: {  	v3 =	vand.u32 $0x7, v3;
	v4 =	vand.u32 $0xFFFFFFF0, v4  }
0x1b: {  	v3 =	vor.u32 v3, v4  }
0x1c: {  	v4 =	vperm.xlane v3, v0;
	_ =	sdelay $0x1  }
0x1d: {  	v3 =	vperm.xlane v3, v2;
	v4 =	vadd.s32 v1, v4;
	_ =	sdelay $0x1  }
0x1e: {  	v3 =	vadd.s32 v1, v3;
	_ =	sdelay $0x1  }
0x1f: {  	s0 =	simm.s32 $0x200  }
0x20: {  	[tilespmem:s0], [sflag:$0x1] =	stream.indirect_vreg.gather [hbm4b:s3+s2], $0x80, v4, vm0, $0xb8;
	[tilespmem:$0x10200] =	vst v63  }
0x21: {  	_ = 	snop  }
0x22: {  	[tilespmem:s15], [sflag:$0x1] =	stream.indirect_vreg.gather [hbm4b:s3+s2], $0x80, v3, vm0, $0xb8;
	[tilespmem:$0x10200] =	vst v63  }
0x23: {  	v3 =	vld [tilespmem:$0x10];
	_ =	sdelay $0x4  }
0x24: {  	v33 =	vshll.u32 v3, $0x1  }
0x25: {  	v3 =	vand.u32 $0x7, v3;
	v4 =	vand.u32 $0xFFFFFFF0, v33  }
0x26: {  	v3 =	vor.u32 v3, v4  }
0x27: {  	v4 =	vperm.xlane v3, v0;
	_ =	sdelay $0x1  }
0x28: {  	v3 =	vperm.xlane v3, v2;
	v4 =	vadd.s32 v1, v4;
	_ =	sdelay $0x1  }
0x29: {  	v3 =	vadd.s32 v1, v3;
	_ =	sdelay $0x2  }
0x2a: {  	[tilespmem:s16], [sflag:$0x1] =	stream.indirect_vreg.gather [hbm4b:s3+s2], $0x80, v4, vm0, $0xb8;
	[tilespmem:$0x10200] =	vst v63  }
0x2b: {  	_ = 	snop  }
0x2c: {  	[tilespmem:s17], [sflag:$0x1] =	stream.indirect_vreg.gather [hbm4b:s3+s2], $0x80, v3, vm0, $0xb8;
	[tilespmem:$0x10200] =	vst v63  }
0x2d: {  	v3 =	vld [tilespmem:$0x20];
	_ =	sdelay $0x4  }
0x2e: {  	v34 =	vshll.u32 v3, $0x1  }
0x2f: {  	v3 =	vand.u32 $0x7, v3;
	v4 =	vand.u32 $0xFFFFFFF0, v34  }
0x30: {  	v3 =	vor.u32 v3, v4  }
0x31: {  	v4 =	vperm.xlane v3, v0;
	_ =	sdelay $0x1  }
0x32: {  	v3 =	vperm.xlane v3, v2;
	v4 =	vadd.s32 v1, v4;
	_ =	sdelay $0x1  }
0x33: {  	v3 =	vadd.s32 v1, v3;
	_ =	sdelay $0x2  }
0x34: {  	[tilespmem:s18], [sflag:$0x1] =	stream.indirect_vreg.gather [hbm4b:s3+s2], $0x80, v4, vm0, $0xb8;
	[tilespmem:$0x10200] =	vst v63  }
0x35: {  	_ = 	snop  }
0x36: {  	[tilespmem:s19], [sflag:$0x1] =	stream.indirect_vreg.gather [hbm4b:s3+s2], $0x80, v3, vm0, $0xb8;
	[tilespmem:$0x10200] =	vst v63  }
0x37: {  	v3 =	vld [tilespmem:$0x30];
	_ =	sdelay $0x4  }
0x38: {  	v35 =	vshll.u32 v3, $0x1  }
0x39: {  	v3 =	vand.u32 $0x7, v3;
	v4 =	vand.u32 $0xFFFFFFF0, v35  }
0x3a: {  	v3 =	vor.u32 v3, v4  }
0x3b: {  	v4 =	vperm.xlane v3, v0;
	_ =	sdelay $0x1  }
0x3c: {  	v3 =	vperm.xlane v3, v2;
	v4 =	vadd.s32 v1, v4;
	_ =	sdelay $0x1  }
0x3d: {  	v3 =	vadd.s32 v1, v3;
	_ =	sdelay $0x2  }
0x3e: {  	[tilespmem:s20], [sflag:$0x1] =	stream.indirect_vreg.gather [hbm4b:s3+s2], $0x80, v4, vm0, $0xb8;
	[tilespmem:$0x10200] =	vst v63  }
0x3f: {  	_ = 	snop  }
0x40: {  	[tilespmem:s21], [sflag:$0x1] =	stream.indirect_vreg.gather [hbm4b:s3+s2], $0x80, v3, vm0, $0xb8;
	[tilespmem:$0x10200] =	vst v63  }
0x41: {  	v3 =	vld [tilespmem:$0x40];
	_ =	sdelay $0x4  }
0x42: {  	v36 =	vshll.u32 v3, $0x1  }
0x43: {  	v3 =	vand.u32 $0x7, v3;
	v4 =	vand.u32 $0xFFFFFFF0, v36  }
0x44: {  	v3 =	vor.u32 v3, v4  }
0x45: {  	v4 =	vperm.xlane v3, v0;
	_ =	sdelay $0x1  }
0x46: {  	v3 =	vperm.xlane v3, v2;
	v4 =	vadd.s32 v1, v4;
	_ =	sdelay $0x1  }
0x47: {  	v3 =	vadd.s32 v1, v3;
	_ =	sdelay $0x2  }
0x48: {  	[tilespmem:s23], [sflag:$0x1] =	stream.indirect_vreg.gather [hbm4b:s3+s2], $0x80, v4, vm0, $0xb8;
	[tilespmem:$0x10200] =	vst v63  }
0x49: {  	_ = 	snop  }
0x4a: {  	[tilespmem:s24], [sflag:$0x1] =	stream.indirect_vreg.gather [hbm4b:s3+s2], $0x80, v3, vm0, $0xb8;
	[tilespmem:$0x10200] =	vst v63  }
0x4b: {  	v3 =	vld [tilespmem:$0x50];
	_ =	sdelay $0x4  }
0x4c: {  	v37 =	vshll.u32 v3, $0x1  }
0x4d: {  	v3 =	vand.u32 $0x7, v3;
	v4 =	vand.u32 $0xFFFFFFF0, v37  }
0x4e: {  	v3 =	vor.u32 v3, v4  }
0x4f: {  	v4 =	vperm.xlane v3, v0;
	_ =	sdelay $0x1  }
0x50: {  	v3 =	vperm.xlane v3, v2;
	v4 =	vadd.s32 v1, v4;
	_ =	sdelay $0x1  }
0x51: {  	v3 =	vadd.s32 v1, v3;
	_ =	sdelay $0x2  }
0x52: {  	[tilespmem:s25], [sflag:$0x1] =	stream.indirect_vreg.gather [hbm4b:s3+s2], $0x80, v4, vm0, $0xb8;
	[tilespmem:$0x10200] =	vst v63  }
0x53: {  	_ = 	snop  }
0x54: {  	[tilespmem:s26], [sflag:$0x1] =	stream.indirect_vreg.gather [hbm4b:s3+s2], $0x80, v3, vm0, $0xb8;
	[tilespmem:$0x10200] =	vst v63  }
0x55: {  	v3 =	vld [tilespmem:$0x60];
	_ =	sdelay $0x4  }
0x56: {  	v38 =	vshll.u32 v3, $0x1  }
0x57: {  	v3 =	vand.u32 $0x7, v3;
	v4 =	vand.u32 $0xFFFFFFF0, v38  }
0x58: {  	v3 =	vor.u32 v3, v4  }
0x59: {  	v4 =	vperm.xlane v3, v0;
	_ =	sdelay $0x1  }
0x5a: {  	v3 =	vperm.xlane v3, v2;
	v4 =	vadd.s32 v1, v4;
	_ =	sdelay $0x1  }
0x5b: {  	v3 =	vadd.s32 v1, v3;
	_ =	sdelay $0x2  }
0x5c: {  	[tilespmem:s28], [sflag:$0x1] =	stream.indirect_vreg.gather [hbm4b:s3+s2], $0x80, v4, vm0, $0xb8;
	[tilespmem:$0x10200] =	vst v63  }
0x5d: {  	_ = 	snop  }
0x5e: {  	[tilespmem:s29], [sflag:$0x1] =	stream.indirect_vreg.gather [hbm4b:s3+s2], $0x80, v3, vm0, $0xb8;
	[tilespmem:$0x10200] =	vst v63  }
0x5f: {  	v3 =	vld [tilespmem:$0x70];
	_ =	sdelay $0x4  }
0x60: {  	v39 =	vshll.u32 v3, $0x1  }
0x61: {  	v3 =	vand.u32 $0x7, v3;
	v4 =	vand.u32 $0xFFFFFFF0, v39  }
0x62: {  	v3 =	vor.u32 v3, v4  }
0x63: {  	v4 =	vperm.xlane v3, v0;
	_ =	sdelay $0x1  }
0x64: {  	v3 =	vperm.xlane v3, v2;
	v4 =	vadd.s32 v1, v4;
	_ =	sdelay $0x1  }
0x65: {  	v3 =	vadd.s32 v1, v3;
	_ =	sdelay $0x2  }
0x66: {  	[tilespmem:s30], [sflag:$0x1] =	stream.indirect_vreg.gather [hbm4b:s3+s2], $0x80, v4, vm0, $0xb8;
	[tilespmem:$0x10200] =	vst v63  }
0x67: {  	_ = 	snop  }
0x68: {  	[tilespmem:s31], [sflag:$0x1] =	stream.indirect_vreg.gather [hbm4b:s3+s2], $0x80, v3, vm0, $0xb8;
	[tilespmem:$0x10200] =	vst v63  }
0x69: {  	v3 =	vld [tilespmem:$0x80];
	_ =	sdelay $0x4  }
0x6a: {  	v40 =	vshll.u32 v3, $0x1  }
0x6b: {  	v3 =	vand.u32 $0x7, v3;
	v4 =	vand.u32 $0xFFFFFFF0, v40  }
0x6c: {  	v3 =	vor.u32 v3, v4  }
0x6d: {  	v4 =	vperm.xlane v3, v0;
	_ =	sdelay $0x1  }
0x6e: {  	v3 =	vperm.xlane v3, v2;
	v4 =	vadd.s32 v1, v4;
	_ =	sdelay $0x1  }
0x6f: {  	v3 =	vadd.s32 v1, v3;
	_ =	sdelay $0x1  }
0x70: {  	s0 =	simm.s32 $0x8200  }
0x71: {  	[tilespmem:s0], [sflag:$0x2] =	stream.indirect_vreg.gather [hbm4b:s3+s2], $0x80, v4, vm0, $0xb8;
	[tilespmem:$0x10200] =	vst v63  }
0x72: {  	s6 =	simm.s32 $0x8A00  }
0x73: {  	[tilespmem:s6], [sflag:$0x2] =	stream.indirect_vreg.gather [hbm4b:s3+s2], $0x80, v3, vm0, $0xb8;
	[tilespmem:$0x10200] =	vst v63  }
0x74: {  	v3 =	vld [tilespmem:$0x90];
	_ =	sdelay $0x4  }
0x75: {  	v41 =	vshll.u32 v3, $0x1  }
0x76: {  	v3 =	vand.u32 $0x7, v3;
	v4 =	vand.u32 $0xFFFFFFF0, v41  }
0x77: {  	v3 =	vor.u32 v3, v4  }
0x78: {  	v4 =	vperm.xlane v3, v0;
	_ =	sdelay $0x1  }
0x79: {  	v3 =	vperm.xlane v3, v2;
	v4 =	vadd.s32 v1, v4;
	_ =	sdelay $0x1  }
0x7a: {  	v3 =	vadd.s32 v1, v3;
	_ =	sdelay $0x2  }
0x7b: {  	[tilespmem:s22], [sflag:$0x2] =	stream.indirect_vreg.gather [hbm4b:s3+s2], $0x80, v4, vm0, $0xb8;
	[tilespmem:$0x10200] =	vst v63  }
0x7c: {  	_ = 	snop  }
0x7d: {  	[tilespmem:s7], [sflag:$0x2] =	stream.indirect_vreg.gather [hbm4b:s3+s2], $0x80, v3, vm0, $0xb8;
	[tilespmem:$0x10200] =	vst v63  }
0x7e: {  	v3 =	vld [tilespmem:$0xA0];
	_ =	sdelay $0x4  }
0x7f: {  	v42 =	vshll.u32 v3, $0x1  }
0x80: {  	v3 =	vand.u32 $0x7, v3;
	v4 =	vand.u32 $0xFFFFFFF0, v42  }
0x81: {  	v3 =	vor.u32 v3, v4  }
0x82: {  	v4 =	vperm.xlane v3, v0;
	_ =	sdelay $0x1  }
0x83: {  	v3 =	vperm.xlane v3, v2;
	v4 =	vadd.s32 v1, v4;
	_ =	sdelay $0x1  }
0x84: {  	v3 =	vadd.s32 v1, v3;
	_ =	sdelay $0x2  }
0x85: {  	[tilespmem:s8], [sflag:$0x2] =	stream.indirect_vreg.gather [hbm4b:s3+s2], $0x80, v4, vm0, $0xb8;
	[tilespmem:$0x10200] =	vst v63  }
0x86: {  	_ = 	snop  }
0x87: {  	[tilespmem:s9], [sflag:$0x2] =	stream.indirect_vreg.gather [hbm4b:s3+s2], $0x80, v3, vm0, $0xb8;
	[tilespmem:$0x10200] =	vst v63  }
0x88: {  	v3 =	vld [tilespmem:$0xB0];
	_ =	sdelay $0x4  }
0x89: {  	v43 =	vshll.u32 v3, $0x1  }
0x8a: {  	v3 =	vand.u32 $0x7, v3;
	v4 =	vand.u32 $0xFFFFFFF0, v43  }
0x8b: {  	v3 =	vor.u32 v3, v4  }
0x8c: {  	v4 =	vperm.xlane v3, v0;
	_ =	sdelay $0x1  }
0x8d: {  	v3 =	vperm.xlane v3, v2;
	v4 =	vadd.s32 v1, v4;
	_ =	sdelay $0x1  }
0x8e: {  	v3 =	vadd.s32 v1, v3;
	_ =	sdelay $0x2  }
0x8f: {  	[tilespmem:s10], [sflag:$0x2] =	stream.indirect_vreg.gather [hbm4b:s3+s2], $0x80, v4, vm0, $0xb8;
	[tilespmem:$0x10200] =	vst v63  }
0x90: {  	_ = 	snop  }
0x91: {  	[tilespmem:s11], [sflag:$0x2] =	stream.indirect_vreg.gather [hbm4b:s3+s2], $0x80, v3, vm0, $0xb8;
	[tilespmem:$0x10200] =	vst v63  }
0x92: {  	v3 =	vld [tilespmem:$0xC0];
	_ =	sdelay $0x4  }
0x93: {  	v44 =	vshll.u32 v3, $0x1  }
0x94: {  	v3 =	vand.u32 $0x7, v3;
	v4 =	vand.u32 $0xFFFFFFF0, v44  }
0x95: {  	v3 =	vor.u32 v3, v4  }
0x96: {  	v4 =	vperm.xlane v3, v0;
	_ =	sdelay $0x1  }
0x97: {  	v3 =	vperm.xlane v3, v2;
	v4 =	vadd.s32 v1, v4;
	_ =	sdelay $0x1  }
0x98: {  	v3 =	vadd.s32 v1, v3;
	_ =	sdelay $0x1  }
0x99: {  	s6 =	simm.s32 $0xC200  }
0x9a: {  	[tilespmem:s6], [sflag:$0x2] =	stream.indirect_vreg.gather [hbm4b:s3+s2], $0x80, v4, vm0, $0xb8;
	[tilespmem:$0x10200] =	vst v63  }
0x9b: {  	s12 =	simm.s32 $0xCA00  }
0x9c: {  	[tilespmem:s12], [sflag:$0x2] =	stream.indirect_vreg.gather [hbm4b:s3+s2], $0x80, v3, vm0, $0xb8;
	[tilespmem:$0x10200] =	vst v63  }
0x9d: {  	v3 =	vld [tilespmem:$0xD0];
	_ =	sdelay $0x4  }
0x9e: {  	v45 =	vshll.u32 v3, $0x1  }
0x9f: {  	v3 =	vand.u32 $0x7, v3;
	v4 =	vand.u32 $0xFFFFFFF0, v45  }
0xa0: {  	v3 =	vor.u32 v3, v4  }
0xa1: {  	v4 =	vperm.xlane v3, v0;
	_ =	sdelay $0x1  }
0xa2: {  	v3 =	vperm.xlane v3, v2;
	v4 =	vadd.s32 v1, v4;
	_ =	sdelay $0x1  }
0xa3: {  	v3 =	vadd.s32 v1, v3;
	_ =	sdelay $0x1  }
0xa4: {  	s14 =	simm.s32 $0xD200  }
0xa5: {  	[tilespmem:s14], [sflag:$0x2] =	stream.indirect_vreg.gather [hbm4b:s3+s2], $0x80, v4, vm0, $0xb8;
	[tilespmem:$0x10200] =	vst v63  }
0xa6: {  	s14 =	simm.s32 $0xDA00  }
0xa7: {  	[tilespmem:s14], [sflag:$0x2] =	stream.indirect_vreg.gather [hbm4b:s3+s2], $0x80, v3, vm0, $0xb8;
	[tilespmem:$0x10200] =	vst v63  }
0xa8: {  	v3 =	vld [tilespmem:$0xE0];
	_ =	sdelay $0x4  }
0xa9: {  	v46 =	vshll.u32 v3, $0x1  }
0xaa: {  	v3 =	vand.u32 $0x7, v3;
	v4 =	vand.u32 $0xFFFFFFF0, v46  }
0xab: {  	v3 =	vor.u32 v3, v4  }
0xac: {  	v4 =	vperm.xlane v3, v0;
	_ =	sdelay $0x1  }
0xad: {  	v3 =	vperm.xlane v3, v2;
	v4 =	vadd.s32 v1, v4;
	_ =	sdelay $0x1  }
0xae: {  	v3 =	vadd.s32 v1, v3;
	_ =	sdelay $0x1  }
0xaf: {  	s14 =	simm.s32 $0xE200  }
0xb0: {  	[tilespmem:s14], [sflag:$0x2] =	stream.indirect_vreg.gather [hbm4b:s3+s2], $0x80, v4, vm0, $0xb8;
	[tilespmem:$0x10200] =	vst v63  }
0xb1: {  	s14 =	simm.s32 $0xEA00  }
0xb2: {  	[tilespmem:s14], [sflag:$0x2] =	stream.indirect_vreg.gather [hbm4b:s3+s2], $0x80, v3, vm0, $0xb8;
	[tilespmem:$0x10200] =	vst v63  }
0xb3: {  	v3 =	vld [tilespmem:$0xF0];
	_ =	sdelay $0x4  }
0xb4: {  	v47 =	vshll.u32 v3, $0x1  }
0xb5: {  	v3 =	vand.u32 $0x7, v3;
	v4 =	vand.u32 $0xFFFFFFF0, v47  }
0xb6: {  	v3 =	vor.u32 v3, v4  }
0xb7: {  	v4 =	vperm.xlane v3, v0;
	_ =	sdelay $0x1  }
0xb8: {  	v3 =	vperm.xlane v3, v2;
	v4 =	vadd.s32 v1, v4;
	_ =	sdelay $0x1  }
0xb9: {  	v3 =	vadd.s32 v1, v3;
	_ =	sdelay $0x1  }
0xba: {  	s14 =	simm.s32 $0xF200  }
0xbb: {  	[tilespmem:s14], [sflag:$0x2] =	stream.indirect_vreg.gather [hbm4b:s3+s2], $0x80, v4, vm0, $0xb8;
	[tilespmem:$0x10200] =	vst v63  }
0xbc: {  	s14 =	simm.s32 $0xFA00  }
0xbd: {  	[tilespmem:s14], [sflag:$0x2] =	stream.indirect_vreg.gather [hbm4b:s3+s2], $0x80, v3, vm0, $0xb8;
	[tilespmem:$0x10200] =	vst v63  }
0xbe: {  	_ =	swait.ge [sflag:s1], $0x8000  }
0xbf: {  	[sflag:s1] =	ssyncset.done $0x0  }
0xc0: {  	s12 =	simm.s32 $0x200;
	s14 =	rddreg [dreg:$0x3];
	[sflag:s1] =	ssyncadd.s32 $0xFFFF8000  }
0xc1: {  	[hbm4b:s14+s2] =	stream.linear.scatter [tilespmem:s12], [sflag:$0x3], $0x8000, $0x38;
	[tilespmem:$0x10200] =	vst v63  }
0xc2: {  	_ =	swait.ge [sflag:s5], $0x8000  }
0xc3: {  	[sflag:s5] =	ssyncset.done $0x0  }
0xc4: {  	[sflag:s5] =	ssyncadd.s32 $0xFFFF8000  }
0xc5: {  	v3 =	vld [tilespmem:$0x100];
	_ =	sdelay $0x4  }
0xc6: {  	v48 =	vshll.u32 v3, $0x1  }
0xc7: {  	v3 =	vand.u32 $0x7, v3;
	v4 =	vand.u32 $0xFFFFFFF0, v48  }
0xc8: {  	v3 =	vor.u32 v3, v4  }
0xc9: {  	v4 =	vperm.xlane v3, v0;
	_ =	sdelay $0x1  }
0xca: {  	v3 =	vperm.xlane v3, v2;
	v4 =	vadd.s32 v1, v4;
	_ =	sdelay $0x1  }
0xcb: {  	v3 =	vadd.s32 v1, v3;
	_ =	sdelay $0x2  }
0xcc: {  	[tilespmem:s12], [sflag:$0x1] =	stream.indirect_vreg.gather [hbm4b:s3+s2], $0x80, v4, vm0, $0xb8;
	[tilespmem:$0x10200] =	vst v63  }
0xcd: {  	_ = 	snop  }
0xce: {  	[tilespmem:s15], [sflag:$0x1] =	stream.indirect_vreg.gather [hbm4b:s3+s2], $0x80, v3, vm0, $0xb8;
	[tilespmem:$0x10200] =	vst v63  }
0xcf: {  	v3 =	vld [tilespmem:$0x110];
	_ =	sdelay $0x4  }
0xd0: {  	v49 =	vshll.u32 v3, $0x1  }
0xd1: {  	v3 =	vand.u32 $0x7, v3;
	v4 =	vand.u32 $0xFFFFFFF0, v49  }
0xd2: {  	v3 =	vor.u32 v3, v4  }
0xd3: {  	v4 =	vperm.xlane v3, v0;
	_ =	sdelay $0x1  }
0xd4: {  	v3 =	vperm.xlane v3, v2;
	v4 =	vadd.s32 v1, v4;
	_ =	sdelay $0x1  }
0xd5: {  	v3 =	vadd.s32 v1, v3;
	_ =	sdelay $0x2  }
0xd6: {  	[tilespmem:s16], [sflag:$0x1] =	stream.indirect_vreg.gather [hbm4b:s3+s2], $0x80, v4, vm0, $0xb8;
	[tilespmem:$0x10200] =	vst v63  }
0xd7: {  	_ = 	snop  }
0xd8: {  	[tilespmem:s17], [sflag:$0x1] =	stream.indirect_vreg.gather [hbm4b:s3+s2], $0x80, v3, vm0, $0xb8;
	[tilespmem:$0x10200] =	vst v63  }
0xd9: {  	v3 =	vld [tilespmem:$0x120];
	_ =	sdelay $0x4  }
0xda: {  	v50 =	vshll.u32 v3, $0x1  }
0xdb: {  	v3 =	vand.u32 $0x7, v3;
	v4 =	vand.u32 $0xFFFFFFF0, v50  }
0xdc: {  	v3 =	vor.u32 v3, v4  }
0xdd: {  	v4 =	vperm.xlane v3, v0;
	_ =	sdelay $0x1  }
0xde: {  	v3 =	vperm.xlane v3, v2;
	v4 =	vadd.s32 v1, v4;
	_ =	sdelay $0x1  }
0xdf: {  	v3 =	vadd.s32 v1, v3;
	_ =	sdelay $0x2  }
0xe0: {  	[tilespmem:s18], [sflag:$0x1] =	stream.indirect_vreg.gather [hbm4b:s3+s2], $0x80, v4, vm0, $0xb8;
	[tilespmem:$0x10200] =	vst v63  }
0xe1: {  	_ = 	snop  }
0xe2: {  	[tilespmem:s19], [sflag:$0x1] =	stream.indirect_vreg.gather [hbm4b:s3+s2], $0x80, v3, vm0, $0xb8;
	[tilespmem:$0x10200] =	vst v63  }
0xe3: {  	v3 =	vld [tilespmem:$0x130];
	_ =	sdelay $0x4  }
0xe4: {  	v51 =	vshll.u32 v3, $0x1  }
0xe5: {  	v3 =	vand.u32 $0x7, v3;
	v4 =	vand.u32 $0xFFFFFFF0, v51  }
0xe6: {  	v3 =	vor.u32 v3, v4  }
0xe7: {  	v4 =	vperm.xlane v3, v0;
	_ =	sdelay $0x1  }
0xe8: {  	v3 =	vperm.xlane v3, v2;
	v4 =	vadd.s32 v1, v4;
	_ =	sdelay $0x1  }
0xe9: {  	v3 =	vadd.s32 v1, v3;
	_ =	sdelay $0x2  }
0xea: {  	[tilespmem:s20], [sflag:$0x1] =	stream.indirect_vreg.gather [hbm4b:s3+s2], $0x80, v4, vm0, $0xb8;
	[tilespmem:$0x10200] =	vst v63  }
0xeb: {  	_ = 	snop  }
0xec: {  	[tilespmem:s21], [sflag:$0x1] =	stream.indirect_vreg.gather [hbm4b:s3+s2], $0x80, v3, vm0, $0xb8;
	[tilespmem:$0x10200] =	vst v63  }
0xed: {  	v3 =	vld [tilespmem:$0x140];
	_ =	sdelay $0x4  }
0xee: {  	v52 =	vshll.u32 v3, $0x1  }
0xef: {  	v3 =	vand.u32 $0x7, v3;
	v4 =	vand.u32 $0xFFFFFFF0, v52  }
0xf0: {  	v3 =	vor.u32 v3, v4  }
0xf1: {  	v4 =	vperm.xlane v3, v0;
	_ =	sdelay $0x1  }
0xf2: {  	v3 =	vperm.xlane v3, v2;
	v4 =	vadd.s32 v1, v4;
	_ =	sdelay $0x1  }
0xf3: {  	v3 =	vadd.s32 v1, v3;
	_ =	sdelay $0x2  }
0xf4: {  	[tilespmem:s23], [sflag:$0x1] =	stream.indirect_vreg.gather [hbm4b:s3+s2], $0x80, v4, vm0, $0xb8;
	[tilespmem:$0x10200] =	vst v63  }
0xf5: {  	_ = 	snop  }
0xf6: {  	[tilespmem:s24], [sflag:$0x1] =	stream.indirect_vreg.gather [hbm4b:s3+s2], $0x80, v3, vm0, $0xb8;
	[tilespmem:$0x10200] =	vst v63  }
0xf7: {  	v3 =	vld [tilespmem:$0x150];
	_ =	sdelay $0x4  }
0xf8: {  	v53 =	vshll.u32 v3, $0x1  }
0xf9: {  	v3 =	vand.u32 $0x7, v3;
	v4 =	vand.u32 $0xFFFFFFF0, v53  }
0xfa: {  	v3 =	vor.u32 v3, v4  }
0xfb: {  	v4 =	vperm.xlane v3, v0;
	_ =	sdelay $0x1  }
0xfc: {  	v3 =	vperm.xlane v3, v2;
	v4 =	vadd.s32 v1, v4;
	_ =	sdelay $0x1  }
0xfd: {  	v3 =	vadd.s32 v1, v3;
	_ =	sdelay $0x2  }
0xfe: {  	[tilespmem:s25], [sflag:$0x1] =	stream.indirect_vreg.gather [hbm4b:s3+s2], $0x80, v4, vm0, $0xb8;
	[tilespmem:$0x10200] =	vst v63  }
0xff: {  	_ = 	snop  }
0x100: {  	[tilespmem:s26], [sflag:$0x1] =	stream.indirect_vreg.gather [hbm4b:s3+s2], $0x80, v3, vm0, $0xb8;
	[tilespmem:$0x10200] =	vst v63  }
0x101: {  	v3 =	vld [tilespmem:$0x160];
	_ =	sdelay $0x4  }
0x102: {  	v54 =	vshll.u32 v3, $0x1  }
0x103: {  	v3 =	vand.u32 $0x7, v3;
	v4 =	vand.u32 $0xFFFFFFF0, v54  }
0x104: {  	v3 =	vor.u32 v3, v4  }
0x105: {  	v4 =	vperm.xlane v3, v0;
	_ =	sdelay $0x1  }
0x106: {  	v3 =	vperm.xlane v3, v2;
	v4 =	vadd.s32 v1, v4;
	_ =	sdelay $0x1  }
0x107: {  	v3 =	vadd.s32 v1, v3;
	_ =	sdelay $0x2  }
0x108: {  	[tilespmem:s28], [sflag:$0x1] =	stream.indirect_vreg.gather [hbm4b:s3+s2], $0x80, v4, vm0, $0xb8;
	[tilespmem:$0x10200] =	vst v63  }
0x109: {  	_ = 	snop  }
0x10a: {  	[tilespmem:s29], [sflag:$0x1] =	stream.indirect_vreg.gather [hbm4b:s3+s2], $0x80, v3, vm0, $0xb8;
	[tilespmem:$0x10200] =	vst v63  }
0x10b: {  	v3 =	vld [tilespmem:$0x170];
	_ =	sdelay $0x4  }
0x10c: {  	v55 =	vshll.u32 v3, $0x1  }
0x10d: {  	v3 =	vand.u32 $0x7, v3;
	v4 =	vand.u32 $0xFFFFFFF0, v55  }
0x10e: {  	v3 =	vor.u32 v3, v4  }
0x10f: {  	v4 =	vperm.xlane v3, v0;
	_ =	sdelay $0x1  }
0x110: {  	v3 =	vperm.xlane v3, v2;
	v4 =	vadd.s32 v1, v4;
	_ =	sdelay $0x1  }
0x111: {  	v3 =	vadd.s32 v1, v3;
	_ =	sdelay $0x2  }
0x112: {  	[tilespmem:s30], [sflag:$0x1] =	stream.indirect_vreg.gather [hbm4b:s3+s2], $0x80, v4, vm0, $0xb8;
	[tilespmem:$0x10200] =	vst v63  }
0x113: {  	_ = 	snop  }
0x114: {  	[tilespmem:s31], [sflag:$0x1] =	stream.indirect_vreg.gather [hbm4b:s3+s2], $0x80, v3, vm0, $0xb8;
	[tilespmem:$0x10200] =	vst v63  }
0x115: {  	_ =	swait.ge [sflag:s13], $0x8000  }
0x116: {  	[sflag:s13] =	ssyncset.done $0x0  }
0x117: {  	s12 =	rddreg [dreg:$0x4];
	[sflag:s13] =	ssyncadd.s32 $0xFFFF8000  }
0x118: {  	[hbm4b:s12+s2] =	stream.linear.scatter [tilespmem:s0], [sflag:$0x3], $0x8000, $0x38;
	[tilespmem:$0x10200] =	vst v63  }
0x119: {  	_ =	swait.ge [sflag:s5], $0x8000  }
0x11a: {  	[sflag:s5] =	ssyncset.done $0x0  }
0x11b: {  	[sflag:s5] =	ssyncadd.s32 $0xFFFF8000  }
0x11c: {  	v3 =	vld [tilespmem:$0x180];
	_ =	sdelay $0x4  }
0x11d: {  	v56 =	vshll.u32 v3, $0x1  }
0x11e: {  	v3 =	vand.u32 $0x7, v3;
	v4 =	vand.u32 $0xFFFFFFF0, v56  }
0x11f: {  	v3 =	vor.u32 v3, v4  }
0x120: {  	v4 =	vperm.xlane v3, v0;
	_ =	sdelay $0x1  }
0x121: {  	v3 =	vperm.xlane v3, v2;
	v4 =	vadd.s32 v1, v4;
	_ =	sdelay $0x1  }
0x122: {  	v3 =	vadd.s32 v1, v3;
	_ =	sdelay $0x2  }
0x123: {  	[tilespmem:s0], [sflag:$0x2] =	stream.indirect_vreg.gather [hbm4b:s3+s2], $0x80, v4, vm0, $0xb8;
	[tilespmem:$0x10200] =	vst v63  }
0x124: {  	s14 =	simm.s32 $0x8A00  }
0x125: {  	[tilespmem:s14], [sflag:$0x2] =	stream.indirect_vreg.gather [hbm4b:s3+s2], $0x80, v3, vm0, $0xb8;
	[tilespmem:$0x10200] =	vst v63  }
0x126: {  	v3 =	vld [tilespmem:$0x190];
	_ =	sdelay $0x4  }
0x127: {  	v57 =	vshll.u32 v3, $0x1  }
0x128: {  	v3 =	vand.u32 $0x7, v3;
	v4 =	vand.u32 $0xFFFFFFF0, v57  }
0x129: {  	v3 =	vor.u32 v3, v4  }
0x12a: {  	v4 =	vperm.xlane v3, v0;
	_ =	sdelay $0x1  }
0x12b: {  	v3 =	vperm.xlane v3, v2;
	v4 =	vadd.s32 v1, v4;
	_ =	sdelay $0x1  }
0x12c: {  	v3 =	vadd.s32 v1, v3;
	_ =	sdelay $0x2  }
0x12d: {  	[tilespmem:s22], [sflag:$0x2] =	stream.indirect_vreg.gather [hbm4b:s3+s2], $0x80, v4, vm0, $0xb8;
	[tilespmem:$0x10200] =	vst v63  }
0x12e: {  	_ = 	snop  }
0x12f: {  	[tilespmem:s7], [sflag:$0x2] =	stream.indirect_vreg.gather [hbm4b:s3+s2], $0x80, v3, vm0, $0xb8;
	[tilespmem:$0x10200] =	vst v63  }
0x130: {  	v3 =	vld [tilespmem:$0x1A0];
	_ =	sdelay $0x4  }
0x131: {  	v58 =	vshll.u32 v3, $0x1  }
0x132: {  	v3 =	vand.u32 $0x7, v3;
	v4 =	vand.u32 $0xFFFFFFF0, v58  }
0x133: {  	v3 =	vor.u32 v3, v4  }
0x134: {  	v4 =	vperm.xlane v3, v0;
	_ =	sdelay $0x1  }
0x135: {  	v3 =	vperm.xlane v3, v2;
	v4 =	vadd.s32 v1, v4;
	_ =	sdelay $0x1  }
0x136: {  	v3 =	vadd.s32 v1, v3;
	_ =	sdelay $0x2  }
0x137: {  	[tilespmem:s8], [sflag:$0x2] =	stream.indirect_vreg.gather [hbm4b:s3+s2], $0x80, v4, vm0, $0xb8;
	[tilespmem:$0x10200] =	vst v63  }
0x138: {  	_ = 	snop  }
0x139: {  	[tilespmem:s9], [sflag:$0x2] =	stream.indirect_vreg.gather [hbm4b:s3+s2], $0x80, v3, vm0, $0xb8;
	[tilespmem:$0x10200] =	vst v63  }
0x13a: {  	v3 =	vld [tilespmem:$0x1B0];
	_ =	sdelay $0x4  }
0x13b: {  	v59 =	vshll.u32 v3, $0x1  }
0x13c: {  	v3 =	vand.u32 $0x7, v3;
	v4 =	vand.u32 $0xFFFFFFF0, v59  }
0x13d: {  	v3 =	vor.u32 v3, v4  }
0x13e: {  	v4 =	vperm.xlane v3, v0;
	_ =	sdelay $0x1  }
0x13f: {  	v3 =	vperm.xlane v3, v2;
	v4 =	vadd.s32 v1, v4;
	_ =	sdelay $0x1  }
0x140: {  	v3 =	vadd.s32 v1, v3;
	_ =	sdelay $0x2  }
0x141: {  	[tilespmem:s10], [sflag:$0x2] =	stream.indirect_vreg.gather [hbm4b:s3+s2], $0x80, v4, vm0, $0xb8;
	[tilespmem:$0x10200] =	vst v63  }
0x142: {  	_ = 	snop  }
0x143: {  	[tilespmem:s11], [sflag:$0x2] =	stream.indirect_vreg.gather [hbm4b:s3+s2], $0x80, v3, vm0, $0xb8;
	[tilespmem:$0x10200] =	vst v63  }
0x144: {  	v3 =	vld [tilespmem:$0x1C0];
	_ =	sdelay $0x4  }
0x145: {  	v60 =	vshll.u32 v3, $0x1  }
0x146: {  	v3 =	vand.u32 $0x7, v3;
	v4 =	vand.u32 $0xFFFFFFF0, v60  }
0x147: {  	v3 =	vor.u32 v3, v4  }
0x148: {  	v4 =	vperm.xlane v3, v0;
	_ =	sdelay $0x1  }
0x149: {  	v3 =	vperm.xlane v3, v2;
	v4 =	vadd.s32 v1, v4;
	_ =	sdelay $0x1  }
0x14a: {  	v3 =	vadd.s32 v1, v3;
	_ =	sdelay $0x2  }
0x14b: {  	[tilespmem:s6], [sflag:$0x2] =	stream.indirect_vreg.gather [hbm4b:s3+s2], $0x80, v4, vm0, $0xb8;
	[tilespmem:$0x10200] =	vst v63  }
0x14c: {  	s14 =	simm.s32 $0xCA00  }
0x14d: {  	[tilespmem:s14], [sflag:$0x2] =	stream.indirect_vreg.gather [hbm4b:s3+s2], $0x80, v3, vm0, $0xb8;
	[tilespmem:$0x10200] =	vst v63  }
0x14e: {  	v3 =	vld [tilespmem:$0x1D0];
	_ =	sdelay $0x4  }
0x14f: {  	v61 =	vshll.u32 v3, $0x1  }
0x150: {  	v3 =	vand.u32 $0x7, v3;
	v4 =	vand.u32 $0xFFFFFFF0, v61  }
0x151: {  	v3 =	vor.u32 v3, v4  }
0x152: {  	v4 =	vperm.xlane v3, v0;
	_ =	sdelay $0x1  }
0x153: {  	v3 =	vperm.xlane v3, v2;
	v4 =	vadd.s32 v1, v4;
	_ =	sdelay $0x1  }
0x154: {  	v3 =	vadd.s32 v1, v3;
	_ =	sdelay $0x1  }
0x155: {  	s12 =	simm.s32 $0xD200  }
0x156: {  	[tilespmem:s12], [sflag:$0x2] =	stream.indirect_vreg.gather [hbm4b:s3+s2], $0x80, v4, vm0, $0xb8;
	[tilespmem:$0x10200] =	vst v63  }
0x157: {  	s14 =	simm.s32 $0xDA00  }
0x158: {  	[tilespmem:s14], [sflag:$0x2] =	stream.indirect_vreg.gather [hbm4b:s3+s2], $0x80, v3, vm0, $0xb8;
	[tilespmem:$0x10200] =	vst v63  }
0x159: {  	v3 =	vld [tilespmem:$0x1E0];
	_ =	sdelay $0x4  }
0x15a: {  	v62 =	vshll.u32 v3, $0x1  }
0x15b: {  	v3 =	vand.u32 $0x7, v3;
	v4 =	vand.u32 $0xFFFFFFF0, v62  }
0x15c: {  	v3 =	vor.u32 v3, v4  }
0x15d: {  	v4 =	vperm.xlane v3, v0;
	_ =	sdelay $0x1  }
0x15e: {  	v3 =	vperm.xlane v3, v2;
	v4 =	vadd.s32 v1, v4;
	_ =	sdelay $0x1  }
0x15f: {  	v3 =	vadd.s32 v1, v3;
	_ =	sdelay $0x1  }
0x160: {  	s12 =	simm.s32 $0xE200  }
0x161: {  	[tilespmem:s12], [sflag:$0x2] =	stream.indirect_vreg.gather [hbm4b:s3+s2], $0x80, v4, vm0, $0xb8;
	[tilespmem:$0x10200] =	vst v63  }
0x162: {  	s14 =	simm.s32 $0xEA00  }
0x163: {  	[tilespmem:s14], [sflag:$0x2] =	stream.indirect_vreg.gather [hbm4b:s3+s2], $0x80, v3, vm0, $0xb8;
	[tilespmem:$0x10200] =	vst v63  }
0x164: {  	v3 =	vld [tilespmem:$0x1F0];
	_ =	sdelay $0x4  }
0x165: {  	v63 =	vshll.u32 v3, $0x1  }
0x166: {  	v3 =	vand.u32 $0x7, v3;
	v4 =	vand.u32 $0xFFFFFFF0, v63  }
0x167: {  	v3 =	vor.u32 v3, v4  }
0x168: {  	v4 =	vperm.xlane v3, v0;
	_ =	sdelay $0x1  }
0x169: {  	v3 =	vperm.xlane v3, v2;
	v4 =	vadd.s32 v1, v4;
	_ =	sdelay $0x1  }
0x16a: {  	v3 =	vadd.s32 v1, v3;
	_ =	sdelay $0x1  }
0x16b: {  	s12 =	simm.s32 $0xF200  }
0x16c: {  	[tilespmem:s12], [sflag:$0x2] =	stream.indirect_vreg.gather [hbm4b:s3+s2], $0x80, v4, vm0, $0xb8;
	[tilespmem:$0x10200] =	vst v63  }
0x16d: {  	s14 =	simm.s32 $0xFA00  }
0x16e: {  	[tilespmem:s14], [sflag:$0x2] =	stream.indirect_vreg.gather [hbm4b:s3+s2], $0x80, v3, vm0, $0xb8;
	[tilespmem:$0x10200] =	vst v63  }
0x16f: {  	_ =	swait.ge [sflag:s1], $0x8000  }
0x170: {  	[sflag:s1] =	ssyncset.done $0x0  }
0x171: {  	s12 =	simm.s32 $0x200;
	s6 =	rddreg [dreg:$0x5];
	[sflag:s1] =	ssyncadd.s32 $0xFFFF8000  }
0x172: {  	[hbm4b:s6+s2] =	stream.linear.scatter [tilespmem:s12], [sflag:$0x3], $0x8000, $0x38;
	[tilespmem:$0x10200] =	vst v63  }
0x173: {  	_ =	swait.ge [sflag:s5], $0x8000  }
0x174: {  	[sflag:s5] =	ssyncset.done $0x0  }
0x175: {  	[sflag:s5] =	ssyncadd.s32 $0xFFFF8000  }
0x176: {  	_ =	swait.ge [sflag:s13], $0x8000  }
0x177: {  	p0 =	sne.s32 s4, $0x1;
	[sflag:s13] =	ssyncset.done $0x0  }
.Ltmp0:
0x178: {  	s12 =	rddreg [dreg:$0x6];
	[sflag:s13] =	ssyncadd.s32 $0xFFFF8000;
	(pc) =	sbr.rel @p0 .LBB2_1-.Ltmp0, $4  }
0x179: {  	[hbm4b:s12+s2] =	stream.linear.scatter [tilespmem:s0], [sflag:$0x3], $0x8000, $0x38;
	[tilespmem:$0x10200] =	vst v63  }
0x17a: {  	_ =	swait.ge [sflag:s5], $0x8000  }
0x17b: {  	[sflag:s5] =	ssyncset.done $0x0  }
0x17c: {  	s4 =	sadd.s32 $0xFFFFFFFF, s4;
	[sflag:s5] =	ssyncadd.s32 $0xFFFF8000  }
0x17d: {  	_ =	sfence.sel $0x180000  }
0x17e: {  	[bflag:$0x0] =	sbarrier.arrive $0xFFFF  }
0x17f: {  	_ =	strace $0x90000047  }
0x180: {  	s0 =	stileid.u32;
	[bflag:$0x2] =	sbarrier.arrive $0xFFFF  }
0x181: {  	p0 =	sne.s32 s0, $0x0;
	s0 =	rddreg [dreg:$0x1]  }
0x182: {  	s0 =	sadd.s32 @!p0 $0x100000, s0  }
0x183: {  	[sflag:s0] =	ssyncadd.tile.s32 @!p0 $0x1;
	_ =	shalt  }
.Lfunc_end2:
_tile_overlayer_lowered:
.L_overlay_start_2:
0x184: {  	(tag) =	ssettag $0x2  }
0x185: {  	s0 =	rddreg [dreg:$0x0];
	s2 =	stileid.u32  }
0x186: {  	s1 =	rddreg [dreg:$0x1];
	p0 =	sne.s32 s2, $0x0  }
0x187: {  	s3 =	rddreg [dreg:$0x2];
	[bflag:$0x3] =	sbarrier.arrive $0xFFFF;
	s2 =	simm.s32 @!p0 $0x1C03  }
0x188: {  	[timem:s3], [sflag:s2] =	dma.local @!p0 [hbm:s0], s1  }
0x189: {  	s0 =	simm.s32 @!p0 $0x3  }
0x18a: {  	_ =	swait.ge @!p0 [sflag:s0], s1  }
0x18b: {  	s1 =	ssub.s32 @!p0 $0x0, s1;
	[sflag:s0] =	ssyncset.done @!p0 $0x0  }
0x18c: {  	[sflag:s0] =	ssyncadd.s32 @!p0 s1  }
0x18d: {  	[bflag:$0x3] =	sbarrier.arrive $0xFFFF  }
0x18e: {  	_ =	shalt  }

// kernel: kernel.6.cloned.1.call-start
scs
__scs_entry_jumppad:
0x0: {  	(pc) =	sbr.rel $0x88, $3  }
0x1: {  	(tag) =	ssettag $0x0;
	lr =	simm.s32 $0x1  }
0x2: {  	[smem:$0x3F9A] =	sst lr;
	_ =	strace $0xD0000000  }
0x3: {  	_ = 	snop  }
0x4: {  	_ = 	snop  }
0x5: {  	_ = 	snop  }
0x6: {  	_ = 	snop  }
0x7: {  	_ = 	snop  }
__scs_overlays_trampoline_lowered:
0x8: {  	[smem:$0x3FA9] =	sst s0  }
0x9: {  	[smem:$0x3FAA] =	sst s1  }
0xa: {  	[smem:$0x3FAB] =	sst s2  }
0xb: {  	[smem:$0x3FAC] =	sst s3  }
0xc: {  	[smem:$0x3FAD] =	sst s4  }
0xd: {  	[smem:$0x3FAE] =	sst s5  }
0xe: {  	[smem:$0x3FAF] =	sst s6  }
0xf: {  	[smem:$0x3FB0] =	sst s7  }
0x10: {  	[smem:$0x3FB1] =	sst s8  }
0x11: {  	[smem:$0x3FB2] =	sst s9;
	s0 =	simm.s32 @!p0 $0x0  }
0x12: {  	s1 =	sld [smem:$0x3F98];
	s0 =	simm.s32 @p0 $0x1  }
0x13: {  	[smem:$0x3FB3] =	sst s0;
	s0 =	simm.s32 @!p1 $0x0  }
0x14: {  	s2 =	sld [smem:$0x3F97];
	s0 =	simm.s32 @p1 $0x1  }
0x15: {  	[smem:$0x3FB4] =	sst s0;
	s0 =	simm.s32 @!p2 $0x0  }
0x16: {  	s3 =	sld [smem:$0x3FDB];
	s0 =	simm.s32 @p2 $0x1  }
0x17: {  	s4 =	simm.s32 $0x1BF5;
	[smem:$0x3FB6] =	sst s0  }
0x18: {  	s0 =	sld [smem:$0x3F99];
	_ =	swait.ge [sflag:s4], $0x0  }
0x19: {  	s7 =	sld [smem:$0x3F9A]  }
0x1a: {  	s8 =	sadd.s32 $0xFFFFE003, lr  }
0x1b: {  	s9 =	sadd.s32 $0xFFFFFEF7, lr;
	s5 =	simm.s32 $0xFFFFFFFF;
	p2 =	slt.u32 s8, $0xFFFFF086  }
0x1c: {  	p1 =	slt.u32 s9, $0xF7A;
	s5 =	simm.s32 @!p2 $0x0  }
0x1d: {  	s5 =	simm.s32 @p1 $0x1;
	p0 =	seq.s32 s7, s2  }
0x1e: {  	s7 =	smul.u32 @!p0 $0xF7A, s2;
	p2 =	seq.s32 @!p0 s5, $0x0  }
0x1f: {  	s9 =	smul.u32 $0xF7A, s1;
	s8 =	simm.s32 @!p0 $0x1BF5;
	p2 =	por !p2, p0  }
0x20: {  	[sflag:s8] =	ssyncset.s32 @!p0 $0xFFFFF086;
	s6 =	sadd.s32 @!p0 s3, s7;
	s7 =	simm.s32 @!p0 $0x108  }
0x21: {  	s3 =	sadd.s32 s3, s9;
	s6 =	sadd.s32 @!p0 $0x88, s6;
	s7 =	simm.s32 @p2 $0x1082  }
0x22: {  	[simem:s7], [sflag:s8] =	dma.local @!p0 [hbm:s6], $0xF7A  }
0x23: {  	s9 =	sor.u32 $0xD0000000, s2;
	s6 =	simm.s32 $0x108;
	_ =	swait.ge @!p0 [sflag:s8], $0x0  }
0x24: {  	s3 =	sadd.s32 $0x88, s3;
	s6 =	simm.s32 @!p1 $0x1082;
	[sflag:s4] =	ssyncset.s32 $0xFFFFF086  }
0x25: {  	[simem:s6], [sflag:s4] =	dma.local [hbm:s3], $0xF7A  }
0x26: {  	[smem:$0x3F9A] =	sst s1;
	(tag) =	ssettag s2;
	_ =	strace s9  }
0x27: {  	s1 =	sld [smem:$0x3FAA]  }
0x28: {  	s2 =	sld [smem:$0x3FAB]  }
0x29: {  	s4 =	sld [smem:$0x3FAD]  }
0x2a: {  	p0 =	seq.s32 s5, $0x0;
	s5 =	sld [smem:$0x3FAE]  }
0x2b: {  	s6 =	sld [smem:$0x3FAF]  }
0x2c: {  	s7 =	sld [smem:$0x3FB0]  }
0x2d: {  	s3 =	simm.s32 $0x108;
	s8 =	sld [smem:$0x3FB1]  }
0x2e: {  	s3 =	simm.s32 @!p0 $0x1082;
	s9 =	sld [smem:$0x3FB2]  }
0x2f: {  	lr =	sadd.s32 s0, s3;
	s0 =	sld [smem:$0x3FA9]  }
0x30: {  	s3 =	sld [smem:$0x3FAC]  }
0x31: {  	[smem:$0x3FB5] =	sst s10  }
0x32: {  	s10 =	sld [smem:$0x3FB3];
	_ =	sdelay $0x3  }
0x33: {  	p0 =	seq.s32 s10, $0x1;
	s10 =	sld [smem:$0x3FB5];
	_ =	sdelay $0x3  }
0x34: {  	[smem:$0x3FB5] =	sst s10  }
0x35: {  	s10 =	sld [smem:$0x3FB4];
	_ =	sdelay $0x3  }
0x36: {  	p1 =	seq.s32 s10, $0x1;
	s10 =	sld [smem:$0x3FB5];
	_ =	sdelay $0x3  }
0x37: {  	[smem:$0x3FB5] =	sst s10  }
0x38: {  	s10 =	sld [smem:$0x3FB6]  }
0x39: {  	_ = 	snop;
	(pc) =	sbr.ind lr, $3  }
0x3a: {  	_ = 	snop  }
0x3b: {  	_ = 	snop  }
0x3c: {  	p2 =	seq.s32 s10, $0x1;
	s10 =	sld [smem:$0x3FB5]  }
0x3d: {  	_ =	shalt  }
0x3e: {  	_ =	shalt  }
0x3f: {  	_ =	shalt  }
0x40: {  	_ =	shalt  }
0x41: {  	_ =	shalt  }
0x42: {  	_ =	shalt  }
0x43: {  	_ =	shalt  }
0x44: {  	_ =	shalt  }
0x45: {  	_ =	shalt  }
0x46: {  	_ =	shalt  }
0x47: {  	_ =	shalt  }
0x48: {  	_ =	shalt  }
0x49: {  	_ =	shalt  }
0x4a: {  	_ =	shalt  }
0x4b: {  	_ =	shalt  }
0x4c: {  	_ =	shalt  }
0x4d: {  	_ =	shalt  }
0x4e: {  	_ =	shalt  }
0x4f: {  	_ =	shalt  }
0x50: {  	_ =	shalt  }
0x51: {  	_ =	shalt  }
0x52: {  	_ =	shalt  }
0x53: {  	_ =	shalt  }
0x54: {  	_ =	shalt  }
0x55: {  	_ =	shalt  }
0x56: {  	_ =	shalt  }
0x57: {  	_ =	shalt  }
0x58: {  	_ =	shalt  }
0x59: {  	_ =	shalt  }
0x5a: {  	_ =	shalt  }
0x5b: {  	_ =	shalt  }
0x5c: {  	_ =	shalt  }
0x5d: {  	_ =	shalt  }
0x5e: {  	_ =	shalt  }
0x5f: {  	_ =	shalt  }
0x60: {  	_ =	shalt  }
0x61: {  	_ =	shalt  }
0x62: {  	_ =	shalt  }
0x63: {  	_ =	shalt  }
0x64: {  	_ =	shalt  }
0x65: {  	_ =	shalt  }
0x66: {  	_ =	shalt  }
0x67: {  	_ =	shalt  }
0x68: {  	_ =	shalt  }
0x69: {  	_ =	shalt  }
0x6a: {  	_ =	shalt  }
0x6b: {  	_ =	shalt  }
0x6c: {  	_ =	shalt  }
0x6d: {  	_ =	shalt  }
0x6e: {  	_ =	shalt  }
0x6f: {  	_ =	shalt  }
0x70: {  	_ =	shalt  }
0x71: {  	_ =	shalt  }
0x72: {  	_ =	shalt  }
0x73: {  	_ =	shalt  }
0x74: {  	_ =	shalt  }
0x75: {  	_ =	shalt  }
0x76: {  	_ =	shalt  }
0x77: {  	_ =	shalt  }
0x78: {  	_ =	shalt  }
0x79: {  	_ =	shalt  }
0x7a: {  	_ =	shalt  }
0x7b: {  	_ =	shalt  }
0x7c: {  	_ =	shalt  }
0x7d: {  	_ =	shalt  }
0x7e: {  	_ =	shalt  }
0x7f: {  	_ =	shalt  }
0x80: {  	_ =	shalt  }
0x81: {  	_ =	shalt  }
0x82: {  	_ =	shalt  }
0x83: {  	_ =	shalt  }
0x84: {  	_ =	shalt  }
0x85: {  	_ =	shalt  }
0x86: {  	_ =	shalt  }
0x87: {  	_ =	shalt  }
.Lfunc_end0:
.L_simem_size_0:
called_computation_lowered:
.L_overlay_start_0:
0x88: {  	s2 =	sld [smem:$0x3FD9]  }
0x89: {  	s3 =	sld [smem:$0x3FFE];
	_ =	sdelay $0x1  }
0x8a: {  	s1 =	srdreg.scid  }
0x8b: {  	s0 =	sand.u32 $0x1, s1  }
0x8c: {  	s17 =	sshll.u32 s0, $0xA;
	s2 =	sadd.s32 s3, s2  }
0x8d: {  	s2 =	sadd.s32 s2, s17  }
0x8e: {  	[smem:$0x3FC1] =	sst s2  }
0x8f: {  	_ = 	snop  }
0x90: {  	s18 =	sld [smem:$0x3FD0];
	(tm) =	ssettm $0x1  }
0x91: {  	s19 =	sld [smem:$0x3FFB];
	_ =	sdelay $0x3  }
0x92: {  	_ =	strace s19  }
0x93: {  	s2 =	sld [smem:$0x3FFC];
	_ =	sdelay $0x3  }
0x94: {  	_ =	strace s2  }
0x95: {  	s2 =	sld [smem:$0x3FFD];
	_ =	sdelay $0x3  }
0x96: {  	_ =	strace s2  }
0x97: {  	_ =	strace $0x8FFFFFFF  }
0x98: {  	s20 =	sld [smem:$0x3FDB];
	_ =	sdelay $0x1  }
0x99: {  	s4 =	simm.s32 $_scs_section_size  }
0x9a: {  	s5 =	simm.s32 $_size__tile_overlayer_lowered;
	s6 =	simm.s32 $_tile_overlayer_lowered  }
0x9b: {  	s7 =	simm.s32 $0x1BFF;
	s21 =	sshll.u32 s6, $0x1;
	s4 =	sadd.s32 s4, s20  }
0x9c: {  	s22 =	simm.s32 $0x0;
	s5 =	sshll.u32 s5, $0x1;
	s6 =	sadd.s32 s21, s4  }
0x9d: {  	[timem:s22], [sflag:s7] =	dma.local [hbm:s6], s5  }
0x9e: {  	_ =	swait.ge [sflag:s7], s5  }
0x9f: {  	s5 =	ssub.s32 $0x0, s5;
	[sflag:s7] =	ssyncset.done $0x0  }
0xa0: {  	[sflag:s7] =	ssyncadd.s32 s5;
	_ =	sdelay $0x1  }
0xa1: {  	s23 =	simm.s32 $0x1B8B  }
0xa2: {  	_ =	swait.ge [sflag:s23], $0x1  }
0xa3: {  	[sflag:s23] =	ssyncset.done $0x0  }
0xa4: {  	[sflag:s23] =	ssyncadd.s32 $0xFFFFFFFF  }
0xa5: {  	s5 =	sld [smem:$0x0]  }
0xa6: {  	s6 =	sand.u32 $0xFFFFFFFE, s1  }
0xa7: {  	p0 =	sne.s32 s1, s6  }
0xa8: {  	s6 =	sshll.u32 @p0 s6, $0xE  }
0xa9: {  	s6 =	sadd.s32 @p0 $0x11B8D, s6;
	s7 =	sshll.u32 @p0 s5, $0x11  }
0xaa: {  	s6 =	sor.u32 @p0 s7, s6  }
0xab: {  	[sflag:s6] =	ssyncadd.remote.s32 @p0 $0x1;
	_ =	sdelay $0x1  }
0xac: {  	s6 =	simm.s32 @p0 $0x1B8D  }
0xad: {  	_ =	swait.eq @p0 [sflag:s6], $0x1  }
0xae: {  	[sflag:s6] =	ssyncadd.s32 @p0 $0xFFFFFFFF  }
0xaf: {  	s7 =	sshll.u32 @!p0 s1, $0xE  }
0xb0: {  	s7 =	sor.u32 @!p0 $0x4000, s7;
	s6 =	simm.s32 @!p0 $0x1B8D  }
0xb1: {  	s5 =	sshll.u32 @!p0 s5, $0x11;
	s7 =	sadd.s32 @!p0 $0x11B8D, s7;
	_ =	swait.eq @!p0 [sflag:s6], $0x1  }
0xb2: {  	s5 =	sor.u32 @!p0 s5, s7;
	[sflag:s6] =	ssyncadd.s32 @!p0 $0xFFFFFFFF  }
0xb3: {  	s25 =	simm.s32 $0x1B8E;
	s24 =	sld [smem:$0x3FFE];
	[sflag:s5] =	ssyncadd.remote.s32 @!p0 $0x1  }
0xb4: {  	s26 =	simm.s32 $execute0_lowered;
	[smem:$0x3FD2] =	sst s25  }
0xb5: {  	s6 =	sshll.u32 s26, $0x1;
	_ =	strace $0x80000049;
	[dreg:$0x1] =	wrdreg $0xFFFFFFFF  }
0xb6: {  	s28 =	simm.s32 $_size_execute0_lowered;
	s4 =	sadd.s32 s4, s6;
	[dreg:$0x0] =	wrdreg $0x0  }
0xb7: {  	s6 =	sshll.u32 s28, $0x1;
	[dreg:$0x2] =	wrdreg s4  }
0xb8: {  	[dreg:$0x3] =	wrdreg s6  }
0xb9: {  	[dreg:$0x4] =	wrdreg $0xC0  }
0xba: {  	_ =	task [dreg:s22], $0x5FFFF  }
0xbb: {  	[dreg:$0x1] =	wrdreg $0xFFFFFFFF  }
0xbc: {  	[dreg:$0x0] =	wrdreg $0x60  }
0xbd: {  	[dreg:$0x2] =	wrdreg s24  }
0xbe: {  	[dreg:$0x3] =	wrdreg s18  }
0xbf: {  	[dreg:$0x4] =	wrdreg $0x9  }
0xc0: {  	_ =	task.clear_ibuf [dreg:s22], $0x5FFFF;
	_ =	strace $0x90000049  }
0xc1: {  	s29 =	simm.s32 $0x9;
	_ =	strace $0x8000004B  }
0xc2: {  	_ =	swait.ge [sflag:s29], $0x1  }
0xc3: {  	[sflag:s29] =	ssyncadd.s32 $0xFFFFFFFF  }
0xc4: {  	_ =	strace $0x9000004B  }
0xc5: {  	_ =	sfence  }
0xc6: {  	s30 =	sld [smem:$0x0];
	_ =	sdelay $0x2  }
0xc7: {  	s31 =	sshll.u32 s1, $0xD;
	s1 =	sshrl.u32 s1, $0x2  }
0xc8: {  	s4 =	sand.u32 $0x4000, s31;
	s1 =	sadd.s32 s1, s30  }
0xc9: {  	s0 =	sor.u32 s4, s0;
	s1 =	sshll.u32 s1, $0x11  }
0xca: {  	s0 =	sor.u32 s1, s0  }
0xcb: {  	s0 =	sadd.s32 $0x8F2B, s0  }
0xcc: {  	[sflag:s0] =	ssyncadd.remote.s32 $0x1  }
0xcd: {  	_ =	sfence.sel $0xFFFF  }
0xce: {  	[dreg:$0x0] =	wrdreg $0xFFFFFFFF;
	(pc) =	sbr.abs _section_cstart, $3  }
0xcf: {  	[dreg:$0x1] =	wrdreg $0xFFFFFFFF  }
0xd0: {  	_ =	task.clear_ibuf [dreg:s22], $0x2FFFF;
	_ =	strace $0x9FFFFFFF  }
0xd1: {  	(tm) =	ssettm $0x7FFFFFFF  }
tec
execute0_lowered:
.L_overlay_start_1:
0x0: {  	(tag) =	ssettag $0x1  }
0x1: {  	v0 =	vimm.s32 $0x30201000;
	vm9 =	vcmask $0xF00  }
0x2: {  	vm7 =	vcmask $0x1F10;
	vm8 =	vcmask $0x2320;
	vm6 =	vcmask $0x2724  }
0x3: {  	vm5 =	vcmask $0x2B28;
	vm0 =	vmmov $0xffff;
	vm4 =	vcmask $0x2F2C  }
0x4: {  	v5 =	vimm.s32 $0x31211101;
	vm2 =	vcmask $0x3330;
	v6 =	vimm.s32 $0x71615141  }
0x5: {  	vm1 =	vcmask $0x3734;
	v7 =	vimm.s32 $0x32221202;
	vm3 =	vcmask $0x3B38  }
0x6: {  	v8 =	vimm.s32 $0x73635343;
	v11 =	vimm.s32 $0x74645444;
	v12 =	vimm.s32 $0x35251505  }
0x7: {  	v13 =	vimm.s32 $0x75655545;
	v14 =	vimm.s32 $0x76665646;
	v17 =	vimm.s32 $0x77675747  }
0x8: {  	v18 =	vimm.s32 $0x38281808;
	v19 =	vimm.s32 $0x78685848;
	v20 =	vimm.s32 $0x79695949  }
0x9: {  	v23 =	vimm.s32 $0x7A6A5A4A;
	v24 =	vimm.s32 $0x3B2B1B0B;
	v25 =	vimm.s32 $0x7B6B5B4B  }
0xa: {  	v26 =	vimm.s32 $0x7C6C5C4C;
	v29 =	vimm.s32 $0x7D6D5D4D;
	v30 =	vimm.s32 $0x3E2E1E0E  }
0xb: {  	v31 =	vimm.s32 $0x7E6E5E4E;
	v33 =	vimm.s32 $0x7F6F5F4F;
	v1 =	vunpack.c.0.s8.s32 v0  }
0xc: {  	v0 =	vimm.s32 $0x70605040;
	v5 =	vunpack.c.0.s8.s32 v5;
	v6 =	vunpack.c.0.s8.s32 v6  }
0xd: {  	v8 =	vunpack.c.0.s8.s32 v8;
	v11 =	vunpack.c.0.s8.s32 v11;
	v12 =	vunpack.c.0.s8.s32 v12  }
0xe: {  	v13 =	vunpack.c.0.s8.s32 v13;
	v14 =	vunpack.c.0.s8.s32 v14;
	v17 =	vunpack.c.0.s8.s32 v17  }
0xf: {  	v18 =	vunpack.c.0.s8.s32 v18;
	v19 =	vunpack.c.0.s8.s32 v19;
	v20 =	vunpack.c.0.s8.s32 v20  }
0x10: {  	v23 =	vunpack.c.0.s8.s32 v23;
	v24 =	vunpack.c.0.s8.s32 v24;
	v25 =	vunpack.c.0.s8.s32 v25  }
0x11: {  	v26 =	vunpack.c.0.s8.s32 v26;
	v29 =	vunpack.c.0.s8.s32 v29;
	v30 =	vunpack.c.0.s8.s32 v30  }
0x12: {  	v31 =	vunpack.c.0.s8.s32 v31;
	v2 =	vunpack.c.0.s8.s32 v0;
	v0 =	vlaneseq.u32  }
0x13: {  	v33 =	vunpack.c.0.s8.s32 v33;
	v3 =	vnsel vm9, $0x470, v1;
	v1 =	vand.u32 $0x7, v0  }
0x14: {  	v5 =	vnsel vm9, $0x471, v5;
	v12 =	vnsel vm9, $0x475, v12;
	v18 =	vnsel vm9, $0x478, v18  }
0x15: {  	v24 =	vnsel vm9, $0x47B, v24;
	v30 =	vnsel vm9, $0x47E, v30;
	v2 =	vsel vm7, v2, v3  }
0x16: {  	v3 =	vshrl.u32 v0, $0x3;
	v5 =	vsel vm7, v6, v5;
	v6 =	vunpack.c.0.s8.s32 v7  }
0x17: {  	v7 =	vimm.s32 $0x72625242;
	v12 =	vsel vm7, v13, v12;
	v13 =	vimm.s32 $0x36261606  }
0x18: {  	v18 =	vsel vm7, v19, v18;
	v19 =	vimm.s32 $0x39291909;
	v24 =	vsel vm7, v25, v24  }
0x19: {  	v25 =	vimm.s32 $0x3C2C1C0C;
	v30 =	vsel vm7, v31, v30;
	v4 =	vsel vm8, $0x400, v2  }
0x1a: {  	v2 =	vmul.u32 $0x8, v3;
	v5 =	vsel vm8, $0x401, v5;
	v7 =	vunpack.c.0.s8.s32 v7  }
0x1b: {  	v12 =	vsel vm8, $0x405, v12;
	v13 =	vunpack.c.0.s8.s32 v13;
	v18 =	vsel vm8, $0x408, v18  }
0x1c: {  	v19 =	vunpack.c.0.s8.s32 v19;
	v24 =	vsel vm8, $0x40B, v24;
	v25 =	vunpack.c.0.s8.s32 v25  }
0x1d: {  	v30 =	vsel vm8, $0x40E, v30;
	v3 =	vsel vm6, $0x410, v4;
	v5 =	vsel vm6, $0x411, v5  }
0x1e: {  	v6 =	vnsel vm9, $0x472, v6;
	v12 =	vsel vm6, $0x415, v12;
	v18 =	vsel vm6, $0x418, v18  }
0x1f: {  	v24 =	vsel vm6, $0x41B, v24;
	v30 =	vsel vm6, $0x41E, v30;
	v4 =	vsel vm5, $0x420, v3  }
0x20: {  	v3 =	vor.u32 $0x8, v0;
	v5 =	vsel vm5, $0x421, v5;
	v6 =	vsel vm7, v7, v6  }
0x21: {  	v7 =	vimm.s32 $0x33231303;
	v12 =	vsel vm5, $0x425, v12;
	v13 =	vnsel vm9, $0x476, v13  }
0x22: {  	v18 =	vsel vm5, $0x428, v18;
	v19 =	vnsel vm9, $0x479, v19;
	v24 =	vsel vm5, $0x42B, v24  }
0x23: {  	v25 =	vnsel vm9, $0x47C, v25;
	v30 =	vsel vm5, $0x42E, v30;
	v4 =	vsel vm4, $0x430, v4  }
0x24: {  	v6 =	vsel vm8, $0x402, v6;
	v7 =	vunpack.c.0.s8.s32 v7;
	v5 =	vsel vm4, $0x431, v5  }
0x25: {  	v12 =	vsel vm4, $0x435, v12;
	v13 =	vsel vm7, v14, v13;
	v18 =	vsel vm4, $0x438, v18  }
0x26: {  	v19 =	vsel vm7, v20, v19;
	v24 =	vsel vm4, $0x43B, v24;
	v25 =	vsel vm7, v26, v25  }
0x27: {  	v30 =	vsel vm4, $0x43E, v30;
	v4 =	vsel vm2, $0x440, v4;
	v6 =	vsel vm6, $0x412, v6  }
0x28: {  	v5 =	vsel vm2, $0x441, v5;
	v14 =	vsel vm2, $0x445, v12;
	v13 =	vsel vm8, $0x406, v13  }
0x29: {  	v12 =	vor.u32 $0x40, v0;
	v20 =	vsel vm2, $0x448, v18;
	v19 =	vsel vm8, $0x409, v19  }
0x2a: {  	v18 =	vor.u32 $0x70, v0;
	v26 =	vsel vm2, $0x44B, v24;
	v25 =	vsel vm8, $0x40C, v25  }
0x2b: {  	v24 =	vor.u32 $0x420, v0;
	v30 =	vsel vm2, $0x44E, v30;
	v4 =	vsel vm1, $0x450, v4  }
0x2c: {  	v6 =	vsel vm5, $0x422, v6;
	v7 =	vnsel vm9, $0x473, v7;
	v5 =	vsel vm1, $0x451, v5  }
0x2d: {  	v14 =	vsel vm1, $0x455, v14;
	v15 =	vsel vm6, $0x416, v13;
	v20 =	vsel vm1, $0x458, v20  }
0x2e: {  	v21 =	vsel vm6, $0x419, v19;
	v26 =	vsel vm1, $0x45B, v26;
	v27 =	vsel vm6, $0x41C, v25  }
0x2f: {  	v62 =	vsel vm1, $0x45E, v30;
	v30 =	vor.u32 $0x450, v0;
	v4 =	vsel vm3, $0x460, v4  }
0x30: {  	v6 =	vsel vm4, $0x432, v6;
	v7 =	vsel vm7, v8, v7;
	v5 =	vsel vm3, $0x461, v5  }
0x31: {  	v13 =	vsel vm3, $0x465, v14;
	v14 =	vsel vm5, $0x426, v15;
	v15 =	vimm.s32 $0x37271707  }
0x32: {  	v19 =	vsel vm3, $0x468, v20;
	v20 =	vsel vm5, $0x429, v21;
	v21 =	vimm.s32 $0x3A2A1A0A  }
0x33: {  	v25 =	vsel vm3, $0x46B, v26;
	v26 =	vsel vm5, $0x42C, v27;
	v27 =	vimm.s32 $0x3D2D1D0D  }
0x34: {  	v8 =	vsel vm2, $0x442, v6;
	v7 =	vsel vm8, $0x403, v7;
	v6 =	vor.u32 $0x10, v0  }
0x35: {  	v16 =	vsel vm4, $0x436, v14;
	v15 =	vunpack.c.0.s8.s32 v15;
	v14 =	vor.u32 $0x50, v0  }
0x36: {  	v22 =	vsel vm4, $0x439, v20;
	v21 =	vunpack.c.0.s8.s32 v21;
	v20 =	vor.u32 $0x400, v0  }
0x37: {  	v28 =	vsel vm4, $0x43C, v26;
	v27 =	vunpack.c.0.s8.s32 v27;
	v26 =	vor.u32 $0x430, v0  }
0x38: {  	v8 =	vsel vm1, $0x452, v8;
	v9 =	vsel vm6, $0x413, v7;
	v16 =	vsel vm2, $0x446, v16  }
0x39: {  	v22 =	vsel vm2, $0x449, v22;
	v28 =	vsel vm2, $0x44C, v28;
	v7 =	vsel vm3, $0x462, v8  }
0x3a: {  	v8 =	vsel vm5, $0x423, v9;
	v9 =	vimm.s32 $0x34241404;
	v16 =	vsel vm1, $0x456, v16  }
0x3b: {  	v15 =	vnsel vm9, $0x477, v15;
	v22 =	vsel vm1, $0x459, v22;
	v21 =	vnsel vm9, $0x47A, v21  }
0x3c: {  	s0 =	rddreg [dreg:$0x0];
	v28 =	vsel vm1, $0x45C, v28;
	v27 =	vnsel vm9, $0x47D, v27;
	v10 =	vsel vm4, $0x433, v8  }
0x3d: {  	s1 =	rddreg [dreg:$0x1];
	v9 =	vunpack.c.0.s8.s32 v9;
	v8 =	vor.u32 $0x20, v0;
	v17 =	vsel vm7, v17, v15  }
0x3e: {  	s2 =	srdreg.scid;
	s3 =	stileid.u32;
	v15 =	vsel vm3, $0x466, v16;
	v16 =	vor.u32 $0x60, v0;
	v23 =	vsel vm7, v23, v21  }
0x3f: {  	s10 =	simm.s32 $0x200;
	s28 =	simm.s32 $0x8200;
	s29 =	simm.s32 $0x8A00;
	v21 =	vsel vm3, $0x469, v22;
	v22 =	vor.u32 $0x410, v0;
	v29 =	vsel vm7, v29, v27  }
0x40: {  	s14 =	simm.s32 $0x3;
	s30 =	simm.s32 $0x9200;
	s31 =	simm.s32 $0x9A00;
	v27 =	vimm.s32 $0x3F2F1F0F;
	v10 =	vsel vm2, $0x443, v10;
	v17 =	vsel vm8, $0x407, v17  }
0x41: {  	s11 =	simm.s32 $0xB200;
	s12 =	simm.s32 $0xBA00;
	s13 =	simm.s32 $0xC200;
	v23 =	vsel vm8, $0x40A, v23;
	v32 =	vunpack.c.0.s8.s32 v27;
	v27 =	vsel vm3, $0x46C, v28  }
0x42: {  	s15 =	simm.s32 $0xD200;
	s16 =	simm.s32 $0xDA00;
	s17 =	simm.s32 $0xEA00;
	v28 =	vor.u32 $0x440, v0;
	v29 =	vsel vm8, $0x40D, v29;
	v10 =	vsel vm1, $0x453, v10  }
0x43: {  	s18 =	simm.s32 $0xF200;
	s19 =	simm.s32 $0xFA00;
	s20 =	simm.s32 $0x2;
	v9 =	vnsel vm9, $0x474, v9;
	v17 =	vsel vm6, $0x417, v17;
	v23 =	vsel vm6, $0x41A, v23  }
0x44: {  	s21 =	simm.s32 $0x0;
	s4 =	sand.u32 $0x1, s2;
	s2 =	simm.s32 $0x0;
	v29 =	vsel vm6, $0x41D, v29;
	v11 =	vsel vm7, v11, v9;
	v9 =	vsel vm3, $0x463, v10  }
0x45: {  	s3 =	sshll.u32 s3, $0xA;
	s5 =	sshll.u32 s4, $0x9;
	[smem:$0x7FF] =	sst s2;
	v10 =	vor.u32 $0x30, v0;
	v17 =	vsel vm5, $0x427, v17;
	v23 =	vsel vm5, $0x42A, v23  }
0x46: {  	s4 =	ssub.s32 $0x2, s4;
	s5 =	sor.u32 s5, s3;
	_ =	strace $0x8000004A;
	v32 =	vnsel vm9, $0x47F, v32;
	v29 =	vsel vm5, $0x42D, v29;
	v11 =	vsel vm8, $0x404, v11  }
0x47: {  	s3 =	sadd.s32 $0x38FA00, s0;
	s23 =	sshrl.u32 s4, $0x1;
	s6 =	sshll.u32 s5, $0x5;
	v17 =	vsel vm4, $0x437, v17;
	v23 =	vsel vm4, $0x43A, v23;
	v31 =	vsel vm7, v33, v32  }
0x48: {  	s4 =	ssub.s32 s4, s23;
	s5 =	sshrl.u32 s5, $0x3;
	s23 =	simm.s32 $0x6200;
	v29 =	vsel vm4, $0x43D, v29;
	v11 =	vsel vm6, $0x414, v11;
	v17 =	vsel vm2, $0x447, v17  }
0x49: {  	s0 =	sadd.s32 s6, s0;
	s26 =	sadd.s32 s1, s5;
	s9 =	smax.u32 s4, $0x1;
	v23 =	vsel vm2, $0x44A, v23;
	v31 =	vsel vm8, $0x40F, v31;
	v29 =	vsel vm2, $0x44D, v29  }
0x4a: {  	s1 =	simm.s32 $0xAA00;
	s7 =	sadd.s32 $0x69CE00, s0;
	[dreg:$0x7] =	wrdreg s26;
	v11 =	vsel vm5, $0x424, v11;
	v17 =	vsel vm1, $0x457, v17;
	v31 =	vsel vm6, $0x41F, v31  }
0x4b: {  	s4 =	simm.s32 $0xCA00;
	s24 =	sadd.s32 $0x69DE00, s0;
	[dreg:$0x3] =	wrdreg s7;
	v23 =	vsel vm1, $0x45A, v23;
	v29 =	vsel vm1, $0x45D, v29;
	v31 =	vsel vm5, $0x42F, v31  }
0x4c: {  	s5 =	simm.s32 $0xE200;
	s25 =	sadd.s32 $0x69EE00, s0;
	[dreg:$0x4] =	wrdreg s24;
	v11 =	vsel vm4, $0x434, v11;
	v17 =	vsel vm3, $0x467, v17;
	v31 =	vsel vm4, $0x43F, v31  }
0x4d: {  	s6 =	simm.s32 $0x1;
	s0 =	sadd.s32 $0x69FE00, s0;
	[dreg:$0x5] =	wrdreg s25;
	v23 =	vsel vm3, $0x46A, v23;
	v11 =	vsel vm2, $0x444, v11;
	v31 =	vsel vm2, $0x44F, v31  }
0x4e: {  	s26 =	simm.s32 $0x7A00;
	[dreg:$0x6] =	wrdreg s0;
	s24 =	simm.s32 $0x6A00;
	v29 =	vsel vm3, $0x46D, v29;
	v11 =	vsel vm1, $0x454, v11;
	v63 =	vsel vm1, $0x45F, v31  }
0x4f: {  	s25 =	simm.s32 $0x7200;
	s0 =	simm.s32 $0xA200;
	s7 =	simm.s32 $0x10200;
	v11 =	vsel vm3, $0x464, v11;
	v31 =	vsel vm3, $0x46E, v62;
	v32 =	vsel vm3, $0x46F, v63  }
.LBB2_1:
0x50: {  	s8 =	rddreg [dreg:$0x7]  }
0x51: {  	[tilespmem:s2], [sflag:$0x3] =	stream.linear.gather [hbm4b:s8+s2], $0x200, $0x38;
	[tilespmem:$0x18200] =	vst v63  }
0x52: {  	_ =	swait.ge [sflag:s14], $0x200  }
0x53: {  	[sflag:s14] =	ssyncset.done $0x0  }
0x54: {  	[sflag:s14] =	ssyncadd.s32 $0xFFFFFE00  }
0x55: {  	v33 =	vld [tilespmem:$0x0];
	_ =	sdelay $0x4  }
0x56: {  	v34 =	vshll.u32 v33, $0x1  }
0x57: {  	v33 =	vand.u32 $0x7, v33;
	v34 =	vand.u32 $0xFFFFFFF0, v34  }
0x58: {  	v33 =	vor.u32 v33, v34  }
0x59: {  	v34 =	vperm.xlane v33, v1;
	_ =	sdelay $0x1  }
0x5a: {  	v33 =	vperm.xlane v33, v3;
	v34 =	vadd.s32 v2, v34;
	_ =	sdelay $0x1  }
0x5b: {  	v33 =	vadd.s32 v2, v33;
	_ =	sdelay $0x2  }
0x5c: {  	[tilespmem:s10], [sflag:$0x1] =	stream.indirect_vreg.gather [hbm4b:s3+s2], $0x80, v34, vm0, $0xb8;
	[tilespmem:$0x18200] =	vst v63  }
0x5d: {  	s22 =	simm.s32 $0xA00  }
0x5e: {  	[tilespmem:s22], [sflag:$0x1] =	stream.indirect_vreg.gather [hbm4b:s3+s2], $0x80, v33, vm0, $0xb8;
	[tilespmem:$0x18200] =	vst v63  }
0x5f: {  	v33 =	vld [tilespmem:$0x10];
	_ =	sdelay $0x4  }
0x60: {  	v44 =	vshll.u32 v33, $0x1  }
0x61: {  	v33 =	vand.u32 $0x7, v33;
	v34 =	vand.u32 $0xFFFFFFF0, v44  }
0x62: {  	v33 =	vor.u32 v33, v34  }
0x63: {  	v34 =	vperm.xlane v33, v1;
	_ =	sdelay $0x1  }
0x64: {  	v33 =	vperm.xlane v33, v3;
	v34 =	vadd.s32 v2, v34;
	_ =	sdelay $0x1  }
0x65: {  	v33 =	vadd.s32 v2, v33;
	_ =	sdelay $0x1  }
0x66: {  	s22 =	simm.s32 $0x1200  }
0x67: {  	[tilespmem:s22], [sflag:$0x1] =	stream.indirect_vreg.gather [hbm4b:s3+s2], $0x80, v34, vm0, $0xb8;
	[tilespmem:$0x18200] =	vst v63  }
0x68: {  	s22 =	simm.s32 $0x1A00  }
0x69: {  	[tilespmem:s22], [sflag:$0x1] =	stream.indirect_vreg.gather [hbm4b:s3+s2], $0x80, v33, vm0, $0xb8;
	[tilespmem:$0x18200] =	vst v63  }
0x6a: {  	v33 =	vld [tilespmem:$0x20];
	_ =	sdelay $0x4  }
0x6b: {  	v45 =	vshll.u32 v33, $0x1  }
0x6c: {  	v33 =	vand.u32 $0x7, v33;
	v34 =	vand.u32 $0xFFFFFFF0, v45  }
0x6d: {  	v33 =	vor.u32 v33, v34  }
0x6e: {  	v34 =	vperm.xlane v33, v1;
	_ =	sdelay $0x1  }
0x6f: {  	v33 =	vperm.xlane v33, v3;
	v34 =	vadd.s32 v2, v34;
	_ =	sdelay $0x1  }
0x70: {  	v33 =	vadd.s32 v2, v33;
	_ =	sdelay $0x1  }
0x71: {  	s22 =	simm.s32 $0x2200  }
0x72: {  	[tilespmem:s22], [sflag:$0x1] =	stream.indirect_vreg.gather [hbm4b:s3+s2], $0x80, v34, vm0, $0xb8;
	[tilespmem:$0x18200] =	vst v63  }
0x73: {  	s22 =	simm.s32 $0x2A00  }
0x74: {  	[tilespmem:s22], [sflag:$0x1] =	stream.indirect_vreg.gather [hbm4b:s3+s2], $0x80, v33, vm0, $0xb8;
	[tilespmem:$0x18200] =	vst v63  }
0x75: {  	v33 =	vld [tilespmem:$0x30];
	_ =	sdelay $0x4  }
0x76: {  	v46 =	vshll.u32 v33, $0x1  }
0x77: {  	v33 =	vand.u32 $0x7, v33;
	v34 =	vand.u32 $0xFFFFFFF0, v46  }
0x78: {  	v33 =	vor.u32 v33, v34  }
0x79: {  	v34 =	vperm.xlane v33, v1;
	_ =	sdelay $0x1  }
0x7a: {  	v33 =	vperm.xlane v33, v3;
	v34 =	vadd.s32 v2, v34;
	_ =	sdelay $0x1  }
0x7b: {  	v33 =	vadd.s32 v2, v33;
	_ =	sdelay $0x1  }
0x7c: {  	s22 =	simm.s32 $0x3200  }
0x7d: {  	[tilespmem:s22], [sflag:$0x1] =	stream.indirect_vreg.gather [hbm4b:s3+s2], $0x80, v34, vm0, $0xb8;
	[tilespmem:$0x18200] =	vst v63  }
0x7e: {  	s22 =	simm.s32 $0x3A00  }
0x7f: {  	[tilespmem:s22], [sflag:$0x1] =	stream.indirect_vreg.gather [hbm4b:s3+s2], $0x80, v33, vm0, $0xb8;
	[tilespmem:$0x18200] =	vst v63  }
0x80: {  	v33 =	vld [tilespmem:$0x40];
	_ =	sdelay $0x4  }
0x81: {  	v47 =	vshll.u32 v33, $0x1  }
0x82: {  	v33 =	vand.u32 $0x7, v33;
	v34 =	vand.u32 $0xFFFFFFF0, v47  }
0x83: {  	v33 =	vor.u32 v33, v34  }
0x84: {  	v34 =	vperm.xlane v33, v1;
	_ =	sdelay $0x1  }
0x85: {  	v33 =	vperm.xlane v33, v3;
	v34 =	vadd.s32 v2, v34;
	_ =	sdelay $0x1  }
0x86: {  	v33 =	vadd.s32 v2, v33;
	_ =	sdelay $0x1  }
0x87: {  	s22 =	simm.s32 $0x4200  }
0x88: {  	[tilespmem:s22], [sflag:$0x1] =	stream.indirect_vreg.gather [hbm4b:s3+s2], $0x80, v34, vm0, $0xb8;
	[tilespmem:$0x18200] =	vst v63  }
0x89: {  	s22 =	simm.s32 $0x4A00  }
0x8a: {  	[tilespmem:s22], [sflag:$0x1] =	stream.indirect_vreg.gather [hbm4b:s3+s2], $0x80, v33, vm0, $0xb8;
	[tilespmem:$0x18200] =	vst v63  }
0x8b: {  	v33 =	vld [tilespmem:$0x50];
	_ =	sdelay $0x4  }
0x8c: {  	v48 =	vshll.u32 v33, $0x1  }
0x8d: {  	v33 =	vand.u32 $0x7, v33;
	v34 =	vand.u32 $0xFFFFFFF0, v48  }
0x8e: {  	v33 =	vor.u32 v33, v34  }
0x8f: {  	v34 =	vperm.xlane v33, v1;
	_ =	sdelay $0x1  }
0x90: {  	v33 =	vperm.xlane v33, v3;
	v34 =	vadd.s32 v2, v34;
	_ =	sdelay $0x1  }
0x91: {  	v33 =	vadd.s32 v2, v33;
	_ =	sdelay $0x1  }
0x92: {  	s22 =	simm.s32 $0x5200  }
0x93: {  	[tilespmem:s22], [sflag:$0x1] =	stream.indirect_vreg.gather [hbm4b:s3+s2], $0x80, v34, vm0, $0xb8;
	[tilespmem:$0x18200] =	vst v63  }
0x94: {  	s22 =	simm.s32 $0x5A00  }
0x95: {  	[tilespmem:s22], [sflag:$0x1] =	stream.indirect_vreg.gather [hbm4b:s3+s2], $0x80, v33, vm0, $0xb8;
	[tilespmem:$0x18200] =	vst v63  }
0x96: {  	v33 =	vld [tilespmem:$0x60];
	_ =	sdelay $0x4  }
0x97: {  	v49 =	vshll.u32 v33, $0x1  }
0x98: {  	v33 =	vand.u32 $0x7, v33;
	v34 =	vand.u32 $0xFFFFFFF0, v49  }
0x99: {  	v33 =	vor.u32 v33, v34  }
0x9a: {  	v34 =	vperm.xlane v33, v1;
	_ =	sdelay $0x1  }
0x9b: {  	v33 =	vperm.xlane v33, v3;
	v34 =	vadd.s32 v2, v34;
	_ =	sdelay $0x1  }
0x9c: {  	v33 =	vadd.s32 v2, v33;
	_ =	sdelay $0x2  }
0x9d: {  	[tilespmem:s23], [sflag:$0x1] =	stream.indirect_vreg.gather [hbm4b:s3+s2], $0x80, v34, vm0, $0xb8;
	[tilespmem:$0x18200] =	vst v63  }
0x9e: {  	_ = 	snop  }
0x9f: {  	[tilespmem:s24], [sflag:$0x1] =	stream.indirect_vreg.gather [hbm4b:s3+s2], $0x80, v33, vm0, $0xb8;
	[tilespmem:$0x18200] =	vst v63  }
0xa0: {  	v33 =	vld [tilespmem:$0x70];
	_ =	sdelay $0x4  }
0xa1: {  	v50 =	vshll.u32 v33, $0x1  }
0xa2: {  	v33 =	vand.u32 $0x7, v33;
	v34 =	vand.u32 $0xFFFFFFF0, v50  }
0xa3: {  	v33 =	vor.u32 v33, v34  }
0xa4: {  	v34 =	vperm.xlane v33, v1;
	_ =	sdelay $0x1  }
0xa5: {  	v33 =	vperm.xlane v33, v3;
	v34 =	vadd.s32 v2, v34;
	_ =	sdelay $0x1  }
0xa6: {  	v33 =	vadd.s32 v2, v33;
	_ =	sdelay $0x2  }
0xa7: {  	[tilespmem:s25], [sflag:$0x1] =	stream.indirect_vreg.gather [hbm4b:s3+s2], $0x80, v34, vm0, $0xb8;
	[tilespmem:$0x18200] =	vst v63  }
0xa8: {  	_ = 	snop  }
0xa9: {  	[tilespmem:s26], [sflag:$0x1] =	stream.indirect_vreg.gather [hbm4b:s3+s2], $0x80, v33, vm0, $0xb8;
	[tilespmem:$0x18200] =	vst v63  }
0xaa: {  	v33 =	vld [tilespmem:$0x80];
	_ =	sdelay $0x4  }
0xab: {  	v51 =	vshll.u32 v33, $0x1  }
0xac: {  	v33 =	vand.u32 $0x7, v33;
	v34 =	vand.u32 $0xFFFFFFF0, v51  }
0xad: {  	v33 =	vor.u32 v33, v34  }
0xae: {  	v34 =	vperm.xlane v33, v1;
	_ =	sdelay $0x1  }
0xaf: {  	v33 =	vperm.xlane v33, v3;
	v34 =	vadd.s32 v2, v34;
	_ =	sdelay $0x1  }
0xb0: {  	v33 =	vadd.s32 v2, v33;
	_ =	sdelay $0x2  }
0xb1: {  	[tilespmem:s28], [sflag:$0x2] =	stream.indirect_vreg.gather [hbm4b:s3+s2], $0x80, v34, vm0, $0xb8;
	[tilespmem:$0x18200] =	vst v63  }
0xb2: {  	_ = 	snop  }
0xb3: {  	[tilespmem:s29], [sflag:$0x2] =	stream.indirect_vreg.gather [hbm4b:s3+s2], $0x80, v33, vm0, $0xb8;
	[tilespmem:$0x18200] =	vst v63  }
0xb4: {  	v33 =	vld [tilespmem:$0x90];
	_ =	sdelay $0x4  }
0xb5: {  	v52 =	vshll.u32 v33, $0x1  }
0xb6: {  	v33 =	vand.u32 $0x7, v33;
	v34 =	vand.u32 $0xFFFFFFF0, v52  }
0xb7: {  	v33 =	vor.u32 v33, v34  }
0xb8: {  	v34 =	vperm.xlane v33, v1;
	_ =	sdelay $0x1  }
0xb9: {  	v33 =	vperm.xlane v33, v3;
	v34 =	vadd.s32 v2, v34;
	_ =	sdelay $0x1  }
0xba: {  	v33 =	vadd.s32 v2, v33;
	_ =	sdelay $0x2  }
0xbb: {  	[tilespmem:s30], [sflag:$0x2] =	stream.indirect_vreg.gather [hbm4b:s3+s2], $0x80, v34, vm0, $0xb8;
	[tilespmem:$0x18200] =	vst v63  }
0xbc: {  	_ = 	snop  }
0xbd: {  	[tilespmem:s31], [sflag:$0x2] =	stream.indirect_vreg.gather [hbm4b:s3+s2], $0x80, v33, vm0, $0xb8;
	[tilespmem:$0x18200] =	vst v63  }
0xbe: {  	v33 =	vld [tilespmem:$0xA0];
	_ =	sdelay $0x4  }
0xbf: {  	v53 =	vshll.u32 v33, $0x1  }
0xc0: {  	v33 =	vand.u32 $0x7, v33;
	v34 =	vand.u32 $0xFFFFFFF0, v53  }
0xc1: {  	v33 =	vor.u32 v33, v34  }
0xc2: {  	v34 =	vperm.xlane v33, v1;
	_ =	sdelay $0x1  }
0xc3: {  	v33 =	vperm.xlane v33, v3;
	v34 =	vadd.s32 v2, v34;
	_ =	sdelay $0x1  }
0xc4: {  	v33 =	vadd.s32 v2, v33;
	_ =	sdelay $0x2  }
0xc5: {  	[tilespmem:s0], [sflag:$0x2] =	stream.indirect_vreg.gather [hbm4b:s3+s2], $0x80, v34, vm0, $0xb8;
	[tilespmem:$0x18200] =	vst v63  }
0xc6: {  	_ = 	snop  }
0xc7: {  	[tilespmem:s1], [sflag:$0x2] =	stream.indirect_vreg.gather [hbm4b:s3+s2], $0x80, v33, vm0, $0xb8;
	[tilespmem:$0x18200] =	vst v63  }
0xc8: {  	v33 =	vld [tilespmem:$0xB0];
	_ =	sdelay $0x4  }
0xc9: {  	v54 =	vshll.u32 v33, $0x1  }
0xca: {  	v33 =	vand.u32 $0x7, v33;
	v34 =	vand.u32 $0xFFFFFFF0, v54  }
0xcb: {  	v33 =	vor.u32 v33, v34  }
0xcc: {  	v34 =	vperm.xlane v33, v1;
	_ =	sdelay $0x1  }
0xcd: {  	v33 =	vperm.xlane v33, v3;
	v34 =	vadd.s32 v2, v34;
	_ =	sdelay $0x1  }
0xce: {  	v33 =	vadd.s32 v2, v33;
	_ =	sdelay $0x2  }
0xcf: {  	[tilespmem:s11], [sflag:$0x2] =	stream.indirect_vreg.gather [hbm4b:s3+s2], $0x80, v34, vm0, $0xb8;
	[tilespmem:$0x18200] =	vst v63  }
0xd0: {  	_ = 	snop  }
0xd1: {  	[tilespmem:s12], [sflag:$0x2] =	stream.indirect_vreg.gather [hbm4b:s3+s2], $0x80, v33, vm0, $0xb8;
	[tilespmem:$0x18200] =	vst v63  }
0xd2: {  	v33 =	vld [tilespmem:$0xC0];
	_ =	sdelay $0x4  }
0xd3: {  	v55 =	vshll.u32 v33, $0x1  }
0xd4: {  	v33 =	vand.u32 $0x7, v33;
	v34 =	vand.u32 $0xFFFFFFF0, v55  }
0xd5: {  	v33 =	vor.u32 v33, v34  }
0xd6: {  	v34 =	vperm.xlane v33, v1;
	_ =	sdelay $0x1  }
0xd7: {  	v33 =	vperm.xlane v33, v3;
	v34 =	vadd.s32 v2, v34;
	_ =	sdelay $0x1  }
0xd8: {  	v33 =	vadd.s32 v2, v33;
	_ =	sdelay $0x2  }
0xd9: {  	[tilespmem:s13], [sflag:$0x2] =	stream.indirect_vreg.gather [hbm4b:s3+s2], $0x80, v34, vm0, $0xb8;
	[tilespmem:$0x18200] =	vst v63  }
0xda: {  	_ = 	snop  }
0xdb: {  	[tilespmem:s4], [sflag:$0x2] =	stream.indirect_vreg.gather [hbm4b:s3+s2], $0x80, v33, vm0, $0xb8;
	[tilespmem:$0x18200] =	vst v63  }
0xdc: {  	v33 =	vld [tilespmem:$0xD0];
	_ =	sdelay $0x4  }
0xdd: {  	v56 =	vshll.u32 v33, $0x1  }
0xde: {  	v33 =	vand.u32 $0x7, v33;
	v34 =	vand.u32 $0xFFFFFFF0, v56  }
0xdf: {  	v33 =	vor.u32 v33, v34  }
0xe0: {  	v34 =	vperm.xlane v33, v1;
	_ =	sdelay $0x1  }
0xe1: {  	v33 =	vperm.xlane v33, v3;
	v34 =	vadd.s32 v2, v34;
	_ =	sdelay $0x1  }
0xe2: {  	v33 =	vadd.s32 v2, v33;
	_ =	sdelay $0x2  }
0xe3: {  	[tilespmem:s15], [sflag:$0x2] =	stream.indirect_vreg.gather [hbm4b:s3+s2], $0x80, v34, vm0, $0xb8;
	[tilespmem:$0x18200] =	vst v63  }
0xe4: {  	_ = 	snop  }
0xe5: {  	[tilespmem:s16], [sflag:$0x2] =	stream.indirect_vreg.gather [hbm4b:s3+s2], $0x80, v33, vm0, $0xb8;
	[tilespmem:$0x18200] =	vst v63  }
0xe6: {  	v33 =	vld [tilespmem:$0xE0];
	_ =	sdelay $0x4  }
0xe7: {  	v57 =	vshll.u32 v33, $0x1  }
0xe8: {  	v33 =	vand.u32 $0x7, v33;
	v34 =	vand.u32 $0xFFFFFFF0, v57  }
0xe9: {  	v33 =	vor.u32 v33, v34  }
0xea: {  	v34 =	vperm.xlane v33, v1;
	_ =	sdelay $0x1  }
0xeb: {  	v33 =	vperm.xlane v33, v3;
	v34 =	vadd.s32 v2, v34;
	_ =	sdelay $0x1  }
0xec: {  	v33 =	vadd.s32 v2, v33;
	_ =	sdelay $0x2  }
0xed: {  	[tilespmem:s5], [sflag:$0x2] =	stream.indirect_vreg.gather [hbm4b:s3+s2], $0x80, v34, vm0, $0xb8;
	[tilespmem:$0x18200] =	vst v63  }
0xee: {  	_ = 	snop  }
0xef: {  	[tilespmem:s17], [sflag:$0x2] =	stream.indirect_vreg.gather [hbm4b:s3+s2], $0x80, v33, vm0, $0xb8;
	[tilespmem:$0x18200] =	vst v63  }
0xf0: {  	v33 =	vld [tilespmem:$0xF0];
	_ =	sdelay $0x4  }
0xf1: {  	v58 =	vshll.u32 v33, $0x1  }
0xf2: {  	v33 =	vand.u32 $0x7, v33;
	v34 =	vand.u32 $0xFFFFFFF0, v58  }
0xf3: {  	v33 =	vor.u32 v33, v34  }
0xf4: {  	v34 =	vperm.xlane v33, v1;
	_ =	sdelay $0x1  }
0xf5: {  	v33 =	vperm.xlane v33, v3;
	v34 =	vadd.s32 v2, v34;
	_ =	sdelay $0x1  }
0xf6: {  	v35 =	vmov s2;
	v33 =	vadd.s32 v2, v33  }
0xf7: {  	v36 =	vshll.u32 v35, $0x8;
	v35 =	vshll.u32 v35, $0x7  }
0xf8: {  	v36 =	vand.u32 $0x7800, v36;
	v35 =	vand.u32 $0x380, v35  }
0xf9: {  	v35 =	vor.u32 v36, v35;
	[tilespmem:s18], [sflag:$0x2] =	stream.indirect_vreg.gather [hbm4b:s3+s2], $0x80, v34, vm0, $0xb8;
	[tilespmem:$0x18200] =	vst v63  }
0xfa: {  	v59 =	vor.u32 v4, v35  }
0xfb: {  	[tilespmem:s19], [sflag:$0x2] =	stream.indirect_vreg.gather [hbm4b:s3+s2], $0x80, v33, vm0, $0xb8;
	[tilespmem:$0x18200] =	vst v63  }
0xfc: {  	_ =	swait.ge [sflag:s6], $0x8000  }
0xfd: {  	[sflag:s6] =	ssyncset.done $0x0  }
0xfe: {  	[sflag:s6] =	ssyncadd.s32 $0xFFFF8000  }
0xff: {  	v61 =	vor.u32 v0, v35;
	v60 =	vld.idx.msk [tilespmem:v59+s10+$0x0], $0xffff  }
0x100: {  	v36 =	vor.u32 v5, v35;
	_ =	sdelay $0x3  }
0x101: {  	[tilespmem:v61+s7+$0x0] =	vst.idx.msk $0xffff, v60  }
0x102: {  	v62 =	vor.u32 v6, v35;
	v33 =	vld.idx.msk [tilespmem:v36+s10+$0x0], $0xffff  }
0x103: {  	v63 =	vor.u32 v7, v35;
	_ =	sdelay $0x3  }
0x104: {  	[tilespmem:v62+s7+$0x0] =	vst.idx.msk $0xffff, v33  }
0x105: {  	v40 =	vor.u32 v8, v35;
	v33 =	vld.idx.msk [tilespmem:v63+s10+$0x0], $0xffff  }
0x106: {  	v41 =	vor.u32 v9, v35;
	_ =	sdelay $0x3  }
0x107: {  	[tilespmem:v40+s7+$0x0] =	vst.idx.msk $0xffff, v33  }
0x108: {  	v42 =	vor.u32 v10, v35;
	v33 =	vld.idx.msk [tilespmem:v41+s10+$0x0], $0xffff  }
0x109: {  	v43 =	vor.u32 v11, v35;
	_ =	sdelay $0x3  }
0x10a: {  	[tilespmem:v42+s7+$0x0] =	vst.idx.msk $0xffff, v33  }
0x10b: {  	v44 =	vor.u32 v12, v35;
	v33 =	vld.idx.msk [tilespmem:v43+s10+$0x0], $0xffff  }
0x10c: {  	v45 =	vor.u32 v13, v35;
	_ =	sdelay $0x3  }
0x10d: {  	[tilespmem:v44+s7+$0x0] =	vst.idx.msk $0xffff, v33  }
0x10e: {  	v46 =	vor.u32 v14, v35;
	v33 =	vld.idx.msk [tilespmem:v45+s10+$0x0], $0xffff  }
0x10f: {  	v47 =	vor.u32 v15, v35;
	_ =	sdelay $0x3  }
0x110: {  	[tilespmem:v46+s7+$0x0] =	vst.idx.msk $0xffff, v33  }
0x111: {  	v48 =	vor.u32 v16, v35;
	v33 =	vld.idx.msk [tilespmem:v47+s10+$0x0], $0xffff  }
0x112: {  	v49 =	vor.u32 v17, v35;
	_ =	sdelay $0x3  }
0x113: {  	[tilespmem:v48+s7+$0x0] =	vst.idx.msk $0xffff, v33  }
0x114: {  	v50 =	vor.u32 v18, v35;
	v33 =	vld.idx.msk [tilespmem:v49+s10+$0x0], $0xffff  }
0x115: {  	v51 =	vor.u32 v19, v35;
	_ =	sdelay $0x3  }
0x116: {  	[tilespmem:v50+s7+$0x0] =	vst.idx.msk $0xffff, v33  }
0x117: {  	v52 =	vor.u32 v20, v35;
	v33 =	vld.idx.msk [tilespmem:v51+s10+$0x0], $0xffff  }
0x118: {  	v53 =	vor.u32 v21, v35;
	_ =	sdelay $0x3  }
0x119: {  	[tilespmem:v52+s7+$0x0] =	vst.idx.msk $0xffff, v33  }
0x11a: {  	v54 =	vor.u32 v22, v35;
	v33 =	vld.idx.msk [tilespmem:v53+s10+$0x0], $0xffff  }
0x11b: {  	v55 =	vor.u32 v23, v35;
	_ =	sdelay $0x3  }
0x11c: {  	[tilespmem:v54+s7+$0x0] =	vst.idx.msk $0xffff, v33  }
0x11d: {  	v56 =	vor.u32 v24, v35;
	v33 =	vld.idx.msk [tilespmem:v55+s10+$0x0], $0xffff  }
0x11e: {  	v57 =	vor.u32 v25, v35;
	_ =	sdelay $0x3  }
0x11f: {  	[tilespmem:v56+s7+$0x0] =	vst.idx.msk $0xffff, v33  }
0x120: {  	v58 =	vor.u32 v26, v35;
	v33 =	vld.idx.msk [tilespmem:v57+s10+$0x0], $0xffff  }
0x121: {  	v59 =	vor.u32 v27, v35;
	_ =	sdelay $0x3  }
0x122: {  	[tilespmem:v58+s7+$0x0] =	vst.idx.msk $0xffff, v33  }
0x123: {  	v60 =	vor.u32 v28, v35;
	v33 =	vld.idx.msk [tilespmem:v59+s10+$0x0], $0xffff  }
0x124: {  	v61 =	vor.u32 v29, v35;
	_ =	sdelay $0x3  }
0x125: {  	[tilespmem:v60+s7+$0x0] =	vst.idx.msk $0xffff, v33  }
0x126: {  	v62 =	vor.u32 v30, v35;
	v33 =	vld.idx.msk [tilespmem:v61+s10+$0x0], $0xffff  }
0x127: {  	v63 =	vor.u32 v31, v35;
	_ =	sdelay $0x3  }
0x128: {  	[tilespmem:v62+s7+$0x0] =	vst.idx.msk $0xffff, v33;
	v33 =	vor.u32 $0x460, v0  }
0x129: {  	v37 =	vld.idx.msk [tilespmem:v63+s10+$0x0], $0xffff;
	v38 =	vor.u32 v33, v35  }
0x12a: {  	v36 =	vor.u32 v32, v35;
	_ =	sdelay $0x1  }
0x12b: {  	s22 =	simm.s32 $0x1  }
0x12c: {  	v39 =	vmov s22;
	s22 =	simm.s32 $0x2  }
.LBB2_2:
0x12d: {  	p0 =	sne.s32 s22, $0x7F;
	v34 =	vshll.u32 v39, $0x8;
	v39 =	vshll.u32 v39, $0x7;
	[tilespmem:v38+s7+$0x0] =	vst.idx.msk $0xffff, v37  }
0x12e: {  	v37 =	vand.u32 $0x7800, v34;
	v38 =	vand.u32 $0x380, v39;
	v36 =	vld.idx.msk [tilespmem:v36+s10+$0x0], $0xffff;
	v34 =	vor.u32 $0x470, v0  }
0x12f: {  	v39 =	vor.u32 v34, v35;
	v35 =	vor.u32 v37, v38  }
0x130: {  	v37 =	vor.u32 v4, v35;
	_ =	sdelay $0x3  }
0x131: {  	[tilespmem:v39+s7+$0x0] =	vst.idx.msk $0xffff, v36  }
0x132: {  	v36 =	vld.idx.msk [tilespmem:v37+s10+$0x0], $0xffff  }
0x133: {  	v37 =	vor.u32 v0, v35  }
0x134: {  	v38 =	vor.u32 v5, v35;
	_ =	sdelay $0x3  }
0x135: {  	[tilespmem:v37+s7+$0x0] =	vst.idx.msk $0xffff, v36  }
0x136: {  	v36 =	vld.idx.msk [tilespmem:v38+s10+$0x0], $0xffff  }
0x137: {  	v37 =	vor.u32 v6, v35  }
0x138: {  	v38 =	vor.u32 v7, v35;
	_ =	sdelay $0x3  }
0x139: {  	[tilespmem:v37+s7+$0x0] =	vst.idx.msk $0xffff, v36  }
0x13a: {  	v36 =	vld.idx.msk [tilespmem:v38+s10+$0x0], $0xffff  }
0x13b: {  	v37 =	vor.u32 v8, v35  }
0x13c: {  	v38 =	vor.u32 v9, v35;
	_ =	sdelay $0x3  }
0x13d: {  	[tilespmem:v37+s7+$0x0] =	vst.idx.msk $0xffff, v36  }
0x13e: {  	v36 =	vld.idx.msk [tilespmem:v38+s10+$0x0], $0xffff  }
0x13f: {  	v37 =	vor.u32 v10, v35  }
0x140: {  	v38 =	vor.u32 v11, v35;
	_ =	sdelay $0x3  }
0x141: {  	[tilespmem:v37+s7+$0x0] =	vst.idx.msk $0xffff, v36  }
0x142: {  	v36 =	vld.idx.msk [tilespmem:v38+s10+$0x0], $0xffff  }
0x143: {  	v37 =	vor.u32 v12, v35  }
0x144: {  	v38 =	vor.u32 v13, v35;
	_ =	sdelay $0x3  }
0x145: {  	[tilespmem:v37+s7+$0x0] =	vst.idx.msk $0xffff, v36  }
0x146: {  	v36 =	vld.idx.msk [tilespmem:v38+s10+$0x0], $0xffff  }
0x147: {  	v37 =	vor.u32 v14, v35  }
0x148: {  	v38 =	vor.u32 v15, v35;
	_ =	sdelay $0x3  }
0x149: {  	[tilespmem:v37+s7+$0x0] =	vst.idx.msk $0xffff, v36  }
0x14a: {  	v36 =	vld.idx.msk [tilespmem:v38+s10+$0x0], $0xffff  }
0x14b: {  	v37 =	vor.u32 v16, v35  }
0x14c: {  	v38 =	vor.u32 v17, v35;
	_ =	sdelay $0x3  }
0x14d: {  	[tilespmem:v37+s7+$0x0] =	vst.idx.msk $0xffff, v36  }
0x14e: {  	v36 =	vld.idx.msk [tilespmem:v38+s10+$0x0], $0xffff  }
0x14f: {  	v37 =	vor.u32 v18, v35  }
0x150: {  	v38 =	vor.u32 v19, v35;
	_ =	sdelay $0x3  }
0x151: {  	[tilespmem:v37+s7+$0x0] =	vst.idx.msk $0xffff, v36  }
0x152: {  	v36 =	vld.idx.msk [tilespmem:v38+s10+$0x0], $0xffff  }
0x153: {  	v37 =	vor.u32 v20, v35  }
0x154: {  	v38 =	vor.u32 v21, v35;
	_ =	sdelay $0x3  }
0x155: {  	[tilespmem:v37+s7+$0x0] =	vst.idx.msk $0xffff, v36  }
0x156: {  	v36 =	vld.idx.msk [tilespmem:v38+s10+$0x0], $0xffff  }
0x157: {  	v37 =	vor.u32 v22, v35  }
0x158: {  	v38 =	vor.u32 v23, v35;
	_ =	sdelay $0x3  }
0x159: {  	[tilespmem:v37+s7+$0x0] =	vst.idx.msk $0xffff, v36  }
0x15a: {  	v36 =	vld.idx.msk [tilespmem:v38+s10+$0x0], $0xffff  }
0x15b: {  	v37 =	vor.u32 v24, v35  }
0x15c: {  	v38 =	vor.u32 v25, v35;
	_ =	sdelay $0x3  }
0x15d: {  	[tilespmem:v37+s7+$0x0] =	vst.idx.msk $0xffff, v36  }
0x15e: {  	v36 =	vld.idx.msk [tilespmem:v38+s10+$0x0], $0xffff  }
0x15f: {  	v37 =	vor.u32 v26, v35  }
0x160: {  	v38 =	vor.u32 v27, v35;
	_ =	sdelay $0x3  }
0x161: {  	[tilespmem:v37+s7+$0x0] =	vst.idx.msk $0xffff, v36  }
0x162: {  	v36 =	vld.idx.msk [tilespmem:v38+s10+$0x0], $0xffff  }
0x163: {  	v37 =	vor.u32 v28, v35  }
0x164: {  	v38 =	vor.u32 v29, v35;
	_ =	sdelay $0x3  }
0x165: {  	[tilespmem:v37+s7+$0x0] =	vst.idx.msk $0xffff, v36  }
0x166: {  	v36 =	vld.idx.msk [tilespmem:v38+s10+$0x0], $0xffff  }
0x167: {  	v37 =	vor.u32 v30, v35  }
0x168: {  	v38 =	vor.u32 v31, v35;
	_ =	sdelay $0x3  }
0x169: {  	[tilespmem:v37+s7+$0x0] =	vst.idx.msk $0xffff, v36  }
0x16a: {  	v37 =	vld.idx.msk [tilespmem:v38+s10+$0x0], $0xffff  }
.Ltmp0:
0x16b: {  	v38 =	vor.u32 v33, v35;
	(pc) =	sbr.rel @p0 .LBB2_2-.Ltmp0, $2  }
0x16c: {  	v36 =	vor.u32 v32, v35;
	_ =	sdelay $0x2  }
0x16d: {  	v39 =	vmov s22;
	s22 =	sadd.s32 $0x1, s22  }
0x16e: {  	_ =	sdelay $0x2  }
0x16f: {  	v40 =	vshll.u32 v39, $0x8;
	v62 =	vshll.u32 v39, $0x7  }
0x170: {  	[tilespmem:v38+s7+$0x0] =	vst.idx.msk $0xffff, v37;
	v63 =	vand.u32 $0x7800, v40;
	v40 =	vand.u32 $0x380, v62  }
0x171: {  	v35 =	vor.u32 v34, v35;
	v36 =	vld.idx.msk [tilespmem:v36+s10+$0x0], $0xffff;
	v37 =	vor.u32 v63, v40  }
0x172: {  	v38 =	vor.u32 v4, v37;
	_ =	sdelay $0x3  }
0x173: {  	[tilespmem:v35+s7+$0x0] =	vst.idx.msk $0xffff, v36  }
0x174: {  	v41 =	vor.u32 v0, v37;
	v35 =	vld.idx.msk [tilespmem:v38+s10+$0x0], $0xffff  }
0x175: {  	v42 =	vor.u32 v5, v37;
	_ =	sdelay $0x3  }
0x176: {  	[tilespmem:v41+s7+$0x0] =	vst.idx.msk $0xffff, v35  }
0x177: {  	v43 =	vor.u32 v6, v37;
	v35 =	vld.idx.msk [tilespmem:v42+s10+$0x0], $0xffff  }
0x178: {  	v44 =	vor.u32 v7, v37;
	_ =	sdelay $0x3  }
0x179: {  	[tilespmem:v43+s7+$0x0] =	vst.idx.msk $0xffff, v35  }
0x17a: {  	v45 =	vor.u32 v8, v37;
	v35 =	vld.idx.msk [tilespmem:v44+s10+$0x0], $0xffff  }
0x17b: {  	v46 =	vor.u32 v9, v37;
	_ =	sdelay $0x3  }
0x17c: {  	[tilespmem:v45+s7+$0x0] =	vst.idx.msk $0xffff, v35  }
0x17d: {  	v47 =	vor.u32 v10, v37;
	v35 =	vld.idx.msk [tilespmem:v46+s10+$0x0], $0xffff  }
0x17e: {  	v48 =	vor.u32 v11, v37;
	_ =	sdelay $0x3  }
0x17f: {  	[tilespmem:v47+s7+$0x0] =	vst.idx.msk $0xffff, v35  }
0x180: {  	v49 =	vor.u32 v12, v37;
	v35 =	vld.idx.msk [tilespmem:v48+s10+$0x0], $0xffff  }
0x181: {  	v50 =	vor.u32 v13, v37;
	_ =	sdelay $0x3  }
0x182: {  	[tilespmem:v49+s7+$0x0] =	vst.idx.msk $0xffff, v35  }
0x183: {  	v51 =	vor.u32 v14, v37;
	v35 =	vld.idx.msk [tilespmem:v50+s10+$0x0], $0xffff  }
0x184: {  	v52 =	vor.u32 v15, v37;
	_ =	sdelay $0x3  }
0x185: {  	[tilespmem:v51+s7+$0x0] =	vst.idx.msk $0xffff, v35  }
0x186: {  	v53 =	vor.u32 v16, v37;
	v35 =	vld.idx.msk [tilespmem:v52+s10+$0x0], $0xffff  }
0x187: {  	v54 =	vor.u32 v17, v37;
	_ =	sdelay $0x3  }
0x188: {  	[tilespmem:v53+s7+$0x0] =	vst.idx.msk $0xffff, v35  }
0x189: {  	v55 =	vor.u32 v18, v37;
	v35 =	vld.idx.msk [tilespmem:v54+s10+$0x0], $0xffff  }
0x18a: {  	v56 =	vor.u32 v19, v37;
	_ =	sdelay $0x3  }
0x18b: {  	[tilespmem:v55+s7+$0x0] =	vst.idx.msk $0xffff, v35  }
0x18c: {  	v57 =	vor.u32 v20, v37;
	v35 =	vld.idx.msk [tilespmem:v56+s10+$0x0], $0xffff  }
0x18d: {  	v58 =	vor.u32 v21, v37;
	_ =	sdelay $0x3  }
0x18e: {  	[tilespmem:v57+s7+$0x0] =	vst.idx.msk $0xffff, v35  }
0x18f: {  	v59 =	vor.u32 v22, v37;
	v35 =	vld.idx.msk [tilespmem:v58+s10+$0x0], $0xffff  }
0x190: {  	v60 =	vor.u32 v23, v37;
	_ =	sdelay $0x3  }
0x191: {  	[tilespmem:v59+s7+$0x0] =	vst.idx.msk $0xffff, v35  }
0x192: {  	v61 =	vor.u32 v24, v37;
	v35 =	vld.idx.msk [tilespmem:v60+s10+$0x0], $0xffff  }
0x193: {  	v62 =	vor.u32 v25, v37;
	_ =	sdelay $0x3  }
0x194: {  	[tilespmem:v61+s7+$0x0] =	vst.idx.msk $0xffff, v35  }
0x195: {  	v63 =	vor.u32 v26, v37;
	v35 =	vld.idx.msk [tilespmem:v62+s10+$0x0], $0xffff  }
0x196: {  	v40 =	vor.u32 v27, v37;
	_ =	sdelay $0x3  }
0x197: {  	[tilespmem:v63+s7+$0x0] =	vst.idx.msk $0xffff, v35  }
0x198: {  	v41 =	vor.u32 v28, v37;
	v35 =	vld.idx.msk [tilespmem:v40+s10+$0x0], $0xffff  }
0x199: {  	v42 =	vor.u32 v29, v37;
	_ =	sdelay $0x3  }
0x19a: {  	[tilespmem:v41+s7+$0x0] =	vst.idx.msk $0xffff, v35  }
0x19b: {  	v43 =	vor.u32 v30, v37;
	v35 =	vld.idx.msk [tilespmem:v42+s10+$0x0], $0xffff  }
0x19c: {  	v44 =	vor.u32 v31, v37;
	_ =	sdelay $0x3  }
0x19d: {  	[tilespmem:v43+s7+$0x0] =	vst.idx.msk $0xffff, v35  }
0x19e: {  	v45 =	vor.u32 v33, v37;
	v35 =	vld.idx.msk [tilespmem:v44+s10+$0x0], $0xffff  }
0x19f: {  	v46 =	vor.u32 v32, v37;
	_ =	sdelay $0x3  }
0x1a0: {  	[tilespmem:v45+s7+$0x0] =	vst.idx.msk $0xffff, v35  }
0x1a1: {  	v47 =	vor.u32 v34, v37;
	v35 =	vld.idx.msk [tilespmem:v46+s10+$0x0], $0xffff;
	_ =	sdelay $0x4  }
0x1a2: {  	s22 =	simm.s32 $0x0;
	s8 =	rddreg [dreg:$0x3];
	[tilespmem:v47+s7+$0x0] =	vst.idx.msk $0xffff, v35  }
0x1a3: {  	[hbm4b:s8+s22] =	stream.linear.scatter [tilespmem:s7], [sflag:$0x3], $0x8000, $0x38;
	[tilespmem:$0x18200] =	vst v63  }
0x1a4: {  	_ =	swait.ge [sflag:s14], $0x8000  }
0x1a5: {  	[sflag:s14] =	ssyncset.done $0x0  }
0x1a6: {  	[sflag:s14] =	ssyncadd.s32 $0xFFFF8000  }
0x1a7: {  	v48 =	vld [tilespmem:$0x100];
	_ =	sdelay $0x4  }
0x1a8: {  	v49 =	vshll.u32 v48, $0x1  }
0x1a9: {  	v35 =	vand.u32 $0x7, v48;
	v36 =	vand.u32 $0xFFFFFFF0, v49  }
0x1aa: {  	v35 =	vor.u32 v35, v36  }
0x1ab: {  	v36 =	vperm.xlane v35, v1;
	_ =	sdelay $0x1  }
0x1ac: {  	v35 =	vperm.xlane v35, v3;
	v36 =	vadd.s32 v2, v36;
	_ =	sdelay $0x1  }
0x1ad: {  	v35 =	vadd.s32 v2, v35;
	_ =	sdelay $0x2  }
0x1ae: {  	[tilespmem:s10], [sflag:$0x1] =	stream.indirect_vreg.gather [hbm4b:s3+s22], $0x80, v36, vm0, $0xb8;
	[tilespmem:$0x18200] =	vst v63  }
0x1af: {  	s8 =	simm.s32 $0xA00  }
0x1b0: {  	[tilespmem:s8], [sflag:$0x1] =	stream.indirect_vreg.gather [hbm4b:s3+s22], $0x80, v35, vm0, $0xb8;
	[tilespmem:$0x18200] =	vst v63  }
0x1b1: {  	v35 =	vld [tilespmem:$0x110];
	_ =	sdelay $0x4  }
0x1b2: {  	v50 =	vshll.u32 v35, $0x1  }
0x1b3: {  	v35 =	vand.u32 $0x7, v35;
	v36 =	vand.u32 $0xFFFFFFF0, v50  }
0x1b4: {  	v35 =	vor.u32 v35, v36  }
0x1b5: {  	v36 =	vperm.xlane v35, v1;
	_ =	sdelay $0x1  }
0x1b6: {  	v35 =	vperm.xlane v35, v3;
	v36 =	vadd.s32 v2, v36;
	_ =	sdelay $0x1  }
0x1b7: {  	v35 =	vadd.s32 v2, v35;
	_ =	sdelay $0x1  }
0x1b8: {  	s8 =	simm.s32 $0x1200  }
0x1b9: {  	[tilespmem:s8], [sflag:$0x1] =	stream.indirect_vreg.gather [hbm4b:s3+s22], $0x80, v36, vm0, $0xb8;
	[tilespmem:$0x18200] =	vst v63  }
0x1ba: {  	s8 =	simm.s32 $0x1A00  }
0x1bb: {  	[tilespmem:s8], [sflag:$0x1] =	stream.indirect_vreg.gather [hbm4b:s3+s22], $0x80, v35, vm0, $0xb8;
	[tilespmem:$0x18200] =	vst v63  }
0x1bc: {  	v35 =	vld [tilespmem:$0x120];
	_ =	sdelay $0x4  }
0x1bd: {  	v51 =	vshll.u32 v35, $0x1  }
0x1be: {  	v35 =	vand.u32 $0x7, v35;
	v36 =	vand.u32 $0xFFFFFFF0, v51  }
0x1bf: {  	v35 =	vor.u32 v35, v36  }
0x1c0: {  	v36 =	vperm.xlane v35, v1;
	_ =	sdelay $0x1  }
0x1c1: {  	v35 =	vperm.xlane v35, v3;
	v36 =	vadd.s32 v2, v36;
	_ =	sdelay $0x1  }
0x1c2: {  	v35 =	vadd.s32 v2, v35;
	_ =	sdelay $0x1  }
0x1c3: {  	s8 =	simm.s32 $0x2200  }
0x1c4: {  	[tilespmem:s8], [sflag:$0x1] =	stream.indirect_vreg.gather [hbm4b:s3+s22], $0x80, v36, vm0, $0xb8;
	[tilespmem:$0x18200] =	vst v63  }
0x1c5: {  	s8 =	simm.s32 $0x2A00  }
0x1c6: {  	[tilespmem:s8], [sflag:$0x1] =	stream.indirect_vreg.gather [hbm4b:s3+s22], $0x80, v35, vm0, $0xb8;
	[tilespmem:$0x18200] =	vst v63  }
0x1c7: {  	v35 =	vld [tilespmem:$0x130];
	_ =	sdelay $0x4  }
0x1c8: {  	v52 =	vshll.u32 v35, $0x1  }
0x1c9: {  	v35 =	vand.u32 $0x7, v35;
	v36 =	vand.u32 $0xFFFFFFF0, v52  }
0x1ca: {  	v35 =	vor.u32 v35, v36  }
0x1cb: {  	v36 =	vperm.xlane v35, v1;
	_ =	sdelay $0x1  }
0x1cc: {  	v35 =	vperm.xlane v35, v3;
	v36 =	vadd.s32 v2, v36;
	_ =	sdelay $0x1  }
0x1cd: {  	v35 =	vadd.s32 v2, v35;
	_ =	sdelay $0x1  }
0x1ce: {  	s8 =	simm.s32 $0x3200  }
0x1cf: {  	[tilespmem:s8], [sflag:$0x1] =	stream.indirect_vreg.gather [hbm4b:s3+s22], $0x80, v36, vm0, $0xb8;
	[tilespmem:$0x18200] =	vst v63  }
0x1d0: {  	s8 =	simm.s32 $0x3A00  }
0x1d1: {  	[tilespmem:s8], [sflag:$0x1] =	stream.indirect_vreg.gather [hbm4b:s3+s22], $0x80, v35, vm0, $0xb8;
	[tilespmem:$0x18200] =	vst v63  }
0x1d2: {  	v35 =	vld [tilespmem:$0x140];
	_ =	sdelay $0x4  }
0x1d3: {  	v53 =	vshll.u32 v35, $0x1  }
0x1d4: {  	v35 =	vand.u32 $0x7, v35;
	v36 =	vand.u32 $0xFFFFFFF0, v53  }
0x1d5: {  	v35 =	vor.u32 v35, v36  }
0x1d6: {  	v36 =	vperm.xlane v35, v1;
	_ =	sdelay $0x1  }
0x1d7: {  	v35 =	vperm.xlane v35, v3;
	v36 =	vadd.s32 v2, v36;
	_ =	sdelay $0x1  }
0x1d8: {  	v35 =	vadd.s32 v2, v35;
	_ =	sdelay $0x1  }
0x1d9: {  	s8 =	simm.s32 $0x4200  }
0x1da: {  	[tilespmem:s8], [sflag:$0x1] =	stream.indirect_vreg.gather [hbm4b:s3+s22], $0x80, v36, vm0, $0xb8;
	[tilespmem:$0x18200] =	vst v63  }
0x1db: {  	s8 =	simm.s32 $0x4A00  }
0x1dc: {  	[tilespmem:s8], [sflag:$0x1] =	stream.indirect_vreg.gather [hbm4b:s3+s22], $0x80, v35, vm0, $0xb8;
	[tilespmem:$0x18200] =	vst v63  }
0x1dd: {  	v35 =	vld [tilespmem:$0x150];
	_ =	sdelay $0x4  }
0x1de: {  	v54 =	vshll.u32 v35, $0x1  }
0x1df: {  	v35 =	vand.u32 $0x7, v35;
	v36 =	vand.u32 $0xFFFFFFF0, v54  }
0x1e0: {  	v35 =	vor.u32 v35, v36  }
0x1e1: {  	v36 =	vperm.xlane v35, v1;
	_ =	sdelay $0x1  }
0x1e2: {  	v35 =	vperm.xlane v35, v3;
	v36 =	vadd.s32 v2, v36;
	_ =	sdelay $0x1  }
0x1e3: {  	v35 =	vadd.s32 v2, v35;
	_ =	sdelay $0x1  }
0x1e4: {  	s8 =	simm.s32 $0x5200  }
0x1e5: {  	[tilespmem:s8], [sflag:$0x1] =	stream.indirect_vreg.gather [hbm4b:s3+s22], $0x80, v36, vm0, $0xb8;
	[tilespmem:$0x18200] =	vst v63  }
0x1e6: {  	s8 =	simm.s32 $0x5A00  }
0x1e7: {  	[tilespmem:s8], [sflag:$0x1] =	stream.indirect_vreg.gather [hbm4b:s3+s22], $0x80, v35, vm0, $0xb8;
	[tilespmem:$0x18200] =	vst v63  }
0x1e8: {  	v35 =	vld [tilespmem:$0x160];
	_ =	sdelay $0x4  }
0x1e9: {  	v55 =	vshll.u32 v35, $0x1  }
0x1ea: {  	v35 =	vand.u32 $0x7, v35;
	v36 =	vand.u32 $0xFFFFFFF0, v55  }
0x1eb: {  	v35 =	vor.u32 v35, v36  }
0x1ec: {  	v36 =	vperm.xlane v35, v1;
	_ =	sdelay $0x1  }
0x1ed: {  	v35 =	vperm.xlane v35, v3;
	v36 =	vadd.s32 v2, v36;
	_ =	sdelay $0x1  }
0x1ee: {  	v35 =	vadd.s32 v2, v35;
	_ =	sdelay $0x2  }
0x1ef: {  	[tilespmem:s23], [sflag:$0x1] =	stream.indirect_vreg.gather [hbm4b:s3+s22], $0x80, v36, vm0, $0xb8;
	[tilespmem:$0x18200] =	vst v63  }
0x1f0: {  	_ = 	snop  }
0x1f1: {  	[tilespmem:s24], [sflag:$0x1] =	stream.indirect_vreg.gather [hbm4b:s3+s22], $0x80, v35, vm0, $0xb8;
	[tilespmem:$0x18200] =	vst v63  }
0x1f2: {  	v35 =	vld [tilespmem:$0x170];
	_ =	sdelay $0x4  }
0x1f3: {  	v56 =	vshll.u32 v35, $0x1  }
0x1f4: {  	v35 =	vand.u32 $0x7, v35;
	v36 =	vand.u32 $0xFFFFFFF0, v56  }
0x1f5: {  	v35 =	vor.u32 v35, v36  }
0x1f6: {  	v36 =	vperm.xlane v35, v1;
	_ =	sdelay $0x1  }
0x1f7: {  	v35 =	vperm.xlane v35, v3;
	v36 =	vadd.s32 v2, v36;
	_ =	sdelay $0x1  }
0x1f8: {  	v58 =	vmov s22;
	v57 =	vadd.s32 v2, v35  }
0x1f9: {  	v59 =	vshll.u32 v58, $0x8;
	v35 =	vshll.u32 v58, $0x7  }
0x1fa: {  	v38 =	vand.u32 $0x7800, v59;
	v35 =	vand.u32 $0x380, v35  }
0x1fb: {  	v35 =	vor.u32 v38, v35;
	[tilespmem:s25], [sflag:$0x1] =	stream.indirect_vreg.gather [hbm4b:s3+s22], $0x80, v36, vm0, $0xb8;
	[tilespmem:$0x18200] =	vst v63  }
0x1fc: {  	v60 =	vor.u32 v4, v35  }
0x1fd: {  	[tilespmem:s26], [sflag:$0x1] =	stream.indirect_vreg.gather [hbm4b:s3+s22], $0x80, v57, vm0, $0xb8;
	[tilespmem:$0x18200] =	vst v63  }
0x1fe: {  	_ =	swait.ge [sflag:s20], $0x8000  }
0x1ff: {  	[sflag:s20] =	ssyncset.done $0x0  }
0x200: {  	[sflag:s20] =	ssyncadd.s32 $0xFFFF8000  }
0x201: {  	v61 =	vor.u32 v0, v35;
	v36 =	vld.idx.msk [tilespmem:v60+s28+$0x0], $0xffff  }
0x202: {  	v38 =	vor.u32 v5, v35;
	_ =	sdelay $0x3  }
0x203: {  	[tilespmem:v61+s7+$0x0] =	vst.idx.msk $0xffff, v36  }
0x204: {  	v62 =	vor.u32 v6, v35;
	v36 =	vld.idx.msk [tilespmem:v38+s28+$0x0], $0xffff  }
0x205: {  	v63 =	vor.u32 v7, v35;
	_ =	sdelay $0x3  }
0x206: {  	[tilespmem:v62+s7+$0x0] =	vst.idx.msk $0xffff, v36  }
0x207: {  	v40 =	vor.u32 v8, v35;
	v36 =	vld.idx.msk [tilespmem:v63+s28+$0x0], $0xffff  }
0x208: {  	v41 =	vor.u32 v9, v35;
	_ =	sdelay $0x3  }
0x209: {  	[tilespmem:v40+s7+$0x0] =	vst.idx.msk $0xffff, v36  }
0x20a: {  	v42 =	vor.u32 v10, v35;
	v36 =	vld.idx.msk [tilespmem:v41+s28+$0x0], $0xffff  }
0x20b: {  	v43 =	vor.u32 v11, v35;
	_ =	sdelay $0x3  }
0x20c: {  	[tilespmem:v42+s7+$0x0] =	vst.idx.msk $0xffff, v36  }
0x20d: {  	v44 =	vor.u32 v12, v35;
	v36 =	vld.idx.msk [tilespmem:v43+s28+$0x0], $0xffff  }
0x20e: {  	v45 =	vor.u32 v13, v35;
	_ =	sdelay $0x3  }
0x20f: {  	[tilespmem:v44+s7+$0x0] =	vst.idx.msk $0xffff, v36  }
0x210: {  	v46 =	vor.u32 v14, v35;
	v36 =	vld.idx.msk [tilespmem:v45+s28+$0x0], $0xffff  }
0x211: {  	v47 =	vor.u32 v15, v35;
	_ =	sdelay $0x3  }
0x212: {  	[tilespmem:v46+s7+$0x0] =	vst.idx.msk $0xffff, v36  }
0x213: {  	v48 =	vor.u32 v16, v35;
	v36 =	vld.idx.msk [tilespmem:v47+s28+$0x0], $0xffff  }
0x214: {  	v49 =	vor.u32 v17, v35;
	_ =	sdelay $0x3  }
0x215: {  	[tilespmem:v48+s7+$0x0] =	vst.idx.msk $0xffff, v36  }
0x216: {  	v50 =	vor.u32 v18, v35;
	v36 =	vld.idx.msk [tilespmem:v49+s28+$0x0], $0xffff  }
0x217: {  	v51 =	vor.u32 v19, v35;
	_ =	sdelay $0x3  }
0x218: {  	[tilespmem:v50+s7+$0x0] =	vst.idx.msk $0xffff, v36  }
0x219: {  	v52 =	vor.u32 v20, v35;
	v36 =	vld.idx.msk [tilespmem:v51+s28+$0x0], $0xffff  }
0x21a: {  	v53 =	vor.u32 v21, v35;
	_ =	sdelay $0x3  }
0x21b: {  	[tilespmem:v52+s7+$0x0] =	vst.idx.msk $0xffff, v36  }
0x21c: {  	v54 =	vor.u32 v22, v35;
	v36 =	vld.idx.msk [tilespmem:v53+s28+$0x0], $0xffff  }
0x21d: {  	v55 =	vor.u32 v23, v35;
	_ =	sdelay $0x3  }
0x21e: {  	[tilespmem:v54+s7+$0x0] =	vst.idx.msk $0xffff, v36  }
0x21f: {  	v56 =	vor.u32 v24, v35;
	v36 =	vld.idx.msk [tilespmem:v55+s28+$0x0], $0xffff  }
0x220: {  	v57 =	vor.u32 v25, v35;
	_ =	sdelay $0x3  }
0x221: {  	[tilespmem:v56+s7+$0x0] =	vst.idx.msk $0xffff, v36  }
0x222: {  	v58 =	vor.u32 v26, v35;
	v36 =	vld.idx.msk [tilespmem:v57+s28+$0x0], $0xffff  }
0x223: {  	v59 =	vor.u32 v27, v35;
	_ =	sdelay $0x3  }
0x224: {  	[tilespmem:v58+s7+$0x0] =	vst.idx.msk $0xffff, v36  }
0x225: {  	v60 =	vor.u32 v28, v35;
	v36 =	vld.idx.msk [tilespmem:v59+s28+$0x0], $0xffff  }
0x226: {  	v61 =	vor.u32 v29, v35;
	_ =	sdelay $0x3  }
0x227: {  	[tilespmem:v60+s7+$0x0] =	vst.idx.msk $0xffff, v36  }
0x228: {  	v62 =	vor.u32 v30, v35;
	v36 =	vld.idx.msk [tilespmem:v61+s28+$0x0], $0xffff  }
0x229: {  	v63 =	vor.u32 v31, v35;
	_ =	sdelay $0x3  }
0x22a: {  	[tilespmem:v62+s7+$0x0] =	vst.idx.msk $0xffff, v36  }
0x22b: {  	v38 =	vor.u32 v33, v35;
	v37 =	vld.idx.msk [tilespmem:v63+s28+$0x0], $0xffff  }
0x22c: {  	v36 =	vor.u32 v32, v35;
	_ =	sdelay $0x1  }
0x22d: {  	s8 =	simm.s32 $0x1  }
0x22e: {  	v39 =	vmov s8;
	s22 =	simm.s32 $0x2  }
.LBB2_4:
0x22f: {  	p0 =	sne.s32 s22, $0x7F;
	v40 =	vshll.u32 v39, $0x8;
	v39 =	vshll.u32 v39, $0x7;
	[tilespmem:v38+s7+$0x0] =	vst.idx.msk $0xffff, v37  }
0x230: {  	v37 =	vand.u32 $0x7800, v40;
	v38 =	vand.u32 $0x380, v39;
	v36 =	vld.idx.msk [tilespmem:v36+s28+$0x0], $0xffff  }
0x231: {  	v39 =	vor.u32 v34, v35;
	v35 =	vor.u32 v37, v38  }
0x232: {  	v37 =	vor.u32 v4, v35;
	_ =	sdelay $0x3  }
0x233: {  	[tilespmem:v39+s7+$0x0] =	vst.idx.msk $0xffff, v36  }
0x234: {  	v36 =	vld.idx.msk [tilespmem:v37+s28+$0x0], $0xffff  }
0x235: {  	v37 =	vor.u32 v0, v35  }
0x236: {  	v38 =	vor.u32 v5, v35;
	_ =	sdelay $0x3  }
0x237: {  	[tilespmem:v37+s7+$0x0] =	vst.idx.msk $0xffff, v36  }
0x238: {  	v36 =	vld.idx.msk [tilespmem:v38+s28+$0x0], $0xffff  }
0x239: {  	v37 =	vor.u32 v6, v35  }
0x23a: {  	v38 =	vor.u32 v7, v35;
	_ =	sdelay $0x3  }
0x23b: {  	[tilespmem:v37+s7+$0x0] =	vst.idx.msk $0xffff, v36  }
0x23c: {  	v36 =	vld.idx.msk [tilespmem:v38+s28+$0x0], $0xffff  }
0x23d: {  	v37 =	vor.u32 v8, v35  }
0x23e: {  	v38 =	vor.u32 v9, v35;
	_ =	sdelay $0x3  }
0x23f: {  	[tilespmem:v37+s7+$0x0] =	vst.idx.msk $0xffff, v36  }
0x240: {  	v36 =	vld.idx.msk [tilespmem:v38+s28+$0x0], $0xffff  }
0x241: {  	v37 =	vor.u32 v10, v35  }
0x242: {  	v38 =	vor.u32 v11, v35;
	_ =	sdelay $0x3  }
0x243: {  	[tilespmem:v37+s7+$0x0] =	vst.idx.msk $0xffff, v36  }
0x244: {  	v36 =	vld.idx.msk [tilespmem:v38+s28+$0x0], $0xffff  }
0x245: {  	v37 =	vor.u32 v12, v35  }
0x246: {  	v38 =	vor.u32 v13, v35;
	_ =	sdelay $0x3  }
0x247: {  	[tilespmem:v37+s7+$0x0] =	vst.idx.msk $0xffff, v36  }
0x248: {  	v36 =	vld.idx.msk [tilespmem:v38+s28+$0x0], $0xffff  }
0x249: {  	v37 =	vor.u32 v14, v35  }
0x24a: {  	v38 =	vor.u32 v15, v35;
	_ =	sdelay $0x3  }
0x24b: {  	[tilespmem:v37+s7+$0x0] =	vst.idx.msk $0xffff, v36  }
0x24c: {  	v36 =	vld.idx.msk [tilespmem:v38+s28+$0x0], $0xffff  }
0x24d: {  	v37 =	vor.u32 v16, v35  }
0x24e: {  	v38 =	vor.u32 v17, v35;
	_ =	sdelay $0x3  }
0x24f: {  	[tilespmem:v37+s7+$0x0] =	vst.idx.msk $0xffff, v36  }
0x250: {  	v36 =	vld.idx.msk [tilespmem:v38+s28+$0x0], $0xffff  }
0x251: {  	v37 =	vor.u32 v18, v35  }
0x252: {  	v38 =	vor.u32 v19, v35;
	_ =	sdelay $0x3  }
0x253: {  	[tilespmem:v37+s7+$0x0] =	vst.idx.msk $0xffff, v36  }
0x254: {  	v36 =	vld.idx.msk [tilespmem:v38+s28+$0x0], $0xffff  }
0x255: {  	v37 =	vor.u32 v20, v35  }
0x256: {  	v38 =	vor.u32 v21, v35;
	_ =	sdelay $0x3  }
0x257: {  	[tilespmem:v37+s7+$0x0] =	vst.idx.msk $0xffff, v36  }
0x258: {  	v36 =	vld.idx.msk [tilespmem:v38+s28+$0x0], $0xffff  }
0x259: {  	v37 =	vor.u32 v22, v35  }
0x25a: {  	v38 =	vor.u32 v23, v35;
	_ =	sdelay $0x3  }
0x25b: {  	[tilespmem:v37+s7+$0x0] =	vst.idx.msk $0xffff, v36  }
0x25c: {  	v36 =	vld.idx.msk [tilespmem:v38+s28+$0x0], $0xffff  }
0x25d: {  	v37 =	vor.u32 v24, v35  }
0x25e: {  	v38 =	vor.u32 v25, v35;
	_ =	sdelay $0x3  }
0x25f: {  	[tilespmem:v37+s7+$0x0] =	vst.idx.msk $0xffff, v36  }
0x260: {  	v36 =	vld.idx.msk [tilespmem:v38+s28+$0x0], $0xffff  }
0x261: {  	v37 =	vor.u32 v26, v35  }
0x262: {  	v38 =	vor.u32 v27, v35;
	_ =	sdelay $0x3  }
0x263: {  	[tilespmem:v37+s7+$0x0] =	vst.idx.msk $0xffff, v36  }
0x264: {  	v36 =	vld.idx.msk [tilespmem:v38+s28+$0x0], $0xffff  }
0x265: {  	v37 =	vor.u32 v28, v35  }
0x266: {  	v38 =	vor.u32 v29, v35;
	_ =	sdelay $0x3  }
0x267: {  	[tilespmem:v37+s7+$0x0] =	vst.idx.msk $0xffff, v36  }
0x268: {  	v36 =	vld.idx.msk [tilespmem:v38+s28+$0x0], $0xffff  }
0x269: {  	v37 =	vor.u32 v30, v35  }
0x26a: {  	v38 =	vor.u32 v31, v35;
	_ =	sdelay $0x3  }
0x26b: {  	[tilespmem:v37+s7+$0x0] =	vst.idx.msk $0xffff, v36  }
0x26c: {  	v37 =	vld.idx.msk [tilespmem:v38+s28+$0x0], $0xffff  }
.Ltmp1:
0x26d: {  	v38 =	vor.u32 v33, v35;
	(pc) =	sbr.rel @p0 .LBB2_4-.Ltmp1, $2  }
0x26e: {  	v36 =	vor.u32 v32, v35;
	_ =	sdelay $0x2  }
0x26f: {  	v39 =	vmov s22;
	s22 =	sadd.s32 $0x1, s22  }
0x270: {  	_ =	sdelay $0x2  }
0x271: {  	v40 =	vshll.u32 v39, $0x8;
	v62 =	vshll.u32 v39, $0x7  }
0x272: {  	[tilespmem:v38+s7+$0x0] =	vst.idx.msk $0xffff, v37;
	v63 =	vand.u32 $0x7800, v40;
	v40 =	vand.u32 $0x380, v62  }
0x273: {  	v35 =	vor.u32 v34, v35;
	v36 =	vld.idx.msk [tilespmem:v36+s28+$0x0], $0xffff;
	v37 =	vor.u32 v63, v40  }
0x274: {  	v38 =	vor.u32 v4, v37;
	_ =	sdelay $0x3  }
0x275: {  	[tilespmem:v35+s7+$0x0] =	vst.idx.msk $0xffff, v36  }
0x276: {  	v41 =	vor.u32 v0, v37;
	v35 =	vld.idx.msk [tilespmem:v38+s28+$0x0], $0xffff  }
0x277: {  	v42 =	vor.u32 v5, v37;
	_ =	sdelay $0x3  }
0x278: {  	[tilespmem:v41+s7+$0x0] =	vst.idx.msk $0xffff, v35  }
0x279: {  	v43 =	vor.u32 v6, v37;
	v35 =	vld.idx.msk [tilespmem:v42+s28+$0x0], $0xffff  }
0x27a: {  	v44 =	vor.u32 v7, v37;
	_ =	sdelay $0x3  }
0x27b: {  	[tilespmem:v43+s7+$0x0] =	vst.idx.msk $0xffff, v35  }
0x27c: {  	v45 =	vor.u32 v8, v37;
	v35 =	vld.idx.msk [tilespmem:v44+s28+$0x0], $0xffff  }
0x27d: {  	v46 =	vor.u32 v9, v37;
	_ =	sdelay $0x3  }
0x27e: {  	[tilespmem:v45+s7+$0x0] =	vst.idx.msk $0xffff, v35  }
0x27f: {  	v47 =	vor.u32 v10, v37;
	v35 =	vld.idx.msk [tilespmem:v46+s28+$0x0], $0xffff  }
0x280: {  	v48 =	vor.u32 v11, v37;
	_ =	sdelay $0x3  }
0x281: {  	[tilespmem:v47+s7+$0x0] =	vst.idx.msk $0xffff, v35  }
0x282: {  	v49 =	vor.u32 v12, v37;
	v35 =	vld.idx.msk [tilespmem:v48+s28+$0x0], $0xffff  }
0x283: {  	v50 =	vor.u32 v13, v37;
	_ =	sdelay $0x3  }
0x284: {  	[tilespmem:v49+s7+$0x0] =	vst.idx.msk $0xffff, v35  }
0x285: {  	v51 =	vor.u32 v14, v37;
	v35 =	vld.idx.msk [tilespmem:v50+s28+$0x0], $0xffff  }
0x286: {  	v52 =	vor.u32 v15, v37;
	_ =	sdelay $0x3  }
0x287: {  	[tilespmem:v51+s7+$0x0] =	vst.idx.msk $0xffff, v35  }
0x288: {  	v53 =	vor.u32 v16, v37;
	v35 =	vld.idx.msk [tilespmem:v52+s28+$0x0], $0xffff  }
0x289: {  	v54 =	vor.u32 v17, v37;
	_ =	sdelay $0x3  }
0x28a: {  	[tilespmem:v53+s7+$0x0] =	vst.idx.msk $0xffff, v35  }
0x28b: {  	v55 =	vor.u32 v18, v37;
	v35 =	vld.idx.msk [tilespmem:v54+s28+$0x0], $0xffff  }
0x28c: {  	v56 =	vor.u32 v19, v37;
	_ =	sdelay $0x3  }
0x28d: {  	[tilespmem:v55+s7+$0x0] =	vst.idx.msk $0xffff, v35  }
0x28e: {  	v57 =	vor.u32 v20, v37;
	v35 =	vld.idx.msk [tilespmem:v56+s28+$0x0], $0xffff  }
0x28f: {  	v58 =	vor.u32 v21, v37;
	_ =	sdelay $0x3  }
0x290: {  	[tilespmem:v57+s7+$0x0] =	vst.idx.msk $0xffff, v35  }
0x291: {  	v59 =	vor.u32 v22, v37;
	v35 =	vld.idx.msk [tilespmem:v58+s28+$0x0], $0xffff  }
0x292: {  	v60 =	vor.u32 v23, v37;
	_ =	sdelay $0x3  }
0x293: {  	[tilespmem:v59+s7+$0x0] =	vst.idx.msk $0xffff, v35  }
0x294: {  	v61 =	vor.u32 v24, v37;
	v35 =	vld.idx.msk [tilespmem:v60+s28+$0x0], $0xffff  }
0x295: {  	v62 =	vor.u32 v25, v37;
	_ =	sdelay $0x3  }
0x296: {  	[tilespmem:v61+s7+$0x0] =	vst.idx.msk $0xffff, v35  }
0x297: {  	v63 =	vor.u32 v26, v37;
	v35 =	vld.idx.msk [tilespmem:v62+s28+$0x0], $0xffff  }
0x298: {  	v40 =	vor.u32 v27, v37;
	_ =	sdelay $0x3  }
0x299: {  	[tilespmem:v63+s7+$0x0] =	vst.idx.msk $0xffff, v35  }
0x29a: {  	v41 =	vor.u32 v28, v37;
	v35 =	vld.idx.msk [tilespmem:v40+s28+$0x0], $0xffff  }
0x29b: {  	v42 =	vor.u32 v29, v37;
	_ =	sdelay $0x3  }
0x29c: {  	[tilespmem:v41+s7+$0x0] =	vst.idx.msk $0xffff, v35  }
0x29d: {  	v43 =	vor.u32 v30, v37;
	v35 =	vld.idx.msk [tilespmem:v42+s28+$0x0], $0xffff  }
0x29e: {  	v44 =	vor.u32 v31, v37;
	_ =	sdelay $0x3  }
0x29f: {  	[tilespmem:v43+s7+$0x0] =	vst.idx.msk $0xffff, v35  }
0x2a0: {  	v45 =	vor.u32 v33, v37;
	v35 =	vld.idx.msk [tilespmem:v44+s28+$0x0], $0xffff  }
0x2a1: {  	v46 =	vor.u32 v32, v37;
	_ =	sdelay $0x3  }
0x2a2: {  	[tilespmem:v45+s7+$0x0] =	vst.idx.msk $0xffff, v35  }
0x2a3: {  	v47 =	vor.u32 v34, v37;
	v35 =	vld.idx.msk [tilespmem:v46+s28+$0x0], $0xffff;
	_ =	sdelay $0x4  }
0x2a4: {  	s22 =	simm.s32 $0x0;
	s8 =	rddreg [dreg:$0x4];
	[tilespmem:v47+s7+$0x0] =	vst.idx.msk $0xffff, v35  }
0x2a5: {  	[hbm4b:s8+s22] =	stream.linear.scatter [tilespmem:s7], [sflag:$0x3], $0x8000, $0x38;
	[tilespmem:$0x18200] =	vst v63  }
0x2a6: {  	_ =	swait.ge [sflag:s14], $0x8000  }
0x2a7: {  	[sflag:s14] =	ssyncset.done $0x0  }
0x2a8: {  	[sflag:s14] =	ssyncadd.s32 $0xFFFF8000  }
0x2a9: {  	v48 =	vld [tilespmem:$0x180];
	_ =	sdelay $0x4  }
0x2aa: {  	v49 =	vshll.u32 v48, $0x1  }
0x2ab: {  	v35 =	vand.u32 $0x7, v48;
	v36 =	vand.u32 $0xFFFFFFF0, v49  }
0x2ac: {  	v35 =	vor.u32 v35, v36  }
0x2ad: {  	v36 =	vperm.xlane v35, v1;
	_ =	sdelay $0x1  }
0x2ae: {  	v35 =	vperm.xlane v35, v3;
	v36 =	vadd.s32 v2, v36;
	_ =	sdelay $0x1  }
0x2af: {  	v35 =	vadd.s32 v2, v35;
	_ =	sdelay $0x2  }
0x2b0: {  	[tilespmem:s28], [sflag:$0x2] =	stream.indirect_vreg.gather [hbm4b:s3+s22], $0x80, v36, vm0, $0xb8;
	[tilespmem:$0x18200] =	vst v63  }
0x2b1: {  	_ = 	snop  }
0x2b2: {  	[tilespmem:s29], [sflag:$0x2] =	stream.indirect_vreg.gather [hbm4b:s3+s22], $0x80, v35, vm0, $0xb8;
	[tilespmem:$0x18200] =	vst v63  }
0x2b3: {  	v35 =	vld [tilespmem:$0x190];
	_ =	sdelay $0x4  }
0x2b4: {  	v50 =	vshll.u32 v35, $0x1  }
0x2b5: {  	v35 =	vand.u32 $0x7, v35;
	v36 =	vand.u32 $0xFFFFFFF0, v50  }
0x2b6: {  	v35 =	vor.u32 v35, v36  }
0x2b7: {  	v36 =	vperm.xlane v35, v1;
	_ =	sdelay $0x1  }
0x2b8: {  	v35 =	vperm.xlane v35, v3;
	v36 =	vadd.s32 v2, v36;
	_ =	sdelay $0x1  }
0x2b9: {  	v35 =	vadd.s32 v2, v35;
	_ =	sdelay $0x2  }
0x2ba: {  	[tilespmem:s30], [sflag:$0x2] =	stream.indirect_vreg.gather [hbm4b:s3+s22], $0x80, v36, vm0, $0xb8;
	[tilespmem:$0x18200] =	vst v63  }
0x2bb: {  	_ = 	snop  }
0x2bc: {  	[tilespmem:s31], [sflag:$0x2] =	stream.indirect_vreg.gather [hbm4b:s3+s22], $0x80, v35, vm0, $0xb8;
	[tilespmem:$0x18200] =	vst v63  }
0x2bd: {  	v35 =	vld [tilespmem:$0x1A0];
	_ =	sdelay $0x4  }
0x2be: {  	v51 =	vshll.u32 v35, $0x1  }
0x2bf: {  	v35 =	vand.u32 $0x7, v35;
	v36 =	vand.u32 $0xFFFFFFF0, v51  }
0x2c0: {  	v35 =	vor.u32 v35, v36  }
0x2c1: {  	v36 =	vperm.xlane v35, v1;
	_ =	sdelay $0x1  }
0x2c2: {  	v35 =	vperm.xlane v35, v3;
	v36 =	vadd.s32 v2, v36;
	_ =	sdelay $0x1  }
0x2c3: {  	v35 =	vadd.s32 v2, v35;
	_ =	sdelay $0x2  }
0x2c4: {  	[tilespmem:s0], [sflag:$0x2] =	stream.indirect_vreg.gather [hbm4b:s3+s22], $0x80, v36, vm0, $0xb8;
	[tilespmem:$0x18200] =	vst v63  }
0x2c5: {  	_ = 	snop  }
0x2c6: {  	[tilespmem:s1], [sflag:$0x2] =	stream.indirect_vreg.gather [hbm4b:s3+s22], $0x80, v35, vm0, $0xb8;
	[tilespmem:$0x18200] =	vst v63  }
0x2c7: {  	v35 =	vld [tilespmem:$0x1B0];
	_ =	sdelay $0x4  }
0x2c8: {  	v52 =	vshll.u32 v35, $0x1  }
0x2c9: {  	v35 =	vand.u32 $0x7, v35;
	v36 =	vand.u32 $0xFFFFFFF0, v52  }
0x2ca: {  	v35 =	vor.u32 v35, v36  }
0x2cb: {  	v36 =	vperm.xlane v35, v1;
	_ =	sdelay $0x1  }
0x2cc: {  	v35 =	vperm.xlane v35, v3;
	v36 =	vadd.s32 v2, v36;
	_ =	sdelay $0x1  }
0x2cd: {  	v35 =	vadd.s32 v2, v35;
	_ =	sdelay $0x2  }
0x2ce: {  	[tilespmem:s11], [sflag:$0x2] =	stream.indirect_vreg.gather [hbm4b:s3+s22], $0x80, v36, vm0, $0xb8;
	[tilespmem:$0x18200] =	vst v63  }
0x2cf: {  	_ = 	snop  }
0x2d0: {  	[tilespmem:s12], [sflag:$0x2] =	stream.indirect_vreg.gather [hbm4b:s3+s22], $0x80, v35, vm0, $0xb8;
	[tilespmem:$0x18200] =	vst v63  }
0x2d1: {  	v35 =	vld [tilespmem:$0x1C0];
	_ =	sdelay $0x4  }
0x2d2: {  	v53 =	vshll.u32 v35, $0x1  }
0x2d3: {  	v35 =	vand.u32 $0x7, v35;
	v36 =	vand.u32 $0xFFFFFFF0, v53  }
0x2d4: {  	v35 =	vor.u32 v35, v36  }
0x2d5: {  	v36 =	vperm.xlane v35, v1;
	_ =	sdelay $0x1  }
0x2d6: {  	v35 =	vperm.xlane v35, v3;
	v36 =	vadd.s32 v2, v36;
	_ =	sdelay $0x1  }
0x2d7: {  	v35 =	vadd.s32 v2, v35;
	_ =	sdelay $0x2  }
0x2d8: {  	[tilespmem:s13], [sflag:$0x2] =	stream.indirect_vreg.gather [hbm4b:s3+s22], $0x80, v36, vm0, $0xb8;
	[tilespmem:$0x18200] =	vst v63  }
0x2d9: {  	_ = 	snop  }
0x2da: {  	[tilespmem:s4], [sflag:$0x2] =	stream.indirect_vreg.gather [hbm4b:s3+s22], $0x80, v35, vm0, $0xb8;
	[tilespmem:$0x18200] =	vst v63  }
0x2db: {  	v35 =	vld [tilespmem:$0x1D0];
	_ =	sdelay $0x4  }
0x2dc: {  	v54 =	vshll.u32 v35, $0x1  }
0x2dd: {  	v35 =	vand.u32 $0x7, v35;
	v36 =	vand.u32 $0xFFFFFFF0, v54  }
0x2de: {  	v35 =	vor.u32 v35, v36  }
0x2df: {  	v36 =	vperm.xlane v35, v1;
	_ =	sdelay $0x1  }
0x2e0: {  	v35 =	vperm.xlane v35, v3;
	v36 =	vadd.s32 v2, v36;
	_ =	sdelay $0x1  }
0x2e1: {  	v35 =	vadd.s32 v2, v35;
	_ =	sdelay $0x2  }
0x2e2: {  	[tilespmem:s15], [sflag:$0x2] =	stream.indirect_vreg.gather [hbm4b:s3+s22], $0x80, v36, vm0, $0xb8;
	[tilespmem:$0x18200] =	vst v63  }
0x2e3: {  	_ = 	snop  }
0x2e4: {  	[tilespmem:s16], [sflag:$0x2] =	stream.indirect_vreg.gather [hbm4b:s3+s22], $0x80, v35, vm0, $0xb8;
	[tilespmem:$0x18200] =	vst v63  }
0x2e5: {  	v35 =	vld [tilespmem:$0x1E0];
	_ =	sdelay $0x4  }
0x2e6: {  	v55 =	vshll.u32 v35, $0x1  }
0x2e7: {  	v35 =	vand.u32 $0x7, v35;
	v36 =	vand.u32 $0xFFFFFFF0, v55  }
0x2e8: {  	v35 =	vor.u32 v35, v36  }
0x2e9: {  	v36 =	vperm.xlane v35, v1;
	_ =	sdelay $0x1  }
0x2ea: {  	v35 =	vperm.xlane v35, v3;
	v36 =	vadd.s32 v2, v36;
	_ =	sdelay $0x1  }
0x2eb: {  	v35 =	vadd.s32 v2, v35;
	_ =	sdelay $0x2  }
0x2ec: {  	[tilespmem:s5], [sflag:$0x2] =	stream.indirect_vreg.gather [hbm4b:s3+s22], $0x80, v36, vm0, $0xb8;
	[tilespmem:$0x18200] =	vst v63  }
0x2ed: {  	_ = 	snop  }
0x2ee: {  	[tilespmem:s17], [sflag:$0x2] =	stream.indirect_vreg.gather [hbm4b:s3+s22], $0x80, v35, vm0, $0xb8;
	[tilespmem:$0x18200] =	vst v63  }
0x2ef: {  	v35 =	vld [tilespmem:$0x1F0];
	_ =	sdelay $0x4  }
0x2f0: {  	v56 =	vshll.u32 v35, $0x1  }
0x2f1: {  	v35 =	vand.u32 $0x7, v35;
	v36 =	vand.u32 $0xFFFFFFF0, v56  }
0x2f2: {  	v35 =	vor.u32 v35, v36  }
0x2f3: {  	v36 =	vperm.xlane v35, v1;
	_ =	sdelay $0x1  }
0x2f4: {  	v35 =	vperm.xlane v35, v3;
	v36 =	vadd.s32 v2, v36;
	_ =	sdelay $0x1  }
0x2f5: {  	v58 =	vmov s22;
	v57 =	vadd.s32 v2, v35  }
0x2f6: {  	v59 =	vshll.u32 v58, $0x8;
	v35 =	vshll.u32 v58, $0x7  }
0x2f7: {  	v38 =	vand.u32 $0x7800, v59;
	v35 =	vand.u32 $0x380, v35  }
0x2f8: {  	v35 =	vor.u32 v38, v35;
	[tilespmem:s18], [sflag:$0x2] =	stream.indirect_vreg.gather [hbm4b:s3+s22], $0x80, v36, vm0, $0xb8;
	[tilespmem:$0x18200] =	vst v63  }
0x2f9: {  	v60 =	vor.u32 v4, v35  }
0x2fa: {  	[tilespmem:s19], [sflag:$0x2] =	stream.indirect_vreg.gather [hbm4b:s3+s22], $0x80, v57, vm0, $0xb8;
	[tilespmem:$0x18200] =	vst v63  }
0x2fb: {  	_ =	swait.ge [sflag:s6], $0x8000  }
0x2fc: {  	[sflag:s6] =	ssyncset.done $0x0  }
0x2fd: {  	[sflag:s6] =	ssyncadd.s32 $0xFFFF8000  }
0x2fe: {  	v61 =	vor.u32 v0, v35;
	v36 =	vld.idx.msk [tilespmem:v60+s10+$0x0], $0xffff  }
0x2ff: {  	v38 =	vor.u32 v5, v35;
	_ =	sdelay $0x3  }
0x300: {  	[tilespmem:v61+s7+$0x0] =	vst.idx.msk $0xffff, v36  }
0x301: {  	v62 =	vor.u32 v6, v35;
	v36 =	vld.idx.msk [tilespmem:v38+s10+$0x0], $0xffff  }
0x302: {  	v63 =	vor.u32 v7, v35;
	_ =	sdelay $0x3  }
0x303: {  	[tilespmem:v62+s7+$0x0] =	vst.idx.msk $0xffff, v36  }
0x304: {  	v40 =	vor.u32 v8, v35;
	v36 =	vld.idx.msk [tilespmem:v63+s10+$0x0], $0xffff  }
0x305: {  	v41 =	vor.u32 v9, v35;
	_ =	sdelay $0x3  }
0x306: {  	[tilespmem:v40+s7+$0x0] =	vst.idx.msk $0xffff, v36  }
0x307: {  	v42 =	vor.u32 v10, v35;
	v36 =	vld.idx.msk [tilespmem:v41+s10+$0x0], $0xffff  }
0x308: {  	v43 =	vor.u32 v11, v35;
	_ =	sdelay $0x3  }
0x309: {  	[tilespmem:v42+s7+$0x0] =	vst.idx.msk $0xffff, v36  }
0x30a: {  	v44 =	vor.u32 v12, v35;
	v36 =	vld.idx.msk [tilespmem:v43+s10+$0x0], $0xffff  }
0x30b: {  	v45 =	vor.u32 v13, v35;
	_ =	sdelay $0x3  }
0x30c: {  	[tilespmem:v44+s7+$0x0] =	vst.idx.msk $0xffff, v36  }
0x30d: {  	v46 =	vor.u32 v14, v35;
	v36 =	vld.idx.msk [tilespmem:v45+s10+$0x0], $0xffff  }
0x30e: {  	v47 =	vor.u32 v15, v35;
	_ =	sdelay $0x3  }
0x30f: {  	[tilespmem:v46+s7+$0x0] =	vst.idx.msk $0xffff, v36  }
0x310: {  	v48 =	vor.u32 v16, v35;
	v36 =	vld.idx.msk [tilespmem:v47+s10+$0x0], $0xffff  }
0x311: {  	v49 =	vor.u32 v17, v35;
	_ =	sdelay $0x3  }
0x312: {  	[tilespmem:v48+s7+$0x0] =	vst.idx.msk $0xffff, v36  }
0x313: {  	v50 =	vor.u32 v18, v35;
	v36 =	vld.idx.msk [tilespmem:v49+s10+$0x0], $0xffff  }
0x314: {  	v51 =	vor.u32 v19, v35;
	_ =	sdelay $0x3  }
0x315: {  	[tilespmem:v50+s7+$0x0] =	vst.idx.msk $0xffff, v36  }
0x316: {  	v52 =	vor.u32 v20, v35;
	v36 =	vld.idx.msk [tilespmem:v51+s10+$0x0], $0xffff  }
0x317: {  	v53 =	vor.u32 v21, v35;
	_ =	sdelay $0x3  }
0x318: {  	[tilespmem:v52+s7+$0x0] =	vst.idx.msk $0xffff, v36  }
0x319: {  	v54 =	vor.u32 v22, v35;
	v36 =	vld.idx.msk [tilespmem:v53+s10+$0x0], $0xffff  }
0x31a: {  	v55 =	vor.u32 v23, v35;
	_ =	sdelay $0x3  }
0x31b: {  	[tilespmem:v54+s7+$0x0] =	vst.idx.msk $0xffff, v36  }
0x31c: {  	v56 =	vor.u32 v24, v35;
	v36 =	vld.idx.msk [tilespmem:v55+s10+$0x0], $0xffff  }
0x31d: {  	v57 =	vor.u32 v25, v35;
	_ =	sdelay $0x3  }
0x31e: {  	[tilespmem:v56+s7+$0x0] =	vst.idx.msk $0xffff, v36  }
0x31f: {  	v58 =	vor.u32 v26, v35;
	v36 =	vld.idx.msk [tilespmem:v57+s10+$0x0], $0xffff  }
0x320: {  	v59 =	vor.u32 v27, v35;
	_ =	sdelay $0x3  }
0x321: {  	[tilespmem:v58+s7+$0x0] =	vst.idx.msk $0xffff, v36  }
0x322: {  	v60 =	vor.u32 v28, v35;
	v36 =	vld.idx.msk [tilespmem:v59+s10+$0x0], $0xffff  }
0x323: {  	v61 =	vor.u32 v29, v35;
	_ =	sdelay $0x3  }
0x324: {  	[tilespmem:v60+s7+$0x0] =	vst.idx.msk $0xffff, v36  }
0x325: {  	v62 =	vor.u32 v30, v35;
	v36 =	vld.idx.msk [tilespmem:v61+s10+$0x0], $0xffff  }
0x326: {  	v63 =	vor.u32 v31, v35;
	_ =	sdelay $0x3  }
0x327: {  	[tilespmem:v62+s7+$0x0] =	vst.idx.msk $0xffff, v36  }
0x328: {  	v38 =	vor.u32 v33, v35;
	v37 =	vld.idx.msk [tilespmem:v63+s10+$0x0], $0xffff  }
0x329: {  	v36 =	vor.u32 v32, v35;
	_ =	sdelay $0x1  }
0x32a: {  	s8 =	simm.s32 $0x1  }
0x32b: {  	v39 =	vmov s8;
	s22 =	simm.s32 $0x2  }
.LBB2_6:
0x32c: {  	p0 =	sne.s32 s22, $0x7F;
	v40 =	vshll.u32 v39, $0x8;
	v39 =	vshll.u32 v39, $0x7;
	[tilespmem:v38+s7+$0x0] =	vst.idx.msk $0xffff, v37  }
0x32d: {  	v37 =	vand.u32 $0x7800, v40;
	v38 =	vand.u32 $0x380, v39;
	v36 =	vld.idx.msk [tilespmem:v36+s10+$0x0], $0xffff  }
0x32e: {  	v39 =	vor.u32 v34, v35;
	v35 =	vor.u32 v37, v38  }
0x32f: {  	v37 =	vor.u32 v4, v35;
	_ =	sdelay $0x3  }
0x330: {  	[tilespmem:v39+s7+$0x0] =	vst.idx.msk $0xffff, v36  }
0x331: {  	v36 =	vld.idx.msk [tilespmem:v37+s10+$0x0], $0xffff  }
0x332: {  	v37 =	vor.u32 v0, v35  }
0x333: {  	v38 =	vor.u32 v5, v35;
	_ =	sdelay $0x3  }
0x334: {  	[tilespmem:v37+s7+$0x0] =	vst.idx.msk $0xffff, v36  }
0x335: {  	v36 =	vld.idx.msk [tilespmem:v38+s10+$0x0], $0xffff  }
0x336: {  	v37 =	vor.u32 v6, v35  }
0x337: {  	v38 =	vor.u32 v7, v35;
	_ =	sdelay $0x3  }
0x338: {  	[tilespmem:v37+s7+$0x0] =	vst.idx.msk $0xffff, v36  }
0x339: {  	v36 =	vld.idx.msk [tilespmem:v38+s10+$0x0], $0xffff  }
0x33a: {  	v37 =	vor.u32 v8, v35  }
0x33b: {  	v38 =	vor.u32 v9, v35;
	_ =	sdelay $0x3  }
0x33c: {  	[tilespmem:v37+s7+$0x0] =	vst.idx.msk $0xffff, v36  }
0x33d: {  	v36 =	vld.idx.msk [tilespmem:v38+s10+$0x0], $0xffff  }
0x33e: {  	v37 =	vor.u32 v10, v35  }
0x33f: {  	v38 =	vor.u32 v11, v35;
	_ =	sdelay $0x3  }
0x340: {  	[tilespmem:v37+s7+$0x0] =	vst.idx.msk $0xffff, v36  }
0x341: {  	v36 =	vld.idx.msk [tilespmem:v38+s10+$0x0], $0xffff  }
0x342: {  	v37 =	vor.u32 v12, v35  }
0x343: {  	v38 =	vor.u32 v13, v35;
	_ =	sdelay $0x3  }
0x344: {  	[tilespmem:v37+s7+$0x0] =	vst.idx.msk $0xffff, v36  }
0x345: {  	v36 =	vld.idx.msk [tilespmem:v38+s10+$0x0], $0xffff  }
0x346: {  	v37 =	vor.u32 v14, v35  }
0x347: {  	v38 =	vor.u32 v15, v35;
	_ =	sdelay $0x3  }
0x348: {  	[tilespmem:v37+s7+$0x0] =	vst.idx.msk $0xffff, v36  }
0x349: {  	v36 =	vld.idx.msk [tilespmem:v38+s10+$0x0], $0xffff  }
0x34a: {  	v37 =	vor.u32 v16, v35  }
0x34b: {  	v38 =	vor.u32 v17, v35;
	_ =	sdelay $0x3  }
0x34c: {  	[tilespmem:v37+s7+$0x0] =	vst.idx.msk $0xffff, v36  }
0x34d: {  	v36 =	vld.idx.msk [tilespmem:v38+s10+$0x0], $0xffff  }
0x34e: {  	v37 =	vor.u32 v18, v35  }
0x34f: {  	v38 =	vor.u32 v19, v35;
	_ =	sdelay $0x3  }
0x350: {  	[tilespmem:v37+s7+$0x0] =	vst.idx.msk $0xffff, v36  }
0x351: {  	v36 =	vld.idx.msk [tilespmem:v38+s10+$0x0], $0xffff  }
0x352: {  	v37 =	vor.u32 v20, v35  }
0x353: {  	v38 =	vor.u32 v21, v35;
	_ =	sdelay $0x3  }
0x354: {  	[tilespmem:v37+s7+$0x0] =	vst.idx.msk $0xffff, v36  }
0x355: {  	v36 =	vld.idx.msk [tilespmem:v38+s10+$0x0], $0xffff  }
0x356: {  	v37 =	vor.u32 v22, v35  }
0x357: {  	v38 =	vor.u32 v23, v35;
	_ =	sdelay $0x3  }
0x358: {  	[tilespmem:v37+s7+$0x0] =	vst.idx.msk $0xffff, v36  }
0x359: {  	v36 =	vld.idx.msk [tilespmem:v38+s10+$0x0], $0xffff  }
0x35a: {  	v37 =	vor.u32 v24, v35  }
0x35b: {  	v38 =	vor.u32 v25, v35;
	_ =	sdelay $0x3  }
0x35c: {  	[tilespmem:v37+s7+$0x0] =	vst.idx.msk $0xffff, v36  }
0x35d: {  	v36 =	vld.idx.msk [tilespmem:v38+s10+$0x0], $0xffff  }
0x35e: {  	v37 =	vor.u32 v26, v35  }
0x35f: {  	v38 =	vor.u32 v27, v35;
	_ =	sdelay $0x3  }
0x360: {  	[tilespmem:v37+s7+$0x0] =	vst.idx.msk $0xffff, v36  }
0x361: {  	v36 =	vld.idx.msk [tilespmem:v38+s10+$0x0], $0xffff  }
0x362: {  	v37 =	vor.u32 v28, v35  }
0x363: {  	v38 =	vor.u32 v29, v35;
	_ =	sdelay $0x3  }
0x364: {  	[tilespmem:v37+s7+$0x0] =	vst.idx.msk $0xffff, v36  }
0x365: {  	v36 =	vld.idx.msk [tilespmem:v38+s10+$0x0], $0xffff  }
0x366: {  	v37 =	vor.u32 v30, v35  }
0x367: {  	v38 =	vor.u32 v31, v35;
	_ =	sdelay $0x3  }
0x368: {  	[tilespmem:v37+s7+$0x0] =	vst.idx.msk $0xffff, v36  }
0x369: {  	v37 =	vld.idx.msk [tilespmem:v38+s10+$0x0], $0xffff  }
.Ltmp2:
0x36a: {  	v38 =	vor.u32 v33, v35;
	(pc) =	sbr.rel @p0 .LBB2_6-.Ltmp2, $2  }
0x36b: {  	v36 =	vor.u32 v32, v35;
	_ =	sdelay $0x2  }
0x36c: {  	v39 =	vmov s22;
	s22 =	sadd.s32 $0x1, s22  }
0x36d: {  	_ =	sdelay $0x2  }
0x36e: {  	v40 =	vshll.u32 v39, $0x8;
	v47 =	vshll.u32 v39, $0x7  }
0x36f: {  	[tilespmem:v38+s7+$0x0] =	vst.idx.msk $0xffff, v37;
	v48 =	vand.u32 $0x7800, v40;
	v49 =	vand.u32 $0x380, v47  }
0x370: {  	v35 =	vor.u32 v34, v35;
	v36 =	vld.idx.msk [tilespmem:v36+s10+$0x0], $0xffff;
	v37 =	vor.u32 v48, v49  }
0x371: {  	v38 =	vor.u32 v4, v37;
	_ =	sdelay $0x3  }
0x372: {  	[tilespmem:v35+s7+$0x0] =	vst.idx.msk $0xffff, v36  }
0x373: {  	v50 =	vor.u32 v0, v37;
	v35 =	vld.idx.msk [tilespmem:v38+s10+$0x0], $0xffff  }
0x374: {  	v51 =	vor.u32 v5, v37;
	_ =	sdelay $0x3  }
0x375: {  	[tilespmem:v50+s7+$0x0] =	vst.idx.msk $0xffff, v35  }
0x376: {  	v52 =	vor.u32 v6, v37;
	v35 =	vld.idx.msk [tilespmem:v51+s10+$0x0], $0xffff  }
0x377: {  	v53 =	vor.u32 v7, v37;
	_ =	sdelay $0x3  }
0x378: {  	[tilespmem:v52+s7+$0x0] =	vst.idx.msk $0xffff, v35  }
0x379: {  	v54 =	vor.u32 v8, v37;
	v35 =	vld.idx.msk [tilespmem:v53+s10+$0x0], $0xffff  }
0x37a: {  	v55 =	vor.u32 v9, v37;
	_ =	sdelay $0x3  }
0x37b: {  	[tilespmem:v54+s7+$0x0] =	vst.idx.msk $0xffff, v35  }
0x37c: {  	v56 =	vor.u32 v10, v37;
	v35 =	vld.idx.msk [tilespmem:v55+s10+$0x0], $0xffff  }
0x37d: {  	v57 =	vor.u32 v11, v37;
	_ =	sdelay $0x3  }
0x37e: {  	[tilespmem:v56+s7+$0x0] =	vst.idx.msk $0xffff, v35  }
0x37f: {  	v58 =	vor.u32 v12, v37;
	v35 =	vld.idx.msk [tilespmem:v57+s10+$0x0], $0xffff  }
0x380: {  	v59 =	vor.u32 v13, v37;
	_ =	sdelay $0x3  }
0x381: {  	[tilespmem:v58+s7+$0x0] =	vst.idx.msk $0xffff, v35  }
0x382: {  	v60 =	vor.u32 v14, v37;
	v35 =	vld.idx.msk [tilespmem:v59+s10+$0x0], $0xffff  }
0x383: {  	v61 =	vor.u32 v15, v37;
	_ =	sdelay $0x3  }
0x384: {  	[tilespmem:v60+s7+$0x0] =	vst.idx.msk $0xffff, v35  }
0x385: {  	v62 =	vor.u32 v16, v37;
	v35 =	vld.idx.msk [tilespmem:v61+s10+$0x0], $0xffff  }
0x386: {  	v63 =	vor.u32 v17, v37;
	_ =	sdelay $0x3  }
0x387: {  	[tilespmem:v62+s7+$0x0] =	vst.idx.msk $0xffff, v35  }
0x388: {  	v40 =	vor.u32 v18, v37;
	v35 =	vld.idx.msk [tilespmem:v63+s10+$0x0], $0xffff  }
0x389: {  	v41 =	vor.u32 v19, v37;
	_ =	sdelay $0x3  }
0x38a: {  	[tilespmem:v40+s7+$0x0] =	vst.idx.msk $0xffff, v35  }
0x38b: {  	v42 =	vor.u32 v20, v37;
	v35 =	vld.idx.msk [tilespmem:v41+s10+$0x0], $0xffff  }
0x38c: {  	v43 =	vor.u32 v21, v37;
	_ =	sdelay $0x3  }
0x38d: {  	[tilespmem:v42+s7+$0x0] =	vst.idx.msk $0xffff, v35  }
0x38e: {  	v44 =	vor.u32 v22, v37;
	v35 =	vld.idx.msk [tilespmem:v43+s10+$0x0], $0xffff  }
0x38f: {  	v45 =	vor.u32 v23, v37;
	_ =	sdelay $0x3  }
0x390: {  	[tilespmem:v44+s7+$0x0] =	vst.idx.msk $0xffff, v35  }
0x391: {  	v46 =	vor.u32 v24, v37;
	v35 =	vld.idx.msk [tilespmem:v45+s10+$0x0], $0xffff  }
0x392: {  	v47 =	vor.u32 v25, v37;
	_ =	sdelay $0x3  }
0x393: {  	[tilespmem:v46+s7+$0x0] =	vst.idx.msk $0xffff, v35  }
0x394: {  	v48 =	vor.u32 v26, v37;
	v35 =	vld.idx.msk [tilespmem:v47+s10+$0x0], $0xffff  }
0x395: {  	v49 =	vor.u32 v27, v37;
	_ =	sdelay $0x3  }
0x396: {  	[tilespmem:v48+s7+$0x0] =	vst.idx.msk $0xffff, v35  }
0x397: {  	v50 =	vor.u32 v28, v37;
	v35 =	vld.idx.msk [tilespmem:v49+s10+$0x0], $0xffff  }
0x398: {  	v51 =	vor.u32 v29, v37;
	_ =	sdelay $0x3  }
0x399: {  	[tilespmem:v50+s7+$0x0] =	vst.idx.msk $0xffff, v35  }
0x39a: {  	v52 =	vor.u32 v30, v37;
	v35 =	vld.idx.msk [tilespmem:v51+s10+$0x0], $0xffff  }
0x39b: {  	v53 =	vor.u32 v31, v37;
	_ =	sdelay $0x3  }
0x39c: {  	[tilespmem:v52+s7+$0x0] =	vst.idx.msk $0xffff, v35  }
0x39d: {  	v54 =	vor.u32 v33, v37;
	v35 =	vld.idx.msk [tilespmem:v53+s10+$0x0], $0xffff  }
0x39e: {  	v55 =	vor.u32 v32, v37;
	_ =	sdelay $0x3  }
0x39f: {  	[tilespmem:v54+s7+$0x0] =	vst.idx.msk $0xffff, v35  }
0x3a0: {  	v56 =	vor.u32 v34, v37;
	v35 =	vld.idx.msk [tilespmem:v55+s10+$0x0], $0xffff;
	_ =	sdelay $0x2  }
0x3a1: {  	s22 =	simm.s32 $0x0  }
0x3a2: {  	v57 =	vmov s22  }
0x3a3: {  	s8 =	rddreg [dreg:$0x5];
	v58 =	vshll.u32 v57, $0x8;
	v59 =	vshll.u32 v57, $0x7;
	[tilespmem:v56+s7+$0x0] =	vst.idx.msk $0xffff, v35  }
0x3a4: {  	v36 =	vand.u32 $0x380, v59;
	v35 =	vand.u32 $0x7800, v58;
	[hbm4b:s8+s22] =	stream.linear.scatter [tilespmem:s7], [sflag:$0x3], $0x8000, $0x38;
	[tilespmem:$0x18200] =	vst v63  }
0x3a5: {  	v35 =	vor.u32 v35, v36;
	_ =	swait.ge [sflag:s14], $0x8000  }
0x3a6: {  	v36 =	vor.u32 v4, v35;
	[sflag:s14] =	ssyncset.done $0x0  }
0x3a7: {  	[sflag:s14] =	ssyncadd.s32 $0xFFFF8000  }
0x3a8: {  	_ =	swait.ge [sflag:s20], $0x8000  }
0x3a9: {  	[sflag:s20] =	ssyncset.done $0x0  }
0x3aa: {  	[sflag:s20] =	ssyncadd.s32 $0xFFFF8000  }
0x3ab: {  	v60 =	vor.u32 v0, v35;
	v36 =	vld.idx.msk [tilespmem:v36+s28+$0x0], $0xffff  }
0x3ac: {  	v61 =	vor.u32 v5, v35;
	_ =	sdelay $0x3  }
0x3ad: {  	[tilespmem:v60+s7+$0x0] =	vst.idx.msk $0xffff, v36  }
0x3ae: {  	v62 =	vor.u32 v6, v35;
	v36 =	vld.idx.msk [tilespmem:v61+s28+$0x0], $0xffff  }
0x3af: {  	v63 =	vor.u32 v7, v35;
	_ =	sdelay $0x3  }
0x3b0: {  	[tilespmem:v62+s7+$0x0] =	vst.idx.msk $0xffff, v36  }
0x3b1: {  	v40 =	vor.u32 v8, v35;
	v36 =	vld.idx.msk [tilespmem:v63+s28+$0x0], $0xffff  }
0x3b2: {  	v41 =	vor.u32 v9, v35;
	_ =	sdelay $0x3  }
0x3b3: {  	[tilespmem:v40+s7+$0x0] =	vst.idx.msk $0xffff, v36  }
0x3b4: {  	v42 =	vor.u32 v10, v35;
	v36 =	vld.idx.msk [tilespmem:v41+s28+$0x0], $0xffff  }
0x3b5: {  	v43 =	vor.u32 v11, v35;
	_ =	sdelay $0x3  }
0x3b6: {  	[tilespmem:v42+s7+$0x0] =	vst.idx.msk $0xffff, v36  }
0x3b7: {  	v44 =	vor.u32 v12, v35;
	v36 =	vld.idx.msk [tilespmem:v43+s28+$0x0], $0xffff  }
0x3b8: {  	v45 =	vor.u32 v13, v35;
	_ =	sdelay $0x3  }
0x3b9: {  	[tilespmem:v44+s7+$0x0] =	vst.idx.msk $0xffff, v36  }
0x3ba: {  	v46 =	vor.u32 v14, v35;
	v36 =	vld.idx.msk [tilespmem:v45+s28+$0x0], $0xffff  }
0x3bb: {  	v47 =	vor.u32 v15, v35;
	_ =	sdelay $0x3  }
0x3bc: {  	[tilespmem:v46+s7+$0x0] =	vst.idx.msk $0xffff, v36  }
0x3bd: {  	v48 =	vor.u32 v16, v35;
	v36 =	vld.idx.msk [tilespmem:v47+s28+$0x0], $0xffff  }
0x3be: {  	v49 =	vor.u32 v17, v35;
	_ =	sdelay $0x3  }
0x3bf: {  	[tilespmem:v48+s7+$0x0] =	vst.idx.msk $0xffff, v36  }
0x3c0: {  	v50 =	vor.u32 v18, v35;
	v36 =	vld.idx.msk [tilespmem:v49+s28+$0x0], $0xffff  }
0x3c1: {  	v51 =	vor.u32 v19, v35;
	_ =	sdelay $0x3  }
0x3c2: {  	[tilespmem:v50+s7+$0x0] =	vst.idx.msk $0xffff, v36  }
0x3c3: {  	v52 =	vor.u32 v20, v35;
	v36 =	vld.idx.msk [tilespmem:v51+s28+$0x0], $0xffff  }
0x3c4: {  	v53 =	vor.u32 v21, v35;
	_ =	sdelay $0x3  }
0x3c5: {  	[tilespmem:v52+s7+$0x0] =	vst.idx.msk $0xffff, v36  }
0x3c6: {  	v54 =	vor.u32 v22, v35;
	v36 =	vld.idx.msk [tilespmem:v53+s28+$0x0], $0xffff  }
0x3c7: {  	v55 =	vor.u32 v23, v35;
	_ =	sdelay $0x3  }
0x3c8: {  	[tilespmem:v54+s7+$0x0] =	vst.idx.msk $0xffff, v36  }
0x3c9: {  	v56 =	vor.u32 v24, v35;
	v36 =	vld.idx.msk [tilespmem:v55+s28+$0x0], $0xffff  }
0x3ca: {  	v57 =	vor.u32 v25, v35;
	_ =	sdelay $0x3  }
0x3cb: {  	[tilespmem:v56+s7+$0x0] =	vst.idx.msk $0xffff, v36  }
0x3cc: {  	v58 =	vor.u32 v26, v35;
	v36 =	vld.idx.msk [tilespmem:v57+s28+$0x0], $0xffff  }
0x3cd: {  	v59 =	vor.u32 v27, v35;
	_ =	sdelay $0x3  }
0x3ce: {  	[tilespmem:v58+s7+$0x0] =	vst.idx.msk $0xffff, v36  }
0x3cf: {  	v60 =	vor.u32 v28, v35;
	v36 =	vld.idx.msk [tilespmem:v59+s28+$0x0], $0xffff  }
0x3d0: {  	v61 =	vor.u32 v29, v35;
	_ =	sdelay $0x3  }
0x3d1: {  	[tilespmem:v60+s7+$0x0] =	vst.idx.msk $0xffff, v36  }
0x3d2: {  	v62 =	vor.u32 v30, v35;
	v36 =	vld.idx.msk [tilespmem:v61+s28+$0x0], $0xffff  }
0x3d3: {  	v63 =	vor.u32 v31, v35;
	_ =	sdelay $0x3  }
0x3d4: {  	[tilespmem:v62+s7+$0x0] =	vst.idx.msk $0xffff, v36  }
0x3d5: {  	v38 =	vor.u32 v33, v35;
	v37 =	vld.idx.msk [tilespmem:v63+s28+$0x0], $0xffff  }
0x3d6: {  	v36 =	vor.u32 v32, v35;
	_ =	sdelay $0x1  }
0x3d7: {  	s8 =	simm.s32 $0x1  }
0x3d8: {  	s22 =	simm.s32 $0x2;
	v39 =	vmov s8  }
.LBB2_8:
0x3d9: {  	p0 =	sne.s32 s22, $0x7F;
	v40 =	vshll.u32 v39, $0x8;
	v39 =	vshll.u32 v39, $0x7;
	[tilespmem:v38+s7+$0x0] =	vst.idx.msk $0xffff, v37  }
0x3da: {  	v37 =	vand.u32 $0x7800, v40;
	v38 =	vand.u32 $0x380, v39;
	v36 =	vld.idx.msk [tilespmem:v36+s28+$0x0], $0xffff  }
0x3db: {  	v39 =	vor.u32 v34, v35;
	v35 =	vor.u32 v37, v38  }
0x3dc: {  	v37 =	vor.u32 v4, v35;
	_ =	sdelay $0x3  }
0x3dd: {  	[tilespmem:v39+s7+$0x0] =	vst.idx.msk $0xffff, v36  }
0x3de: {  	v36 =	vld.idx.msk [tilespmem:v37+s28+$0x0], $0xffff  }
0x3df: {  	v37 =	vor.u32 v0, v35  }
0x3e0: {  	v38 =	vor.u32 v5, v35;
	_ =	sdelay $0x3  }
0x3e1: {  	[tilespmem:v37+s7+$0x0] =	vst.idx.msk $0xffff, v36  }
0x3e2: {  	v36 =	vld.idx.msk [tilespmem:v38+s28+$0x0], $0xffff  }
0x3e3: {  	v37 =	vor.u32 v6, v35  }
0x3e4: {  	v38 =	vor.u32 v7, v35;
	_ =	sdelay $0x3  }
0x3e5: {  	[tilespmem:v37+s7+$0x0] =	vst.idx.msk $0xffff, v36  }
0x3e6: {  	v36 =	vld.idx.msk [tilespmem:v38+s28+$0x0], $0xffff  }
0x3e7: {  	v37 =	vor.u32 v8, v35  }
0x3e8: {  	v38 =	vor.u32 v9, v35;
	_ =	sdelay $0x3  }
0x3e9: {  	[tilespmem:v37+s7+$0x0] =	vst.idx.msk $0xffff, v36  }
0x3ea: {  	v36 =	vld.idx.msk [tilespmem:v38+s28+$0x0], $0xffff  }
0x3eb: {  	v37 =	vor.u32 v10, v35  }
0x3ec: {  	v38 =	vor.u32 v11, v35;
	_ =	sdelay $0x3  }
0x3ed: {  	[tilespmem:v37+s7+$0x0] =	vst.idx.msk $0xffff, v36  }
0x3ee: {  	v36 =	vld.idx.msk [tilespmem:v38+s28+$0x0], $0xffff  }
0x3ef: {  	v37 =	vor.u32 v12, v35  }
0x3f0: {  	v38 =	vor.u32 v13, v35;
	_ =	sdelay $0x3  }
0x3f1: {  	[tilespmem:v37+s7+$0x0] =	vst.idx.msk $0xffff, v36  }
0x3f2: {  	v36 =	vld.idx.msk [tilespmem:v38+s28+$0x0], $0xffff  }
0x3f3: {  	v37 =	vor.u32 v14, v35  }
0x3f4: {  	v38 =	vor.u32 v15, v35;
	_ =	sdelay $0x3  }
0x3f5: {  	[tilespmem:v37+s7+$0x0] =	vst.idx.msk $0xffff, v36  }
0x3f6: {  	v36 =	vld.idx.msk [tilespmem:v38+s28+$0x0], $0xffff  }
0x3f7: {  	v37 =	vor.u32 v16, v35  }
0x3f8: {  	v38 =	vor.u32 v17, v35;
	_ =	sdelay $0x3  }
0x3f9: {  	[tilespmem:v37+s7+$0x0] =	vst.idx.msk $0xffff, v36  }
0x3fa: {  	v36 =	vld.idx.msk [tilespmem:v38+s28+$0x0], $0xffff  }
0x3fb: {  	v37 =	vor.u32 v18, v35  }
0x3fc: {  	v38 =	vor.u32 v19, v35;
	_ =	sdelay $0x3  }
0x3fd: {  	[tilespmem:v37+s7+$0x0] =	vst.idx.msk $0xffff, v36  }
0x3fe: {  	v36 =	vld.idx.msk [tilespmem:v38+s28+$0x0], $0xffff  }
0x3ff: {  	v37 =	vor.u32 v20, v35  }
0x400: {  	v38 =	vor.u32 v21, v35;
	_ =	sdelay $0x3  }
0x401: {  	[tilespmem:v37+s7+$0x0] =	vst.idx.msk $0xffff, v36  }
0x402: {  	v36 =	vld.idx.msk [tilespmem:v38+s28+$0x0], $0xffff  }
0x403: {  	v37 =	vor.u32 v22, v35  }
0x404: {  	v38 =	vor.u32 v23, v35;
	_ =	sdelay $0x3  }
0x405: {  	[tilespmem:v37+s7+$0x0] =	vst.idx.msk $0xffff, v36  }
0x406: {  	v36 =	vld.idx.msk [tilespmem:v38+s28+$0x0], $0xffff  }
0x407: {  	v37 =	vor.u32 v24, v35  }
0x408: {  	v38 =	vor.u32 v25, v35;
	_ =	sdelay $0x3  }
0x409: {  	[tilespmem:v37+s7+$0x0] =	vst.idx.msk $0xffff, v36  }
0x40a: {  	v36 =	vld.idx.msk [tilespmem:v38+s28+$0x0], $0xffff  }
0x40b: {  	v37 =	vor.u32 v26, v35  }
0x40c: {  	v38 =	vor.u32 v27, v35;
	_ =	sdelay $0x3  }
0x40d: {  	[tilespmem:v37+s7+$0x0] =	vst.idx.msk $0xffff, v36  }
0x40e: {  	v36 =	vld.idx.msk [tilespmem:v38+s28+$0x0], $0xffff  }
0x40f: {  	v37 =	vor.u32 v28, v35  }
0x410: {  	v38 =	vor.u32 v29, v35;
	_ =	sdelay $0x3  }
0x411: {  	[tilespmem:v37+s7+$0x0] =	vst.idx.msk $0xffff, v36  }
0x412: {  	v36 =	vld.idx.msk [tilespmem:v38+s28+$0x0], $0xffff  }
0x413: {  	v37 =	vor.u32 v30, v35  }
0x414: {  	v38 =	vor.u32 v31, v35;
	_ =	sdelay $0x3  }
0x415: {  	[tilespmem:v37+s7+$0x0] =	vst.idx.msk $0xffff, v36  }
0x416: {  	v37 =	vld.idx.msk [tilespmem:v38+s28+$0x0], $0xffff  }
.Ltmp3:
0x417: {  	v38 =	vor.u32 v33, v35;
	(pc) =	sbr.rel @p0 .LBB2_8-.Ltmp3, $2  }
0x418: {  	v36 =	vor.u32 v32, v35;
	_ =	sdelay $0x2  }
0x419: {  	v39 =	vmov s22;
	s22 =	sadd.s32 $0x1, s22  }
0x41a: {  	_ =	sdelay $0x2  }
0x41b: {  	v40 =	vshll.u32 v39, $0x8;
	v55 =	vshll.u32 v39, $0x7  }
0x41c: {  	[tilespmem:v38+s7+$0x0] =	vst.idx.msk $0xffff, v37;
	v56 =	vand.u32 $0x7800, v40;
	v57 =	vand.u32 $0x380, v55  }
0x41d: {  	v35 =	vor.u32 v34, v35;
	v36 =	vld.idx.msk [tilespmem:v36+s28+$0x0], $0xffff;
	v37 =	vor.u32 v56, v57  }
0x41e: {  	v38 =	vor.u32 v4, v37;
	_ =	sdelay $0x3  }
0x41f: {  	[tilespmem:v35+s7+$0x0] =	vst.idx.msk $0xffff, v36  }
0x420: {  	v58 =	vor.u32 v0, v37;
	v35 =	vld.idx.msk [tilespmem:v38+s28+$0x0], $0xffff  }
0x421: {  	v59 =	vor.u32 v5, v37;
	_ =	sdelay $0x3  }
0x422: {  	[tilespmem:v58+s7+$0x0] =	vst.idx.msk $0xffff, v35  }
0x423: {  	v60 =	vor.u32 v6, v37;
	v35 =	vld.idx.msk [tilespmem:v59+s28+$0x0], $0xffff  }
0x424: {  	v61 =	vor.u32 v7, v37;
	_ =	sdelay $0x3  }
0x425: {  	[tilespmem:v60+s7+$0x0] =	vst.idx.msk $0xffff, v35  }
0x426: {  	v62 =	vor.u32 v8, v37;
	v35 =	vld.idx.msk [tilespmem:v61+s28+$0x0], $0xffff  }
0x427: {  	v63 =	vor.u32 v9, v37;
	_ =	sdelay $0x3  }
0x428: {  	[tilespmem:v62+s7+$0x0] =	vst.idx.msk $0xffff, v35  }
0x429: {  	v40 =	vor.u32 v10, v37;
	v35 =	vld.idx.msk [tilespmem:v63+s28+$0x0], $0xffff  }
0x42a: {  	v41 =	vor.u32 v11, v37;
	_ =	sdelay $0x3  }
0x42b: {  	[tilespmem:v40+s7+$0x0] =	vst.idx.msk $0xffff, v35  }
0x42c: {  	v42 =	vor.u32 v12, v37;
	v35 =	vld.idx.msk [tilespmem:v41+s28+$0x0], $0xffff  }
0x42d: {  	v43 =	vor.u32 v13, v37;
	_ =	sdelay $0x3  }
0x42e: {  	[tilespmem:v42+s7+$0x0] =	vst.idx.msk $0xffff, v35  }
0x42f: {  	v44 =	vor.u32 v14, v37;
	v35 =	vld.idx.msk [tilespmem:v43+s28+$0x0], $0xffff  }
0x430: {  	v45 =	vor.u32 v15, v37;
	_ =	sdelay $0x3  }
0x431: {  	[tilespmem:v44+s7+$0x0] =	vst.idx.msk $0xffff, v35  }
0x432: {  	v46 =	vor.u32 v16, v37;
	v35 =	vld.idx.msk [tilespmem:v45+s28+$0x0], $0xffff  }
0x433: {  	v47 =	vor.u32 v17, v37;
	_ =	sdelay $0x3  }
0x434: {  	[tilespmem:v46+s7+$0x0] =	vst.idx.msk $0xffff, v35  }
0x435: {  	v48 =	vor.u32 v18, v37;
	v35 =	vld.idx.msk [tilespmem:v47+s28+$0x0], $0xffff  }
0x436: {  	v49 =	vor.u32 v19, v37;
	_ =	sdelay $0x3  }
0x437: {  	[tilespmem:v48+s7+$0x0] =	vst.idx.msk $0xffff, v35  }
0x438: {  	v50 =	vor.u32 v20, v37;
	v35 =	vld.idx.msk [tilespmem:v49+s28+$0x0], $0xffff  }
0x439: {  	v51 =	vor.u32 v21, v37;
	_ =	sdelay $0x3  }
0x43a: {  	[tilespmem:v50+s7+$0x0] =	vst.idx.msk $0xffff, v35  }
0x43b: {  	v52 =	vor.u32 v22, v37;
	v35 =	vld.idx.msk [tilespmem:v51+s28+$0x0], $0xffff  }
0x43c: {  	v53 =	vor.u32 v23, v37;
	_ =	sdelay $0x3  }
0x43d: {  	[tilespmem:v52+s7+$0x0] =	vst.idx.msk $0xffff, v35  }
0x43e: {  	v54 =	vor.u32 v24, v37;
	v35 =	vld.idx.msk [tilespmem:v53+s28+$0x0], $0xffff  }
0x43f: {  	v55 =	vor.u32 v25, v37;
	_ =	sdelay $0x3  }
0x440: {  	[tilespmem:v54+s7+$0x0] =	vst.idx.msk $0xffff, v35  }
0x441: {  	v56 =	vor.u32 v26, v37;
	v35 =	vld.idx.msk [tilespmem:v55+s28+$0x0], $0xffff  }
0x442: {  	v57 =	vor.u32 v27, v37;
	_ =	sdelay $0x3  }
0x443: {  	[tilespmem:v56+s7+$0x0] =	vst.idx.msk $0xffff, v35  }
0x444: {  	v58 =	vor.u32 v28, v37;
	v35 =	vld.idx.msk [tilespmem:v57+s28+$0x0], $0xffff  }
0x445: {  	v59 =	vor.u32 v29, v37;
	_ =	sdelay $0x3  }
0x446: {  	[tilespmem:v58+s7+$0x0] =	vst.idx.msk $0xffff, v35  }
0x447: {  	v60 =	vor.u32 v30, v37;
	v35 =	vld.idx.msk [tilespmem:v59+s28+$0x0], $0xffff  }
0x448: {  	v61 =	vor.u32 v31, v37;
	_ =	sdelay $0x3  }
0x449: {  	[tilespmem:v60+s7+$0x0] =	vst.idx.msk $0xffff, v35  }
0x44a: {  	v33 =	vor.u32 v33, v37;
	v35 =	vld.idx.msk [tilespmem:v61+s28+$0x0], $0xffff  }
0x44b: {  	v62 =	vor.u32 v32, v37;
	_ =	sdelay $0x3  }
0x44c: {  	[tilespmem:v33+s7+$0x0] =	vst.idx.msk $0xffff, v35  }
0x44d: {  	v63 =	vor.u32 v34, v37;
	v33 =	vld.idx.msk [tilespmem:v62+s28+$0x0], $0xffff;
	_ =	sdelay $0x2  }
0x44e: {  	s21 =	sadd.s32 $0x1, s21  }
0x44f: {  	p0 =	sne.s32 s21, s9  }
.Ltmp4:
0x450: {  	s8 =	rddreg [dreg:$0x6];
	[tilespmem:v63+s7+$0x0] =	vst.idx.msk $0xffff, v33;
	(pc) =	sbr.rel @p0 .LBB2_1-.Ltmp4, $4  }
0x451: {  	[hbm4b:s8+s2] =	stream.linear.scatter [tilespmem:s7], [sflag:$0x3], $0x8000, $0x38;
	[tilespmem:$0x18200] =	vst v63  }
0x452: {  	_ =	swait.ge [sflag:s14], $0x8000  }
0x453: {  	[sflag:s14] =	ssyncset.done $0x0  }
0x454: {  	[sflag:s14] =	ssyncadd.s32 $0xFFFF8000  }
0x455: {  	_ =	sfence.sel $0x180000  }
0x456: {  	[bflag:$0x0] =	sbarrier.arrive $0xFFFF  }
0x457: {  	_ =	strace $0x9000004A  }
0x458: {  	s0 =	stileid.u32;
	[bflag:$0x2] =	sbarrier.arrive $0xFFFF  }
0x459: {  	p0 =	sne.s32 s0, $0x0;
	s0 =	rddreg [dreg:$0x2]  }
0x45a: {  	s0 =	sadd.s32 @!p0 $0x100000, s0  }
0x45b: {  	[sflag:s0] =	ssyncadd.tile.s32 @!p0 $0x1;
	_ =	shalt  }
.Lfunc_end2:
_tile_overlayer_lowered:
.L_overlay_start_2:
0x45c: {  	(tag) =	ssettag $0x2  }
0x45d: {  	s0 =	rddreg [dreg:$0x0];
	s2 =	stileid.u32  }
0x45e: {  	s1 =	rddreg [dreg:$0x1];
	p0 =	sne.s32 s2, $0x0  }
0x45f: {  	s3 =	rddreg [dreg:$0x2];
	[bflag:$0x3] =	sbarrier.arrive $0xFFFF;
	s2 =	simm.s32 @!p0 $0x1C03  }
0x460: {  	[timem:s3], [sflag:s2] =	dma.local @!p0 [hbm:s0], s1  }
0x461: {  	s0 =	simm.s32 @!p0 $0x3  }
0x462: {  	_ =	swait.ge @!p0 [sflag:s0], s1  }
0x463: {  	s1 =	ssub.s32 @!p0 $0x0, s1;
	[sflag:s0] =	ssyncset.done @!p0 $0x0  }
0x464: {  	[sflag:s0] =	ssyncadd.s32 @!p0 s1  }
0x465: {  	[bflag:$0x3] =	sbarrier.arrive $0xFFFF  }
0x466: {  	_ =	shalt  }

// kernel: kernel.9.cloned.1.call-start
scs
__scs_entry_jumppad:
0x0: {  	(pc) =	sbr.rel $0x88, $3  }
0x1: {  	(tag) =	ssettag $0x0;
	lr =	simm.s32 $0x1  }
0x2: {  	[smem:$0x3F9A] =	sst lr;
	_ =	strace $0xD0000000  }
0x3: {  	_ = 	snop  }
0x4: {  	_ = 	snop  }
0x5: {  	_ = 	snop  }
0x6: {  	_ = 	snop  }
0x7: {  	_ = 	snop  }
__scs_overlays_trampoline_lowered:
0x8: {  	[smem:$0x3FA9] =	sst s0  }
0x9: {  	[smem:$0x3FAA] =	sst s1  }
0xa: {  	[smem:$0x3FAB] =	sst s2  }
0xb: {  	[smem:$0x3FAC] =	sst s3  }
0xc: {  	[smem:$0x3FAD] =	sst s4  }
0xd: {  	[smem:$0x3FAE] =	sst s5  }
0xe: {  	[smem:$0x3FAF] =	sst s6  }
0xf: {  	[smem:$0x3FB0] =	sst s7  }
0x10: {  	[smem:$0x3FB1] =	sst s8  }
0x11: {  	[smem:$0x3FB2] =	sst s9;
	s0 =	simm.s32 @!p0 $0x0  }
0x12: {  	s1 =	sld [smem:$0x3F98];
	s0 =	simm.s32 @p0 $0x1  }
0x13: {  	[smem:$0x3FB3] =	sst s0;
	s0 =	simm.s32 @!p1 $0x0  }
0x14: {  	s2 =	sld [smem:$0x3F97];
	s0 =	simm.s32 @p1 $0x1  }
0x15: {  	[smem:$0x3FB4] =	sst s0;
	s0 =	simm.s32 @!p2 $0x0  }
0x16: {  	s3 =	sld [smem:$0x3FDB];
	s0 =	simm.s32 @p2 $0x1  }
0x17: {  	s4 =	simm.s32 $0x1BF5;
	[smem:$0x3FB6] =	sst s0  }
0x18: {  	s0 =	sld [smem:$0x3F99];
	_ =	swait.ge [sflag:s4], $0x0  }
0x19: {  	s7 =	sld [smem:$0x3F9A]  }
0x1a: {  	s8 =	sadd.s32 $0xFFFFE003, lr  }
0x1b: {  	s9 =	sadd.s32 $0xFFFFFEF7, lr;
	s5 =	simm.s32 $0xFFFFFFFF;
	p2 =	slt.u32 s8, $0xFFFFF086  }
0x1c: {  	p1 =	slt.u32 s9, $0xF7A;
	s5 =	simm.s32 @!p2 $0x0  }
0x1d: {  	s5 =	simm.s32 @p1 $0x1;
	p0 =	seq.s32 s7, s2  }
0x1e: {  	s7 =	smul.u32 @!p0 $0xF7A, s2;
	p2 =	seq.s32 @!p0 s5, $0x0  }
0x1f: {  	s9 =	smul.u32 $0xF7A, s1;
	s8 =	simm.s32 @!p0 $0x1BF5;
	p2 =	por !p2, p0  }
0x20: {  	[sflag:s8] =	ssyncset.s32 @!p0 $0xFFFFF086;
	s6 =	sadd.s32 @!p0 s3, s7;
	s7 =	simm.s32 @!p0 $0x108  }
0x21: {  	s3 =	sadd.s32 s3, s9;
	s6 =	sadd.s32 @!p0 $0x88, s6;
	s7 =	simm.s32 @p2 $0x1082  }
0x22: {  	[simem:s7], [sflag:s8] =	dma.local @!p0 [hbm:s6], $0xF7A  }
0x23: {  	s9 =	sor.u32 $0xD0000000, s2;
	s6 =	simm.s32 $0x108;
	_ =	swait.ge @!p0 [sflag:s8], $0x0  }
0x24: {  	s3 =	sadd.s32 $0x88, s3;
	s6 =	simm.s32 @!p1 $0x1082;
	[sflag:s4] =	ssyncset.s32 $0xFFFFF086  }
0x25: {  	[simem:s6], [sflag:s4] =	dma.local [hbm:s3], $0xF7A  }
0x26: {  	[smem:$0x3F9A] =	sst s1;
	(tag) =	ssettag s2;
	_ =	strace s9  }
0x27: {  	s1 =	sld [smem:$0x3FAA]  }
0x28: {  	s2 =	sld [smem:$0x3FAB]  }
0x29: {  	s4 =	sld [smem:$0x3FAD]  }
0x2a: {  	p0 =	seq.s32 s5, $0x0;
	s5 =	sld [smem:$0x3FAE]  }
0x2b: {  	s6 =	sld [smem:$0x3FAF]  }
0x2c: {  	s7 =	sld [smem:$0x3FB0]  }
0x2d: {  	s3 =	simm.s32 $0x108;
	s8 =	sld [smem:$0x3FB1]  }
0x2e: {  	s3 =	simm.s32 @!p0 $0x1082;
	s9 =	sld [smem:$0x3FB2]  }
0x2f: {  	lr =	sadd.s32 s0, s3;
	s0 =	sld [smem:$0x3FA9]  }
0x30: {  	s3 =	sld [smem:$0x3FAC]  }
0x31: {  	[smem:$0x3FB5] =	sst s10  }
0x32: {  	s10 =	sld [smem:$0x3FB3];
	_ =	sdelay $0x3  }
0x33: {  	p0 =	seq.s32 s10, $0x1;
	s10 =	sld [smem:$0x3FB5];
	_ =	sdelay $0x3  }
0x34: {  	[smem:$0x3FB5] =	sst s10  }
0x35: {  	s10 =	sld [smem:$0x3FB4];
	_ =	sdelay $0x3  }
0x36: {  	p1 =	seq.s32 s10, $0x1;
	s10 =	sld [smem:$0x3FB5];
	_ =	sdelay $0x3  }
0x37: {  	[smem:$0x3FB5] =	sst s10  }
0x38: {  	s10 =	sld [smem:$0x3FB6]  }
0x39: {  	_ = 	snop;
	(pc) =	sbr.ind lr, $3  }
0x3a: {  	_ = 	snop  }
0x3b: {  	_ = 	snop  }
0x3c: {  	p2 =	seq.s32 s10, $0x1;
	s10 =	sld [smem:$0x3FB5]  }
0x3d: {  	_ =	shalt  }
0x3e: {  	_ =	shalt  }
0x3f: {  	_ =	shalt  }
0x40: {  	_ =	shalt  }
0x41: {  	_ =	shalt  }
0x42: {  	_ =	shalt  }
0x43: {  	_ =	shalt  }
0x44: {  	_ =	shalt  }
0x45: {  	_ =	shalt  }
0x46: {  	_ =	shalt  }
0x47: {  	_ =	shalt  }
0x48: {  	_ =	shalt  }
0x49: {  	_ =	shalt  }
0x4a: {  	_ =	shalt  }
0x4b: {  	_ =	shalt  }
0x4c: {  	_ =	shalt  }
0x4d: {  	_ =	shalt  }
0x4e: {  	_ =	shalt  }
0x4f: {  	_ =	shalt  }
0x50: {  	_ =	shalt  }
0x51: {  	_ =	shalt  }
0x52: {  	_ =	shalt  }
0x53: {  	_ =	shalt  }
0x54: {  	_ =	shalt  }
0x55: {  	_ =	shalt  }
0x56: {  	_ =	shalt  }
0x57: {  	_ =	shalt  }
0x58: {  	_ =	shalt  }
0x59: {  	_ =	shalt  }
0x5a: {  	_ =	shalt  }
0x5b: {  	_ =	shalt  }
0x5c: {  	_ =	shalt  }
0x5d: {  	_ =	shalt  }
0x5e: {  	_ =	shalt  }
0x5f: {  	_ =	shalt  }
0x60: {  	_ =	shalt  }
0x61: {  	_ =	shalt  }
0x62: {  	_ =	shalt  }
0x63: {  	_ =	shalt  }
0x64: {  	_ =	shalt  }
0x65: {  	_ =	shalt  }
0x66: {  	_ =	shalt  }
0x67: {  	_ =	shalt  }
0x68: {  	_ =	shalt  }
0x69: {  	_ =	shalt  }
0x6a: {  	_ =	shalt  }
0x6b: {  	_ =	shalt  }
0x6c: {  	_ =	shalt  }
0x6d: {  	_ =	shalt  }
0x6e: {  	_ =	shalt  }
0x6f: {  	_ =	shalt  }
0x70: {  	_ =	shalt  }
0x71: {  	_ =	shalt  }
0x72: {  	_ =	shalt  }
0x73: {  	_ =	shalt  }
0x74: {  	_ =	shalt  }
0x75: {  	_ =	shalt  }
0x76: {  	_ =	shalt  }
0x77: {  	_ =	shalt  }
0x78: {  	_ =	shalt  }
0x79: {  	_ =	shalt  }
0x7a: {  	_ =	shalt  }
0x7b: {  	_ =	shalt  }
0x7c: {  	_ =	shalt  }
0x7d: {  	_ =	shalt  }
0x7e: {  	_ =	shalt  }
0x7f: {  	_ =	shalt  }
0x80: {  	_ =	shalt  }
0x81: {  	_ =	shalt  }
0x82: {  	_ =	shalt  }
0x83: {  	_ =	shalt  }
0x84: {  	_ =	shalt  }
0x85: {  	_ =	shalt  }
0x86: {  	_ =	shalt  }
0x87: {  	_ =	shalt  }
.Lfunc_end0:
.L_simem_size_0:
called_computation.1_lowered:
.L_overlay_start_0:
0x88: {  	s2 =	sld [smem:$0x3FD9]  }
0x89: {  	s3 =	sld [smem:$0x3FFE];
	_ =	sdelay $0x1  }
0x8a: {  	s1 =	srdreg.scid  }
0x8b: {  	s0 =	sand.u32 $0x1, s1  }
0x8c: {  	s17 =	sshll.u32 s0, $0xA;
	s2 =	sadd.s32 s3, s2  }
0x8d: {  	s2 =	sadd.s32 s2, s17  }
0x8e: {  	[smem:$0x3FC1] =	sst s2  }
0x8f: {  	_ = 	snop  }
0x90: {  	(tm) =	ssettm $0x1  }
0x91: {  	s18 =	sld [smem:$0x3FFB];
	_ =	sdelay $0x3  }
0x92: {  	_ =	strace s18  }
0x93: {  	s2 =	sld [smem:$0x3FFC];
	_ =	sdelay $0x3  }
0x94: {  	_ =	strace s2  }
0x95: {  	s2 =	sld [smem:$0x3FFD];
	_ =	sdelay $0x3  }
0x96: {  	_ =	strace s2  }
0x97: {  	_ =	strace $0x8FFFFFFF  }
0x98: {  	s19 =	sld [smem:$0x3FDB];
	_ =	sdelay $0x1  }
0x99: {  	s20 =	simm.s32 $_scs_section_size  }
0x9a: {  	s4 =	simm.s32 $_size__tile_overlayer_lowered;
	s5 =	simm.s32 $_tile_overlayer_lowered  }
0x9b: {  	s6 =	simm.s32 $0x1BFF;
	s21 =	sshll.u32 s5, $0x1;
	s3 =	sadd.s32 s20, s19  }
0x9c: {  	s22 =	simm.s32 $0x0;
	s4 =	sshll.u32 s4, $0x1;
	s5 =	sadd.s32 s21, s3  }
0x9d: {  	[timem:s22], [sflag:s6] =	dma.local [hbm:s5], s4  }
0x9e: {  	_ =	swait.ge [sflag:s6], s4  }
0x9f: {  	s4 =	ssub.s32 $0x0, s4;
	[sflag:s6] =	ssyncset.done $0x0  }
0xa0: {  	[sflag:s6] =	ssyncadd.s32 s4;
	_ =	sdelay $0x1  }
0xa1: {  	s23 =	simm.s32 $0x1B8B  }
0xa2: {  	_ =	swait.ge [sflag:s23], $0x1  }
0xa3: {  	[sflag:s23] =	ssyncset.done $0x0  }
0xa4: {  	[sflag:s23] =	ssyncadd.s32 $0xFFFFFFFF  }
0xa5: {  	s4 =	sld [smem:$0x0]  }
0xa6: {  	s5 =	sand.u32 $0xFFFFFFFE, s1  }
0xa7: {  	p0 =	sne.s32 s1, s5  }
0xa8: {  	s5 =	sshll.u32 @p0 s5, $0xE  }
0xa9: {  	s5 =	sadd.s32 @p0 $0x11B8D, s5;
	s6 =	sshll.u32 @p0 s4, $0x11  }
0xaa: {  	s5 =	sor.u32 @p0 s6, s5  }
0xab: {  	[sflag:s5] =	ssyncadd.remote.s32 @p0 $0x1;
	_ =	sdelay $0x1  }
0xac: {  	s5 =	simm.s32 @p0 $0x1B8D  }
0xad: {  	_ =	swait.eq @p0 [sflag:s5], $0x1  }
0xae: {  	[sflag:s5] =	ssyncadd.s32 @p0 $0xFFFFFFFF  }
0xaf: {  	s6 =	sshll.u32 @!p0 s1, $0xE  }
0xb0: {  	s6 =	sor.u32 @!p0 $0x4000, s6;
	s5 =	simm.s32 @!p0 $0x1B8D  }
0xb1: {  	s4 =	sshll.u32 @!p0 s4, $0x11;
	s6 =	sadd.s32 @!p0 $0x11B8D, s6;
	_ =	swait.eq @!p0 [sflag:s5], $0x1  }
0xb2: {  	s4 =	sor.u32 @!p0 s4, s6;
	[sflag:s5] =	ssyncadd.s32 @!p0 $0xFFFFFFFF  }
0xb3: {  	s25 =	simm.s32 $0x1B8E;
	s24 =	sld [smem:$0x3FFE];
	[sflag:s4] =	ssyncadd.remote.s32 @!p0 $0x1  }
0xb4: {  	s26 =	simm.s32 $execute0_lowered;
	[smem:$0x3FD2] =	sst s25  }
0xb5: {  	s5 =	sshll.u32 s26, $0x1;
	_ =	strace $0x8000004C;
	[dreg:$0x1] =	wrdreg $0xFFFFFFFF  }
0xb6: {  	s28 =	simm.s32 $_size_execute0_lowered;
	s3 =	sadd.s32 s3, s5;
	[dreg:$0x0] =	wrdreg $0x0  }
0xb7: {  	s5 =	sshll.u32 s28, $0x1;
	[dreg:$0x2] =	wrdreg s3  }
0xb8: {  	[dreg:$0x3] =	wrdreg s5  }
0xb9: {  	[dreg:$0x4] =	wrdreg $0xC0  }
0xba: {  	_ =	task [dreg:s22], $0x5FFFF  }
0xbb: {  	[dreg:$0x1] =	wrdreg $0xFFFFFFFF  }
0xbc: {  	[dreg:$0x0] =	wrdreg $0x60  }
0xbd: {  	[dreg:$0x2] =	wrdreg s24  }
0xbe: {  	[dreg:$0x3] =	wrdreg $0xA  }
0xbf: {  	_ =	task.clear_ibuf [dreg:s22], $0x4FFFF;
	_ =	strace $0x9000004C  }
0xc0: {  	s29 =	simm.s32 $0xA;
	_ =	strace $0x8000004E  }
0xc1: {  	_ =	swait.ge [sflag:s29], $0x1  }
0xc2: {  	[sflag:s29] =	ssyncadd.s32 $0xFFFFFFFF  }
0xc3: {  	_ =	strace $0x9000004E  }
0xc4: {  	_ =	sfence  }
0xc5: {  	s30 =	sld [smem:$0x0];
	_ =	sdelay $0x2  }
0xc6: {  	s31 =	sshll.u32 s1, $0xD;
	s1 =	sshrl.u32 s1, $0x2  }
0xc7: {  	s4 =	sand.u32 $0x4000, s31;
	s1 =	sadd.s32 s1, s30  }
0xc8: {  	s0 =	sor.u32 s4, s0;
	s1 =	sshll.u32 s1, $0x11  }
0xc9: {  	s0 =	sor.u32 s1, s0  }
0xca: {  	s0 =	sadd.s32 $0x8F2B, s0  }
0xcb: {  	[sflag:s0] =	ssyncadd.remote.s32 $0x1  }
0xcc: {  	_ =	sfence.sel $0xFFFF  }
0xcd: {  	[dreg:$0x0] =	wrdreg $0xFFFFFFFF;
	(pc) =	sbr.abs _section_cstart, $3  }
0xce: {  	[dreg:$0x1] =	wrdreg $0xFFFFFFFF  }
0xcf: {  	_ =	task.clear_ibuf [dreg:s22], $0x2FFFF;
	_ =	strace $0x9FFFFFFF  }
0xd0: {  	(tm) =	ssettm $0x7FFFFFFF  }
0xd1: {  	_ =	shalt  }
tec
execute0_lowered:
.L_overlay_start_1:
0x0: {  	(tag) =	ssettag $0x1  }
0x1: {  	s0 =	srdreg.scid;
	s1 =	stileid.u32  }
0x2: {  	s3 =	rddreg [dreg:$0x0];
	s13 =	simm.s32 $0x2;
	s15 =	simm.s32 $0xA00  }
0x3: {  	s16 =	simm.s32 $0x1200;
	s17 =	simm.s32 $0x1A00;
	s18 =	simm.s32 $0x2200  }
0x4: {  	s19 =	simm.s32 $0x2A00;
	s20 =	simm.s32 $0x3200;
	s21 =	simm.s32 $0x3A00  }
0x5: {  	s23 =	simm.s32 $0x4200;
	s28 =	simm.s32 $0x6200;
	s29 =	simm.s32 $0x6A00  }
0x6: {  	s30 =	simm.s32 $0x7200;
	s31 =	simm.s32 $0x7A00;
	s22 =	simm.s32 $0x9200  }
0x7: {  	s7 =	simm.s32 $0x9A00;
	s8 =	simm.s32 $0xA200;
	s0 =	sand.u32 $0x1, s0  }
0x8: {  	s9 =	simm.s32 $0xAA00;
	s1 =	sshll.u32 s1, $0xA;
	s2 =	sshll.u32 s0, $0x9  }
0x9: {  	s10 =	simm.s32 $0xB200;
	s11 =	simm.s32 $0xBA00;
	s1 =	sor.u32 s2, s1  }
0xa: {  	s0 =	ssub.s32 $0x2, s0;
	s2 =	simm.s32 $0x0;
	s4 =	sshrl.u32 s1, $0x3  }
0xb: {  	s5 =	sshrl.u32 s0, $0x1;
	s1 =	sshll.u32 s1, $0x5;
	s4 =	sadd.s32 s4, s3  }
0xc: {  	[smem:$0x7FF] =	sst s2;
	s1 =	sadd.s32 s1, s3;
	s4 =	sadd.s32 $0x1E00, s4  }
0xd: {  	_ =	strace $0x8000004D;
	s24 =	sadd.s32 $0xA2A200, s1;
	[dreg:$0x2] =	wrdreg s4  }
0xe: {  	s0 =	ssub.s32 s0, s5;
	s25 =	sadd.s32 $0xA2B200, s1;
	[dreg:$0x3] =	wrdreg s24  }
0xf: {  	s5 =	simm.s32 $0x3;
	s26 =	sadd.s32 $0xA2C200, s1;
	[dreg:$0x4] =	wrdreg s25  }
0x10: {  	v2 =	vlaneseq.u32;
	s3 =	sadd.s32 $0x71CE00, s3;
	s1 =	sadd.s32 $0xA2D200, s1;
	[dreg:$0x5] =	wrdreg s26  }
0x11: {  	vm0 =	vmmov $0xffff;
	v1 =	vshrl.u32 v2, $0x3;
	[dreg:$0x6] =	wrdreg s1;
	s4 =	smax.u32 s0, $0x1;
	s1 =	simm.s32 $0x1  }
0x12: {  	v0 =	vand.u32 $0x7, v2;
	v2 =	vor.u32 $0x8, v2;
	v1 =	vmul.u32 $0x8, v1;
	s24 =	simm.s32 $0x4A00;
	s25 =	simm.s32 $0x5200;
	s26 =	simm.s32 $0x5A00  }
.LBB2_1:
0x13: {  	s14 =	rddreg [dreg:$0x2]  }
0x14: {  	[tilespmem:s2], [sflag:$0x3] =	stream.linear.gather [hbm4b:s14+s2], $0x200, $0x38;
	[tilespmem:$0x10200] =	vst v63  }
0x15: {  	_ =	swait.ge [sflag:s5], $0x200  }
0x16: {  	[sflag:s5] =	ssyncset.done $0x0  }
0x17: {  	[sflag:s5] =	ssyncadd.s32 $0xFFFFFE00  }
0x18: {  	v3 =	vld [tilespmem:$0x0];
	_ =	sdelay $0x4  }
0x19: {  	v4 =	vshll.u32 v3, $0x1  }
0x1a: {  	v3 =	vand.u32 $0x7, v3;
	v4 =	vand.u32 $0xFFFFFFF0, v4  }
0x1b: {  	v3 =	vor.u32 v3, v4  }
0x1c: {  	v4 =	vperm.xlane v3, v0;
	_ =	sdelay $0x1  }
0x1d: {  	v3 =	vperm.xlane v3, v2;
	v4 =	vadd.s32 v1, v4;
	_ =	sdelay $0x1  }
0x1e: {  	v3 =	vadd.s32 v1, v3;
	_ =	sdelay $0x1  }
0x1f: {  	s0 =	simm.s32 $0x200  }
0x20: {  	[tilespmem:s0], [sflag:$0x1] =	stream.indirect_vreg.gather [hbm4b:s3+s2], $0x80, v4, vm0, $0xb8;
	[tilespmem:$0x10200] =	vst v63  }
0x21: {  	_ = 	snop  }
0x22: {  	[tilespmem:s15], [sflag:$0x1] =	stream.indirect_vreg.gather [hbm4b:s3+s2], $0x80, v3, vm0, $0xb8;
	[tilespmem:$0x10200] =	vst v63  }
0x23: {  	v3 =	vld [tilespmem:$0x10];
	_ =	sdelay $0x4  }
0x24: {  	v33 =	vshll.u32 v3, $0x1  }
0x25: {  	v3 =	vand.u32 $0x7, v3;
	v4 =	vand.u32 $0xFFFFFFF0, v33  }
0x26: {  	v3 =	vor.u32 v3, v4  }
0x27: {  	v4 =	vperm.xlane v3, v0;
	_ =	sdelay $0x1  }
0x28: {  	v3 =	vperm.xlane v3, v2;
	v4 =	vadd.s32 v1, v4;
	_ =	sdelay $0x1  }
0x29: {  	v3 =	vadd.s32 v1, v3;
	_ =	sdelay $0x2  }
0x2a: {  	[tilespmem:s16], [sflag:$0x1] =	stream.indirect_vreg.gather [hbm4b:s3+s2], $0x80, v4, vm0, $0xb8;
	[tilespmem:$0x10200] =	vst v63  }
0x2b: {  	_ = 	snop  }
0x2c: {  	[tilespmem:s17], [sflag:$0x1] =	stream.indirect_vreg.gather [hbm4b:s3+s2], $0x80, v3, vm0, $0xb8;
	[tilespmem:$0x10200] =	vst v63  }
0x2d: {  	v3 =	vld [tilespmem:$0x20];
	_ =	sdelay $0x4  }
0x2e: {  	v34 =	vshll.u32 v3, $0x1  }
0x2f: {  	v3 =	vand.u32 $0x7, v3;
	v4 =	vand.u32 $0xFFFFFFF0, v34  }
0x30: {  	v3 =	vor.u32 v3, v4  }
0x31: {  	v4 =	vperm.xlane v3, v0;
	_ =	sdelay $0x1  }
0x32: {  	v3 =	vperm.xlane v3, v2;
	v4 =	vadd.s32 v1, v4;
	_ =	sdelay $0x1  }
0x33: {  	v3 =	vadd.s32 v1, v3;
	_ =	sdelay $0x2  }
0x34: {  	[tilespmem:s18], [sflag:$0x1] =	stream.indirect_vreg.gather [hbm4b:s3+s2], $0x80, v4, vm0, $0xb8;
	[tilespmem:$0x10200] =	vst v63  }
0x35: {  	_ = 	snop  }
0x36: {  	[tilespmem:s19], [sflag:$0x1] =	stream.indirect_vreg.gather [hbm4b:s3+s2], $0x80, v3, vm0, $0xb8;
	[tilespmem:$0x10200] =	vst v63  }
0x37: {  	v3 =	vld [tilespmem:$0x30];
	_ =	sdelay $0x4  }
0x38: {  	v35 =	vshll.u32 v3, $0x1  }
0x39: {  	v3 =	vand.u32 $0x7, v3;
	v4 =	vand.u32 $0xFFFFFFF0, v35  }
0x3a: {  	v3 =	vor.u32 v3, v4  }
0x3b: {  	v4 =	vperm.xlane v3, v0;
	_ =	sdelay $0x1  }
0x3c: {  	v3 =	vperm.xlane v3, v2;
	v4 =	vadd.s32 v1, v4;
	_ =	sdelay $0x1  }
0x3d: {  	v3 =	vadd.s32 v1, v3;
	_ =	sdelay $0x2  }
0x3e: {  	[tilespmem:s20], [sflag:$0x1] =	stream.indirect_vreg.gather [hbm4b:s3+s2], $0x80, v4, vm0, $0xb8;
	[tilespmem:$0x10200] =	vst v63  }
0x3f: {  	_ = 	snop  }
0x40: {  	[tilespmem:s21], [sflag:$0x1] =	stream.indirect_vreg.gather [hbm4b:s3+s2], $0x80, v3, vm0, $0xb8;
	[tilespmem:$0x10200] =	vst v63  }
0x41: {  	v3 =	vld [tilespmem:$0x40];
	_ =	sdelay $0x4  }
0x42: {  	v36 =	vshll.u32 v3, $0x1  }
0x43: {  	v3 =	vand.u32 $0x7, v3;
	v4 =	vand.u32 $0xFFFFFFF0, v36  }
0x44: {  	v3 =	vor.u32 v3, v4  }
0x45: {  	v4 =	vperm.xlane v3, v0;
	_ =	sdelay $0x1  }
0x46: {  	v3 =	vperm.xlane v3, v2;
	v4 =	vadd.s32 v1, v4;
	_ =	sdelay $0x1  }
0x47: {  	v3 =	vadd.s32 v1, v3;
	_ =	sdelay $0x2  }
0x48: {  	[tilespmem:s23], [sflag:$0x1] =	stream.indirect_vreg.gather [hbm4b:s3+s2], $0x80, v4, vm0, $0xb8;
	[tilespmem:$0x10200] =	vst v63  }
0x49: {  	_ = 	snop  }
0x4a: {  	[tilespmem:s24], [sflag:$0x1] =	stream.indirect_vreg.gather [hbm4b:s3+s2], $0x80, v3, vm0, $0xb8;
	[tilespmem:$0x10200] =	vst v63  }
0x4b: {  	v3 =	vld [tilespmem:$0x50];
	_ =	sdelay $0x4  }
0x4c: {  	v37 =	vshll.u32 v3, $0x1  }
0x4d: {  	v3 =	vand.u32 $0x7, v3;
	v4 =	vand.u32 $0xFFFFFFF0, v37  }
0x4e: {  	v3 =	vor.u32 v3, v4  }
0x4f: {  	v4 =	vperm.xlane v3, v0;
	_ =	sdelay $0x1  }
0x50: {  	v3 =	vperm.xlane v3, v2;
	v4 =	vadd.s32 v1, v4;
	_ =	sdelay $0x1  }
0x51: {  	v3 =	vadd.s32 v1, v3;
	_ =	sdelay $0x2  }
0x52: {  	[tilespmem:s25], [sflag:$0x1] =	stream.indirect_vreg.gather [hbm4b:s3+s2], $0x80, v4, vm0, $0xb8;
	[tilespmem:$0x10200] =	vst v63  }
0x53: {  	_ = 	snop  }
0x54: {  	[tilespmem:s26], [sflag:$0x1] =	stream.indirect_vreg.gather [hbm4b:s3+s2], $0x80, v3, vm0, $0xb8;
	[tilespmem:$0x10200] =	vst v63  }
0x55: {  	v3 =	vld [tilespmem:$0x60];
	_ =	sdelay $0x4  }
0x56: {  	v38 =	vshll.u32 v3, $0x1  }
0x57: {  	v3 =	vand.u32 $0x7, v3;
	v4 =	vand.u32 $0xFFFFFFF0, v38  }
0x58: {  	v3 =	vor.u32 v3, v4  }
0x59: {  	v4 =	vperm.xlane v3, v0;
	_ =	sdelay $0x1  }
0x5a: {  	v3 =	vperm.xlane v3, v2;
	v4 =	vadd.s32 v1, v4;
	_ =	sdelay $0x1  }
0x5b: {  	v3 =	vadd.s32 v1, v3;
	_ =	sdelay $0x2  }
0x5c: {  	[tilespmem:s28], [sflag:$0x1] =	stream.indirect_vreg.gather [hbm4b:s3+s2], $0x80, v4, vm0, $0xb8;
	[tilespmem:$0x10200] =	vst v63  }
0x5d: {  	_ = 	snop  }
0x5e: {  	[tilespmem:s29], [sflag:$0x1] =	stream.indirect_vreg.gather [hbm4b:s3+s2], $0x80, v3, vm0, $0xb8;
	[tilespmem:$0x10200] =	vst v63  }
0x5f: {  	v3 =	vld [tilespmem:$0x70];
	_ =	sdelay $0x4  }
0x60: {  	v39 =	vshll.u32 v3, $0x1  }
0x61: {  	v3 =	vand.u32 $0x7, v3;
	v4 =	vand.u32 $0xFFFFFFF0, v39  }
0x62: {  	v3 =	vor.u32 v3, v4  }
0x63: {  	v4 =	vperm.xlane v3, v0;
	_ =	sdelay $0x1  }
0x64: {  	v3 =	vperm.xlane v3, v2;
	v4 =	vadd.s32 v1, v4;
	_ =	sdelay $0x1  }
0x65: {  	v3 =	vadd.s32 v1, v3;
	_ =	sdelay $0x2  }
0x66: {  	[tilespmem:s30], [sflag:$0x1] =	stream.indirect_vreg.gather [hbm4b:s3+s2], $0x80, v4, vm0, $0xb8;
	[tilespmem:$0x10200] =	vst v63  }
0x67: {  	_ = 	snop  }
0x68: {  	[tilespmem:s31], [sflag:$0x1] =	stream.indirect_vreg.gather [hbm4b:s3+s2], $0x80, v3, vm0, $0xb8;
	[tilespmem:$0x10200] =	vst v63  }
0x69: {  	v3 =	vld [tilespmem:$0x80];
	_ =	sdelay $0x4  }
0x6a: {  	v40 =	vshll.u32 v3, $0x1  }
0x6b: {  	v3 =	vand.u32 $0x7, v3;
	v4 =	vand.u32 $0xFFFFFFF0, v40  }
0x6c: {  	v3 =	vor.u32 v3, v4  }
0x6d: {  	v4 =	vperm.xlane v3, v0;
	_ =	sdelay $0x1  }
0x6e: {  	v3 =	vperm.xlane v3, v2;
	v4 =	vadd.s32 v1, v4;
	_ =	sdelay $0x1  }
0x6f: {  	v3 =	vadd.s32 v1, v3;
	_ =	sdelay $0x1  }
0x70: {  	s0 =	simm.s32 $0x8200  }
0x71: {  	[tilespmem:s0], [sflag:$0x2] =	stream.indirect_vreg.gather [hbm4b:s3+s2], $0x80, v4, vm0, $0xb8;
	[tilespmem:$0x10200] =	vst v63  }
0x72: {  	s6 =	simm.s32 $0x8A00  }
0x73: {  	[tilespmem:s6], [sflag:$0x2] =	stream.indirect_vreg.gather [hbm4b:s3+s2], $0x80, v3, vm0, $0xb8;
	[tilespmem:$0x10200] =	vst v63  }
0x74: {  	v3 =	vld [tilespmem:$0x90];
	_ =	sdelay $0x4  }
0x75: {  	v41 =	vshll.u32 v3, $0x1  }
0x76: {  	v3 =	vand.u32 $0x7, v3;
	v4 =	vand.u32 $0xFFFFFFF0, v41  }
0x77: {  	v3 =	vor.u32 v3, v4  }
0x78: {  	v4 =	vperm.xlane v3, v0;
	_ =	sdelay $0x1  }
0x79: {  	v3 =	vperm.xlane v3, v2;
	v4 =	vadd.s32 v1, v4;
	_ =	sdelay $0x1  }
0x7a: {  	v3 =	vadd.s32 v1, v3;
	_ =	sdelay $0x2  }
0x7b: {  	[tilespmem:s22], [sflag:$0x2] =	stream.indirect_vreg.gather [hbm4b:s3+s2], $0x80, v4, vm0, $0xb8;
	[tilespmem:$0x10200] =	vst v63  }
0x7c: {  	_ = 	snop  }
0x7d: {  	[tilespmem:s7], [sflag:$0x2] =	stream.indirect_vreg.gather [hbm4b:s3+s2], $0x80, v3, vm0, $0xb8;
	[tilespmem:$0x10200] =	vst v63  }
0x7e: {  	v3 =	vld [tilespmem:$0xA0];
	_ =	sdelay $0x4  }
0x7f: {  	v42 =	vshll.u32 v3, $0x1  }
0x80: {  	v3 =	vand.u32 $0x7, v3;
	v4 =	vand.u32 $0xFFFFFFF0, v42  }
0x81: {  	v3 =	vor.u32 v3, v4  }
0x82: {  	v4 =	vperm.xlane v3, v0;
	_ =	sdelay $0x1  }
0x83: {  	v3 =	vperm.xlane v3, v2;
	v4 =	vadd.s32 v1, v4;
	_ =	sdelay $0x1  }
0x84: {  	v3 =	vadd.s32 v1, v3;
	_ =	sdelay $0x2  }
0x85: {  	[tilespmem:s8], [sflag:$0x2] =	stream.indirect_vreg.gather [hbm4b:s3+s2], $0x80, v4, vm0, $0xb8;
	[tilespmem:$0x10200] =	vst v63  }
0x86: {  	_ = 	snop  }
0x87: {  	[tilespmem:s9], [sflag:$0x2] =	stream.indirect_vreg.gather [hbm4b:s3+s2], $0x80, v3, vm0, $0xb8;
	[tilespmem:$0x10200] =	vst v63  }
0x88: {  	v3 =	vld [tilespmem:$0xB0];
	_ =	sdelay $0x4  }
0x89: {  	v43 =	vshll.u32 v3, $0x1  }
0x8a: {  	v3 =	vand.u32 $0x7, v3;
	v4 =	vand.u32 $0xFFFFFFF0, v43  }
0x8b: {  	v3 =	vor.u32 v3, v4  }
0x8c: {  	v4 =	vperm.xlane v3, v0;
	_ =	sdelay $0x1  }
0x8d: {  	v3 =	vperm.xlane v3, v2;
	v4 =	vadd.s32 v1, v4;
	_ =	sdelay $0x1  }
0x8e: {  	v3 =	vadd.s32 v1, v3;
	_ =	sdelay $0x2  }
0x8f: {  	[tilespmem:s10], [sflag:$0x2] =	stream.indirect_vreg.gather [hbm4b:s3+s2], $0x80, v4, vm0, $0xb8;
	[tilespmem:$0x10200] =	vst v63  }
0x90: {  	_ = 	snop  }
0x91: {  	[tilespmem:s11], [sflag:$0x2] =	stream.indirect_vreg.gather [hbm4b:s3+s2], $0x80, v3, vm0, $0xb8;
	[tilespmem:$0x10200] =	vst v63  }
0x92: {  	v3 =	vld [tilespmem:$0xC0];
	_ =	sdelay $0x4  }
0x93: {  	v44 =	vshll.u32 v3, $0x1  }
0x94: {  	v3 =	vand.u32 $0x7, v3;
	v4 =	vand.u32 $0xFFFFFFF0, v44  }
0x95: {  	v3 =	vor.u32 v3, v4  }
0x96: {  	v4 =	vperm.xlane v3, v0;
	_ =	sdelay $0x1  }
0x97: {  	v3 =	vperm.xlane v3, v2;
	v4 =	vadd.s32 v1, v4;
	_ =	sdelay $0x1  }
0x98: {  	v3 =	vadd.s32 v1, v3;
	_ =	sdelay $0x1  }
0x99: {  	s6 =	simm.s32 $0xC200  }
0x9a: {  	[tilespmem:s6], [sflag:$0x2] =	stream.indirect_vreg.gather [hbm4b:s3+s2], $0x80, v4, vm0, $0xb8;
	[tilespmem:$0x10200] =	vst v63  }
0x9b: {  	s12 =	simm.s32 $0xCA00  }
0x9c: {  	[tilespmem:s12], [sflag:$0x2] =	stream.indirect_vreg.gather [hbm4b:s3+s2], $0x80, v3, vm0, $0xb8;
	[tilespmem:$0x10200] =	vst v63  }
0x9d: {  	v3 =	vld [tilespmem:$0xD0];
	_ =	sdelay $0x4  }
0x9e: {  	v45 =	vshll.u32 v3, $0x1  }
0x9f: {  	v3 =	vand.u32 $0x7, v3;
	v4 =	vand.u32 $0xFFFFFFF0, v45  }
0xa0: {  	v3 =	vor.u32 v3, v4  }
0xa1: {  	v4 =	vperm.xlane v3, v0;
	_ =	sdelay $0x1  }
0xa2: {  	v3 =	vperm.xlane v3, v2;
	v4 =	vadd.s32 v1, v4;
	_ =	sdelay $0x1  }
0xa3: {  	v3 =	vadd.s32 v1, v3;
	_ =	sdelay $0x1  }
0xa4: {  	s14 =	simm.s32 $0xD200  }
0xa5: {  	[tilespmem:s14], [sflag:$0x2] =	stream.indirect_vreg.gather [hbm4b:s3+s2], $0x80, v4, vm0, $0xb8;
	[tilespmem:$0x10200] =	vst v63  }
0xa6: {  	s14 =	simm.s32 $0xDA00  }
0xa7: {  	[tilespmem:s14], [sflag:$0x2] =	stream.indirect_vreg.gather [hbm4b:s3+s2], $0x80, v3, vm0, $0xb8;
	[tilespmem:$0x10200] =	vst v63  }
0xa8: {  	v3 =	vld [tilespmem:$0xE0];
	_ =	sdelay $0x4  }
0xa9: {  	v46 =	vshll.u32 v3, $0x1  }
0xaa: {  	v3 =	vand.u32 $0x7, v3;
	v4 =	vand.u32 $0xFFFFFFF0, v46  }
0xab: {  	v3 =	vor.u32 v3, v4  }
0xac: {  	v4 =	vperm.xlane v3, v0;
	_ =	sdelay $0x1  }
0xad: {  	v3 =	vperm.xlane v3, v2;
	v4 =	vadd.s32 v1, v4;
	_ =	sdelay $0x1  }
0xae: {  	v3 =	vadd.s32 v1, v3;
	_ =	sdelay $0x1  }
0xaf: {  	s14 =	simm.s32 $0xE200  }
0xb0: {  	[tilespmem:s14], [sflag:$0x2] =	stream.indirect_vreg.gather [hbm4b:s3+s2], $0x80, v4, vm0, $0xb8;
	[tilespmem:$0x10200] =	vst v63  }
0xb1: {  	s14 =	simm.s32 $0xEA00  }
0xb2: {  	[tilespmem:s14], [sflag:$0x2] =	stream.indirect_vreg.gather [hbm4b:s3+s2], $0x80, v3, vm0, $0xb8;
	[tilespmem:$0x10200] =	vst v63  }
0xb3: {  	v3 =	vld [tilespmem:$0xF0];
	_ =	sdelay $0x4  }
0xb4: {  	v47 =	vshll.u32 v3, $0x1  }
0xb5: {  	v3 =	vand.u32 $0x7, v3;
	v4 =	vand.u32 $0xFFFFFFF0, v47  }
0xb6: {  	v3 =	vor.u32 v3, v4  }
0xb7: {  	v4 =	vperm.xlane v3, v0;
	_ =	sdelay $0x1  }
0xb8: {  	v3 =	vperm.xlane v3, v2;
	v4 =	vadd.s32 v1, v4;
	_ =	sdelay $0x1  }
0xb9: {  	v3 =	vadd.s32 v1, v3;
	_ =	sdelay $0x1  }
0xba: {  	s14 =	simm.s32 $0xF200  }
0xbb: {  	[tilespmem:s14], [sflag:$0x2] =	stream.indirect_vreg.gather [hbm4b:s3+s2], $0x80, v4, vm0, $0xb8;
	[tilespmem:$0x10200] =	vst v63  }
0xbc: {  	s14 =	simm.s32 $0xFA00  }
0xbd: {  	[tilespmem:s14], [sflag:$0x2] =	stream.indirect_vreg.gather [hbm4b:s3+s2], $0x80, v3, vm0, $0xb8;
	[tilespmem:$0x10200] =	vst v63  }
0xbe: {  	_ =	swait.ge [sflag:s1], $0x8000  }
0xbf: {  	[sflag:s1] =	ssyncset.done $0x0  }
0xc0: {  	s12 =	simm.s32 $0x200;
	s14 =	rddreg [dreg:$0x3];
	[sflag:s1] =	ssyncadd.s32 $0xFFFF8000  }
0xc1: {  	[hbm4b:s14+s2] =	stream.linear.scatter [tilespmem:s12], [sflag:$0x3], $0x8000, $0x38;
	[tilespmem:$0x10200] =	vst v63  }
0xc2: {  	_ =	swait.ge [sflag:s5], $0x8000  }
0xc3: {  	[sflag:s5] =	ssyncset.done $0x0  }
0xc4: {  	[sflag:s5] =	ssyncadd.s32 $0xFFFF8000  }
0xc5: {  	v3 =	vld [tilespmem:$0x100];
	_ =	sdelay $0x4  }
0xc6: {  	v48 =	vshll.u32 v3, $0x1  }
0xc7: {  	v3 =	vand.u32 $0x7, v3;
	v4 =	vand.u32 $0xFFFFFFF0, v48  }
0xc8: {  	v3 =	vor.u32 v3, v4  }
0xc9: {  	v4 =	vperm.xlane v3, v0;
	_ =	sdelay $0x1  }
0xca: {  	v3 =	vperm.xlane v3, v2;
	v4 =	vadd.s32 v1, v4;
	_ =	sdelay $0x1  }
0xcb: {  	v3 =	vadd.s32 v1, v3;
	_ =	sdelay $0x2  }
0xcc: {  	[tilespmem:s12], [sflag:$0x1] =	stream.indirect_vreg.gather [hbm4b:s3+s2], $0x80, v4, vm0, $0xb8;
	[tilespmem:$0x10200] =	vst v63  }
0xcd: {  	_ = 	snop  }
0xce: {  	[tilespmem:s15], [sflag:$0x1] =	stream.indirect_vreg.gather [hbm4b:s3+s2], $0x80, v3, vm0, $0xb8;
	[tilespmem:$0x10200] =	vst v63  }
0xcf: {  	v3 =	vld [tilespmem:$0x110];
	_ =	sdelay $0x4  }
0xd0: {  	v49 =	vshll.u32 v3, $0x1  }
0xd1: {  	v3 =	vand.u32 $0x7, v3;
	v4 =	vand.u32 $0xFFFFFFF0, v49  }
0xd2: {  	v3 =	vor.u32 v3, v4  }
0xd3: {  	v4 =	vperm.xlane v3, v0;
	_ =	sdelay $0x1  }
0xd4: {  	v3 =	vperm.xlane v3, v2;
	v4 =	vadd.s32 v1, v4;
	_ =	sdelay $0x1  }
0xd5: {  	v3 =	vadd.s32 v1, v3;
	_ =	sdelay $0x2  }
0xd6: {  	[tilespmem:s16], [sflag:$0x1] =	stream.indirect_vreg.gather [hbm4b:s3+s2], $0x80, v4, vm0, $0xb8;
	[tilespmem:$0x10200] =	vst v63  }
0xd7: {  	_ = 	snop  }
0xd8: {  	[tilespmem:s17], [sflag:$0x1] =	stream.indirect_vreg.gather [hbm4b:s3+s2], $0x80, v3, vm0, $0xb8;
	[tilespmem:$0x10200] =	vst v63  }
0xd9: {  	v3 =	vld [tilespmem:$0x120];
	_ =	sdelay $0x4  }
0xda: {  	v50 =	vshll.u32 v3, $0x1  }
0xdb: {  	v3 =	vand.u32 $0x7, v3;
	v4 =	vand.u32 $0xFFFFFFF0, v50  }
0xdc: {  	v3 =	vor.u32 v3, v4  }
0xdd: {  	v4 =	vperm.xlane v3, v0;
	_ =	sdelay $0x1  }
0xde: {  	v3 =	vperm.xlane v3, v2;
	v4 =	vadd.s32 v1, v4;
	_ =	sdelay $0x1  }
0xdf: {  	v3 =	vadd.s32 v1, v3;
	_ =	sdelay $0x2  }
0xe0: {  	[tilespmem:s18], [sflag:$0x1] =	stream.indirect_vreg.gather [hbm4b:s3+s2], $0x80, v4, vm0, $0xb8;
	[tilespmem:$0x10200] =	vst v63  }
0xe1: {  	_ = 	snop  }
0xe2: {  	[tilespmem:s19], [sflag:$0x1] =	stream.indirect_vreg.gather [hbm4b:s3+s2], $0x80, v3, vm0, $0xb8;
	[tilespmem:$0x10200] =	vst v63  }
0xe3: {  	v3 =	vld [tilespmem:$0x130];
	_ =	sdelay $0x4  }
0xe4: {  	v51 =	vshll.u32 v3, $0x1  }
0xe5: {  	v3 =	vand.u32 $0x7, v3;
	v4 =	vand.u32 $0xFFFFFFF0, v51  }
0xe6: {  	v3 =	vor.u32 v3, v4  }
0xe7: {  	v4 =	vperm.xlane v3, v0;
	_ =	sdelay $0x1  }
0xe8: {  	v3 =	vperm.xlane v3, v2;
	v4 =	vadd.s32 v1, v4;
	_ =	sdelay $0x1  }
0xe9: {  	v3 =	vadd.s32 v1, v3;
	_ =	sdelay $0x2  }
0xea: {  	[tilespmem:s20], [sflag:$0x1] =	stream.indirect_vreg.gather [hbm4b:s3+s2], $0x80, v4, vm0, $0xb8;
	[tilespmem:$0x10200] =	vst v63  }
0xeb: {  	_ = 	snop  }
0xec: {  	[tilespmem:s21], [sflag:$0x1] =	stream.indirect_vreg.gather [hbm4b:s3+s2], $0x80, v3, vm0, $0xb8;
	[tilespmem:$0x10200] =	vst v63  }
0xed: {  	v3 =	vld [tilespmem:$0x140];
	_ =	sdelay $0x4  }
0xee: {  	v52 =	vshll.u32 v3, $0x1  }
0xef: {  	v3 =	vand.u32 $0x7, v3;
	v4 =	vand.u32 $0xFFFFFFF0, v52  }
0xf0: {  	v3 =	vor.u32 v3, v4  }
0xf1: {  	v4 =	vperm.xlane v3, v0;
	_ =	sdelay $0x1  }
0xf2: {  	v3 =	vperm.xlane v3, v2;
	v4 =	vadd.s32 v1, v4;
	_ =	sdelay $0x1  }
0xf3: {  	v3 =	vadd.s32 v1, v3;
	_ =	sdelay $0x2  }
0xf4: {  	[tilespmem:s23], [sflag:$0x1] =	stream.indirect_vreg.gather [hbm4b:s3+s2], $0x80, v4, vm0, $0xb8;
	[tilespmem:$0x10200] =	vst v63  }
0xf5: {  	_ = 	snop  }
0xf6: {  	[tilespmem:s24], [sflag:$0x1] =	stream.indirect_vreg.gather [hbm4b:s3+s2], $0x80, v3, vm0, $0xb8;
	[tilespmem:$0x10200] =	vst v63  }
0xf7: {  	v3 =	vld [tilespmem:$0x150];
	_ =	sdelay $0x4  }
0xf8: {  	v53 =	vshll.u32 v3, $0x1  }
0xf9: {  	v3 =	vand.u32 $0x7, v3;
	v4 =	vand.u32 $0xFFFFFFF0, v53  }
0xfa: {  	v3 =	vor.u32 v3, v4  }
0xfb: {  	v4 =	vperm.xlane v3, v0;
	_ =	sdelay $0x1  }
0xfc: {  	v3 =	vperm.xlane v3, v2;
	v4 =	vadd.s32 v1, v4;
	_ =	sdelay $0x1  }
0xfd: {  	v3 =	vadd.s32 v1, v3;
	_ =	sdelay $0x2  }
0xfe: {  	[tilespmem:s25], [sflag:$0x1] =	stream.indirect_vreg.gather [hbm4b:s3+s2], $0x80, v4, vm0, $0xb8;
	[tilespmem:$0x10200] =	vst v63  }
0xff: {  	_ = 	snop  }
0x100: {  	[tilespmem:s26], [sflag:$0x1] =	stream.indirect_vreg.gather [hbm4b:s3+s2], $0x80, v3, vm0, $0xb8;
	[tilespmem:$0x10200] =	vst v63  }
0x101: {  	v3 =	vld [tilespmem:$0x160];
	_ =	sdelay $0x4  }
0x102: {  	v54 =	vshll.u32 v3, $0x1  }
0x103: {  	v3 =	vand.u32 $0x7, v3;
	v4 =	vand.u32 $0xFFFFFFF0, v54  }
0x104: {  	v3 =	vor.u32 v3, v4  }
0x105: {  	v4 =	vperm.xlane v3, v0;
	_ =	sdelay $0x1  }
0x106: {  	v3 =	vperm.xlane v3, v2;
	v4 =	vadd.s32 v1, v4;
	_ =	sdelay $0x1  }
0x107: {  	v3 =	vadd.s32 v1, v3;
	_ =	sdelay $0x2  }
0x108: {  	[tilespmem:s28], [sflag:$0x1] =	stream.indirect_vreg.gather [hbm4b:s3+s2], $0x80, v4, vm0, $0xb8;
	[tilespmem:$0x10200] =	vst v63  }
0x109: {  	_ = 	snop  }
0x10a: {  	[tilespmem:s29], [sflag:$0x1] =	stream.indirect_vreg.gather [hbm4b:s3+s2], $0x80, v3, vm0, $0xb8;
	[tilespmem:$0x10200] =	vst v63  }
0x10b: {  	v3 =	vld [tilespmem:$0x170];
	_ =	sdelay $0x4  }
0x10c: {  	v55 =	vshll.u32 v3, $0x1  }
0x10d: {  	v3 =	vand.u32 $0x7, v3;
	v4 =	vand.u32 $0xFFFFFFF0, v55  }
0x10e: {  	v3 =	vor.u32 v3, v4  }
0x10f: {  	v4 =	vperm.xlane v3, v0;
	_ =	sdelay $0x1  }
0x110: {  	v3 =	vperm.xlane v3, v2;
	v4 =	vadd.s32 v1, v4;
	_ =	sdelay $0x1  }
0x111: {  	v3 =	vadd.s32 v1, v3;
	_ =	sdelay $0x2  }
0x112: {  	[tilespmem:s30], [sflag:$0x1] =	stream.indirect_vreg.gather [hbm4b:s3+s2], $0x80, v4, vm0, $0xb8;
	[tilespmem:$0x10200] =	vst v63  }
0x113: {  	_ = 	snop  }
0x114: {  	[tilespmem:s31], [sflag:$0x1] =	stream.indirect_vreg.gather [hbm4b:s3+s2], $0x80, v3, vm0, $0xb8;
	[tilespmem:$0x10200] =	vst v63  }
0x115: {  	_ =	swait.ge [sflag:s13], $0x8000  }
0x116: {  	[sflag:s13] =	ssyncset.done $0x0  }
0x117: {  	s12 =	rddreg [dreg:$0x4];
	[sflag:s13] =	ssyncadd.s32 $0xFFFF8000  }
0x118: {  	[hbm4b:s12+s2] =	stream.linear.scatter [tilespmem:s0], [sflag:$0x3], $0x8000, $0x38;
	[tilespmem:$0x10200] =	vst v63  }
0x119: {  	_ =	swait.ge [sflag:s5], $0x8000  }
0x11a: {  	[sflag:s5] =	ssyncset.done $0x0  }
0x11b: {  	[sflag:s5] =	ssyncadd.s32 $0xFFFF8000  }
0x11c: {  	v3 =	vld [tilespmem:$0x180];
	_ =	sdelay $0x4  }
0x11d: {  	v56 =	vshll.u32 v3, $0x1  }
0x11e: {  	v3 =	vand.u32 $0x7, v3;
	v4 =	vand.u32 $0xFFFFFFF0, v56  }
0x11f: {  	v3 =	vor.u32 v3, v4  }
0x120: {  	v4 =	vperm.xlane v3, v0;
	_ =	sdelay $0x1  }
0x121: {  	v3 =	vperm.xlane v3, v2;
	v4 =	vadd.s32 v1, v4;
	_ =	sdelay $0x1  }
0x122: {  	v3 =	vadd.s32 v1, v3;
	_ =	sdelay $0x2  }
0x123: {  	[tilespmem:s0], [sflag:$0x2] =	stream.indirect_vreg.gather [hbm4b:s3+s2], $0x80, v4, vm0, $0xb8;
	[tilespmem:$0x10200] =	vst v63  }
0x124: {  	s14 =	simm.s32 $0x8A00  }
0x125: {  	[tilespmem:s14], [sflag:$0x2] =	stream.indirect_vreg.gather [hbm4b:s3+s2], $0x80, v3, vm0, $0xb8;
	[tilespmem:$0x10200] =	vst v63  }
0x126: {  	v3 =	vld [tilespmem:$0x190];
	_ =	sdelay $0x4  }
0x127: {  	v57 =	vshll.u32 v3, $0x1  }
0x128: {  	v3 =	vand.u32 $0x7, v3;
	v4 =	vand.u32 $0xFFFFFFF0, v57  }
0x129: {  	v3 =	vor.u32 v3, v4  }
0x12a: {  	v4 =	vperm.xlane v3, v0;
	_ =	sdelay $0x1  }
0x12b: {  	v3 =	vperm.xlane v3, v2;
	v4 =	vadd.s32 v1, v4;
	_ =	sdelay $0x1  }
0x12c: {  	v3 =	vadd.s32 v1, v3;
	_ =	sdelay $0x2  }
0x12d: {  	[tilespmem:s22], [sflag:$0x2] =	stream.indirect_vreg.gather [hbm4b:s3+s2], $0x80, v4, vm0, $0xb8;
	[tilespmem:$0x10200] =	vst v63  }
0x12e: {  	_ = 	snop  }
0x12f: {  	[tilespmem:s7], [sflag:$0x2] =	stream.indirect_vreg.gather [hbm4b:s3+s2], $0x80, v3, vm0, $0xb8;
	[tilespmem:$0x10200] =	vst v63  }
0x130: {  	v3 =	vld [tilespmem:$0x1A0];
	_ =	sdelay $0x4  }
0x131: {  	v58 =	vshll.u32 v3, $0x1  }
0x132: {  	v3 =	vand.u32 $0x7, v3;
	v4 =	vand.u32 $0xFFFFFFF0, v58  }
0x133: {  	v3 =	vor.u32 v3, v4  }
0x134: {  	v4 =	vperm.xlane v3, v0;
	_ =	sdelay $0x1  }
0x135: {  	v3 =	vperm.xlane v3, v2;
	v4 =	vadd.s32 v1, v4;
	_ =	sdelay $0x1  }
0x136: {  	v3 =	vadd.s32 v1, v3;
	_ =	sdelay $0x2  }
0x137: {  	[tilespmem:s8], [sflag:$0x2] =	stream.indirect_vreg.gather [hbm4b:s3+s2], $0x80, v4, vm0, $0xb8;
	[tilespmem:$0x10200] =	vst v63  }
0x138: {  	_ = 	snop  }
0x139: {  	[tilespmem:s9], [sflag:$0x2] =	stream.indirect_vreg.gather [hbm4b:s3+s2], $0x80, v3, vm0, $0xb8;
	[tilespmem:$0x10200] =	vst v63  }
0x13a: {  	v3 =	vld [tilespmem:$0x1B0];
	_ =	sdelay $0x4  }
0x13b: {  	v59 =	vshll.u32 v3, $0x1  }
0x13c: {  	v3 =	vand.u32 $0x7, v3;
	v4 =	vand.u32 $0xFFFFFFF0, v59  }
0x13d: {  	v3 =	vor.u32 v3, v4  }
0x13e: {  	v4 =	vperm.xlane v3, v0;
	_ =	sdelay $0x1  }
0x13f: {  	v3 =	vperm.xlane v3, v2;
	v4 =	vadd.s32 v1, v4;
	_ =	sdelay $0x1  }
0x140: {  	v3 =	vadd.s32 v1, v3;
	_ =	sdelay $0x2  }
0x141: {  	[tilespmem:s10], [sflag:$0x2] =	stream.indirect_vreg.gather [hbm4b:s3+s2], $0x80, v4, vm0, $0xb8;
	[tilespmem:$0x10200] =	vst v63  }
0x142: {  	_ = 	snop  }
0x143: {  	[tilespmem:s11], [sflag:$0x2] =	stream.indirect_vreg.gather [hbm4b:s3+s2], $0x80, v3, vm0, $0xb8;
	[tilespmem:$0x10200] =	vst v63  }
0x144: {  	v3 =	vld [tilespmem:$0x1C0];
	_ =	sdelay $0x4  }
0x145: {  	v60 =	vshll.u32 v3, $0x1  }
0x146: {  	v3 =	vand.u32 $0x7, v3;
	v4 =	vand.u32 $0xFFFFFFF0, v60  }
0x147: {  	v3 =	vor.u32 v3, v4  }
0x148: {  	v4 =	vperm.xlane v3, v0;
	_ =	sdelay $0x1  }
0x149: {  	v3 =	vperm.xlane v3, v2;
	v4 =	vadd.s32 v1, v4;
	_ =	sdelay $0x1  }
0x14a: {  	v3 =	vadd.s32 v1, v3;
	_ =	sdelay $0x2  }
0x14b: {  	[tilespmem:s6], [sflag:$0x2] =	stream.indirect_vreg.gather [hbm4b:s3+s2], $0x80, v4, vm0, $0xb8;
	[tilespmem:$0x10200] =	vst v63  }
0x14c: {  	s14 =	simm.s32 $0xCA00  }
0x14d: {  	[tilespmem:s14], [sflag:$0x2] =	stream.indirect_vreg.gather [hbm4b:s3+s2], $0x80, v3, vm0, $0xb8;
	[tilespmem:$0x10200] =	vst v63  }
0x14e: {  	v3 =	vld [tilespmem:$0x1D0];
	_ =	sdelay $0x4  }
0x14f: {  	v61 =	vshll.u32 v3, $0x1  }
0x150: {  	v3 =	vand.u32 $0x7, v3;
	v4 =	vand.u32 $0xFFFFFFF0, v61  }
0x151: {  	v3 =	vor.u32 v3, v4  }
0x152: {  	v4 =	vperm.xlane v3, v0;
	_ =	sdelay $0x1  }
0x153: {  	v3 =	vperm.xlane v3, v2;
	v4 =	vadd.s32 v1, v4;
	_ =	sdelay $0x1  }
0x154: {  	v3 =	vadd.s32 v1, v3;
	_ =	sdelay $0x1  }
0x155: {  	s12 =	simm.s32 $0xD200  }
0x156: {  	[tilespmem:s12], [sflag:$0x2] =	stream.indirect_vreg.gather [hbm4b:s3+s2], $0x80, v4, vm0, $0xb8;
	[tilespmem:$0x10200] =	vst v63  }
0x157: {  	s14 =	simm.s32 $0xDA00  }
0x158: {  	[tilespmem:s14], [sflag:$0x2] =	stream.indirect_vreg.gather [hbm4b:s3+s2], $0x80, v3, vm0, $0xb8;
	[tilespmem:$0x10200] =	vst v63  }
0x159: {  	v3 =	vld [tilespmem:$0x1E0];
	_ =	sdelay $0x4  }
0x15a: {  	v62 =	vshll.u32 v3, $0x1  }
0x15b: {  	v3 =	vand.u32 $0x7, v3;
	v4 =	vand.u32 $0xFFFFFFF0, v62  }
0x15c: {  	v3 =	vor.u32 v3, v4  }
0x15d: {  	v4 =	vperm.xlane v3, v0;
	_ =	sdelay $0x1  }
0x15e: {  	v3 =	vperm.xlane v3, v2;
	v4 =	vadd.s32 v1, v4;
	_ =	sdelay $0x1  }
0x15f: {  	v3 =	vadd.s32 v1, v3;
	_ =	sdelay $0x1  }
0x160: {  	s12 =	simm.s32 $0xE200  }
0x161: {  	[tilespmem:s12], [sflag:$0x2] =	stream.indirect_vreg.gather [hbm4b:s3+s2], $0x80, v4, vm0, $0xb8;
	[tilespmem:$0x10200] =	vst v63  }
0x162: {  	s14 =	simm.s32 $0xEA00  }
0x163: {  	[tilespmem:s14], [sflag:$0x2] =	stream.indirect_vreg.gather [hbm4b:s3+s2], $0x80, v3, vm0, $0xb8;
	[tilespmem:$0x10200] =	vst v63  }
0x164: {  	v3 =	vld [tilespmem:$0x1F0];
	_ =	sdelay $0x4  }
0x165: {  	v63 =	vshll.u32 v3, $0x1  }
0x166: {  	v3 =	vand.u32 $0x7, v3;
	v4 =	vand.u32 $0xFFFFFFF0, v63  }
0x167: {  	v3 =	vor.u32 v3, v4  }
0x168: {  	v4 =	vperm.xlane v3, v0;
	_ =	sdelay $0x1  }
0x169: {  	v3 =	vperm.xlane v3, v2;
	v4 =	vadd.s32 v1, v4;
	_ =	sdelay $0x1  }
0x16a: {  	v3 =	vadd.s32 v1, v3;
	_ =	sdelay $0x1  }
0x16b: {  	s12 =	simm.s32 $0xF200  }
0x16c: {  	[tilespmem:s12], [sflag:$0x2] =	stream.indirect_vreg.gather [hbm4b:s3+s2], $0x80, v4, vm0, $0xb8;
	[tilespmem:$0x10200] =	vst v63  }
0x16d: {  	s14 =	simm.s32 $0xFA00  }
0x16e: {  	[tilespmem:s14], [sflag:$0x2] =	stream.indirect_vreg.gather [hbm4b:s3+s2], $0x80, v3, vm0, $0xb8;
	[tilespmem:$0x10200] =	vst v63  }
0x16f: {  	_ =	swait.ge [sflag:s1], $0x8000  }
0x170: {  	[sflag:s1] =	ssyncset.done $0x0  }
0x171: {  	s12 =	simm.s32 $0x200;
	s6 =	rddreg [dreg:$0x5];
	[sflag:s1] =	ssyncadd.s32 $0xFFFF8000  }
0x172: {  	[hbm4b:s6+s2] =	stream.linear.scatter [tilespmem:s12], [sflag:$0x3], $0x8000, $0x38;
	[tilespmem:$0x10200] =	vst v63  }
0x173: {  	_ =	swait.ge [sflag:s5], $0x8000  }
0x174: {  	[sflag:s5] =	ssyncset.done $0x0  }
0x175: {  	[sflag:s5] =	ssyncadd.s32 $0xFFFF8000  }
0x176: {  	_ =	swait.ge [sflag:s13], $0x8000  }
0x177: {  	p0 =	sne.s32 s4, $0x1;
	[sflag:s13] =	ssyncset.done $0x0  }
.Ltmp0:
0x178: {  	s12 =	rddreg [dreg:$0x6];
	[sflag:s13] =	ssyncadd.s32 $0xFFFF8000;
	(pc) =	sbr.rel @p0 .LBB2_1-.Ltmp0, $4  }
0x179: {  	[hbm4b:s12+s2] =	stream.linear.scatter [tilespmem:s0], [sflag:$0x3], $0x8000, $0x38;
	[tilespmem:$0x10200] =	vst v63  }
0x17a: {  	_ =	swait.ge [sflag:s5], $0x8000  }
0x17b: {  	[sflag:s5] =	ssyncset.done $0x0  }
0x17c: {  	s4 =	sadd.s32 $0xFFFFFFFF, s4;
	[sflag:s5] =	ssyncadd.s32 $0xFFFF8000  }
0x17d: {  	_ =	sfence.sel $0x180000  }
0x17e: {  	[bflag:$0x0] =	sbarrier.arrive $0xFFFF  }
0x17f: {  	_ =	strace $0x9000004D  }
0x180: {  	s0 =	stileid.u32;
	[bflag:$0x2] =	sbarrier.arrive $0xFFFF  }
0x181: {  	p0 =	sne.s32 s0, $0x0;
	s0 =	rddreg [dreg:$0x1]  }
0x182: {  	s0 =	sadd.s32 @!p0 $0x100000, s0  }
0x183: {  	[sflag:s0] =	ssyncadd.tile.s32 @!p0 $0x1;
	_ =	shalt  }
.Lfunc_end2:
_tile_overlayer_lowered:
.L_overlay_start_2:
0x184: {  	(tag) =	ssettag $0x2  }
0x185: {  	s0 =	rddreg [dreg:$0x0];
	s2 =	stileid.u32  }
0x186: {  	s1 =	rddreg [dreg:$0x1];
	p0 =	sne.s32 s2, $0x0  }
0x187: {  	s3 =	rddreg [dreg:$0x2];
	[bflag:$0x3] =	sbarrier.arrive $0xFFFF;
	s2 =	simm.s32 @!p0 $0x1C03  }
0x188: {  	[timem:s3], [sflag:s2] =	dma.local @!p0 [hbm:s0], s1  }
0x189: {  	s0 =	simm.s32 @!p0 $0x3  }
0x18a: {  	_ =	swait.ge @!p0 [sflag:s0], s1  }
0x18b: {  	s1 =	ssub.s32 @!p0 $0x0, s1;
	[sflag:s0] =	ssyncset.done @!p0 $0x0  }
0x18c: {  	[sflag:s0] =	ssyncadd.s32 @!p0 s1  }
0x18d: {  	[bflag:$0x3] =	sbarrier.arrive $0xFFFF  }
0x18e: {  	_ =	shalt  }

</sc_bundles>
